<compile_context>
chip_gen: v7x
topology: tpu7x:2x2x1
jax: 0.10.2.dev20260603
libtpu: 0.0.44.dev20260713+nightly
codegen_flags: <defaults>
</compile_context>

<pallas_src>
import functools

import jax
import jax.numpy as jnp
from jax import lax
from jax.experimental import pallas as pl
from jax.experimental.pallas import tpu as pltpu
from jax.experimental.pallas import tpu_sc as plsc

N = 10000
F = 128
H = 128
HH = H // 2
E = 320000

CH = 128
NCH = 160
NCHD = NCH // 2
EPW = NCH * CH
EPAD = 16 * EPW
NACC = 10240
ZR = NACC // 16
WR = 632
NOUT = 16 * WR
G = 2
NG = NCH // G
EPS = 1e-5
BLK = 1000
NB = N // BLK

_mesh = plsc.VectorSubcoreMesh(core_axis_name="c", subcore_axis_name="s")



def _deg_body(dst_hbm, out_hbm, dstv, ones_v, zero_v, dacc):
    c = lax.axis_index("c")
    s = lax.axis_index("s")
    pltpu.sync_copy(dst_hbm.at[s, pl.ds(c * NCHD, NCHD)], dstv)

    one16 = jnp.ones((16,), jnp.float32)
    zro16 = jnp.zeros((16,), jnp.float32)

    @pl.loop(0, 128)
    def _fill(r):
        ones_v[r] = one16
        zero_v[r] = zro16

    @pl.loop(0, ZR // 128)
    def _zero(k):
        pltpu.sync_copy(zero_v, dacc.at[pl.ds(s * ZR + k * 128, 128)])

    plsc.subcore_barrier()

    @pl.loop(0, NCHD)
    def _hist(j):
        pltpu.sync_copy(ones_v, dacc.at[dstv.at[j]], add=True)

    plsc.subcore_barrier()
    pltpu.sync_copy(dacc.at[pl.ds(s * WR, WR)], out_hbm.at[c, pl.ds(s * WR, WR)])


_deg_call = pl.kernel(
    _deg_body,
    out_type=jax.ShapeDtypeStruct((2, NOUT, 16), jnp.float32),
    mesh=_mesh,
    scratch_types=[
        pltpu.VMEM((NCHD, CH), jnp.int32),
        pltpu.VMEM((CH, 16), jnp.float32),
        pltpu.VMEM((CH, 16), jnp.float32),
        pltpu.VMEM_SHARED((NACC, 16), jnp.float32),
    ],
    compiler_params=pltpu.CompilerParams(use_tc_tiling_on_sc=False),
)


def _agg_body(tab_hbm, src_hbm, dst_hbm, out_hbm, srcv, dstv, rows, zero_v, acc,
              gsemA, gsemB):
    c = lax.axis_index("c")
    s = lax.axis_index("s")
    pltpu.sync_copy(src_hbm.at[s], srcv)
    pltpu.sync_copy(dst_hbm.at[s], dstv)

    zro16 = jnp.zeros((16,), jnp.float32)

    @pl.loop(0, 64)
    def _fill(r):
        for q in range(HH // 16):
            zero_v[r, pl.ds(q * 16, 16)] = zro16

    @pl.loop(0, ZR // 64)
    def _zero(k):
        pltpu.sync_copy(zero_v, acc.at[pl.ds(s * ZR + k * 64, 64)])

    plsc.subcore_barrier()
    tab = tab_hbm.at[c]

    def fire_g(g, h, sem):
        for b in range(G):
            pltpu.async_copy(tab.at[srcv.at[g * G + b]], rows.at[h, b], sem)

    def wait_g(g, h, sem):
        for b in range(G):
            pltpu.make_async_copy(tab.at[srcv.at[g * G + b]], rows.at[h, b], sem).wait()

    def scat(g, h):
        for b in range(G):
            pltpu.sync_copy(rows.at[h, b], acc.at[dstv.at[g * G + b]], add=True)

    fire_g(0, 0, gsemA)
    fire_g(1, 1, gsemB)

    @pl.loop(0, NG // 2 - 1)
    def _edges(k):
        g0 = 2 * k
        g1 = 2 * k + 1
        wait_g(g0, 0, gsemA)
        scat(g0, 0)
        fire_g(g0 + 2, 0, gsemA)
        wait_g(g1, 1, gsemB)
        scat(g1, 1)
        fire_g(g1 + 2, 1, gsemB)

    gl = NG - 2
    wait_g(gl, 0, gsemA)
    scat(gl, 0)
    wait_g(gl + 1, 1, gsemB)
    scat(gl + 1, 1)

    plsc.subcore_barrier()
    pltpu.sync_copy(acc.at[pl.ds(s * WR, WR)], out_hbm.at[c, pl.ds(s * WR, WR)])


_agg_call = pl.kernel(
    _agg_body,
    out_type=jax.ShapeDtypeStruct((2, NOUT, HH), jnp.float32),
    mesh=_mesh,
    scratch_types=[
        pltpu.VMEM((NCH, CH), jnp.int32),
        pltpu.VMEM((NCH, CH), jnp.int32),
        pltpu.VMEM((2, G, CH, HH), jnp.float32),
        pltpu.VMEM((64, HH), jnp.float32),
        pltpu.VMEM_SHARED((NACC, HH), jnp.float32),
        pltpu.SemaphoreType.DMA,
        pltpu.SemaphoreType.DMA,
    ],
    compiler_params=pltpu.CompilerParams(use_tc_tiling_on_sc=False),
)



def _prep_kernel(degp_ref, x_ref, w1_ref, hs1_ref, dinv_ref):
    deg = degp_ref[0] + degp_ref[1]
    dinv = lax.rsqrt(deg[:, 0:1] + 1.0)
    h = jnp.dot(x_ref[...], w1_ref[...], preferred_element_type=jnp.float32)
    hs = h * dinv
    hs1_ref[0] = hs[:, :HH]
    hs1_ref[1] = hs[:, HH:]
    dinv_ref[...] = jnp.broadcast_to(dinv, (BLK, 16))


def _prep_call(degp, x, w1):
    return pl.pallas_call(
        _prep_kernel,
        grid=(NB,),
        in_specs=[
            pl.BlockSpec((2, BLK, 16), lambda j: (0, j, 0)),
            pl.BlockSpec((BLK, F), lambda j: (j, 0)),
            pl.BlockSpec((F, H), lambda j: (0, 0)),
        ],
        out_specs=[
            pl.BlockSpec((2, BLK, HH), lambda j: (0, j, 0)),
            pl.BlockSpec((BLK, 16), lambda j: (j, 0)),
        ],
        out_shape=[
            jax.ShapeDtypeStruct((2, N, HH), jnp.float32),
            jax.ShapeDtypeStruct((N, 16), jnp.float32),
        ],
    )(degp, x, w1)


def _bn_kernel(aggp_ref, hs_ref, dinv_ref, b_ref, g_ref, beta_ref, w2_ref,
               out_ref, z_s, stat_s, *, matmul):
    p = pl.program_id(0)
    j = pl.program_id(1)

    @pl.when(p == 0)
    def _stats():
        dinv = dinv_ref[...][:, 0:1]
        hs = jnp.concatenate([hs_ref[0], hs_ref[1]], axis=1)
        agg = jnp.concatenate([aggp_ref[0], aggp_ref[1]], axis=1)
        z = dinv * (agg + hs) + b_ref[...]
        z_s[pl.ds(j * BLK, BLK), :] = z

        @pl.when(j == 0)
        def _init():
            stat_s[...] = jnp.zeros_like(stat_s)

        stat_s[0:1, :] += jnp.sum(z, axis=0, keepdims=True)
        stat_s[1:2, :] += jnp.sum(z * z, axis=0, keepdims=True)

        @pl.when(j == NB - 1)
        def _finalize():
            mu = stat_s[0:1, :] * (1.0 / N)
            var = stat_s[1:2, :] * (1.0 / N) - mu * mu
            a = g_ref[...] * lax.rsqrt(var + EPS)
            stat_s[0:1, :] = a
            stat_s[1:2, :] = beta_ref[...] - a * mu

    @pl.when(p == 1)
    def _apply():
        a = stat_s[0:1, :]
        cshift = stat_s[1:2, :]
        y = a * z_s[pl.ds(j * BLK, BLK), :] + cshift
        if matmul:
            h2 = jnp.dot(y, w2_ref[...], preferred_element_type=jnp.float32)
            hs2 = h2 * dinv_ref[...][:, 0:1]
            out_ref[0] = hs2[:, :HH]
            out_ref[1] = hs2[:, HH:]
        else:
            out_ref[...] = y


def _bn_call(aggp, hs, dinv16, b, g, beta, w2, matmul):
    if matmul:
        out_spec = pl.BlockSpec((2, BLK, HH), lambda p, j: (0, j, 0))
        out_shape = jax.ShapeDtypeStruct((2, N, HH), jnp.float32)
    else:
        out_spec = pl.BlockSpec((BLK, H), lambda p, j: (j, 0))
        out_shape = jax.ShapeDtypeStruct((N, H), jnp.float32)
    return pl.pallas_call(
        functools.partial(_bn_kernel, matmul=matmul),
        grid=(2, NB),
        in_specs=[
            pl.BlockSpec((2, BLK, HH), lambda p, j: (0, j, 0)),
            pl.BlockSpec((2, BLK, HH), lambda p, j: (0, j, 0)),
            pl.BlockSpec((BLK, 16), lambda p, j: (j, 0)),
            pl.BlockSpec((1, H), lambda p, j: (0, 0)),
            pl.BlockSpec((1, H), lambda p, j: (0, 0)),
            pl.BlockSpec((1, H), lambda p, j: (0, 0)),
            pl.BlockSpec((H, H), lambda p, j: (0, 0)),
        ],
        out_specs=out_spec,
        out_shape=out_shape,
        scratch_shapes=[
            pltpu.VMEM((N, H), jnp.float32),
            pltpu.VMEM((2, H), jnp.float32),
        ],
    )(aggp, hs, dinv16, b, g, beta, w2)



def kernel(x, edge_index, W1, b1, g1, beta1, W2, b2, g2, beta2):
    src = edge_index[0]
    dst = edge_index[1]
    npad = EPAD - E
    ar = jnp.arange(npad, dtype=jnp.int32)
    pad_src = (ar * 131) % N
    pad_dst = N + ar % (NACC - N)
    src_p = jnp.concatenate([src, pad_src]).reshape(16, NCH, CH)
    dst_p = jnp.concatenate([dst, pad_dst]).reshape(16, NCH, CH)

    degp = _deg_call(dst_p)
    hs1, dinv16 = _prep_call(degp, x, W1)
    agg1p = _agg_call(hs1, src_p, dst_p)
    hs2 = _bn_call(agg1p, hs1, dinv16, b1.reshape(1, H), g1.reshape(1, H),
                   beta1.reshape(1, H), W2, matmul=True)
    agg2p = _agg_call(hs2, src_p, dst_p)
    out = _bn_call(agg2p, hs2, dinv16, b2.reshape(1, H), g2.reshape(1, H),
                   beta2.reshape(1, H), W2, matmul=False)
    return out

# --- scband reference (transcript-rebuilt; emitter-appended) ---
"""Pipeline reference for scband-gcn-body-bn-84275848282320 (READ-ONLY COPY).

The authoritative reference and input builder live on the scoring server;
editing this copy changes nothing except your own understanding.
"""

import jax, jax.numpy as jnp
import numpy as np

N = 10000
E = 320000
F = 128
H = 128


def setup_inputs(seed: int = 0) -> dict:
    key = jax.random.key(seed)
    ks = jax.random.split(key, 12)
    x = jax.random.normal(ks[0], (N, F), dtype=jnp.float32)
    edge_index = jax.random.randint(ks[1], (2, E), 0, N, dtype=jnp.int32)
    scale1 = 1.0 / np.sqrt(F)
    scale2 = 1.0 / np.sqrt(H)
    W1 = jax.random.uniform(ks[2], (F, H), jnp.float32, -scale1, scale1)
    b1 = jnp.zeros((H,), jnp.float32)
    g1 = jnp.ones((H,), jnp.float32)
    beta1 = jnp.zeros((H,), jnp.float32)
    W2 = jax.random.uniform(ks[3], (H, H), jnp.float32, -scale2, scale2)
    b2 = jnp.zeros((H,), jnp.float32)
    g2 = jnp.ones((H,), jnp.float32)
    beta2 = jnp.zeros((H,), jnp.float32)
    return {"x": x, "edge_index": edge_index, "W1": W1, "b1": b1, "g1": g1, "beta1": beta1, "W2": W2, "b2": b2, "g2": g2, "beta2": beta2}


def gcn_conv(x, edge_index, W, b):
    n = x.shape[0]
    src = edge_index[0]
    dst = edge_index[1]
    loop = jnp.arange(n, dtype=src.dtype)
    src = jnp.concatenate([src, loop])
    dst = jnp.concatenate([dst, loop])
    deg = jnp.zeros((n,), x.dtype).at[dst].add(1.0)
    dinv = jnp.where(deg > 0, jax.lax.rsqrt(deg), 0.0)
    norm = dinv[src] * dinv[dst]
    h = x @ W
    msg = h[src] * norm[:, None]
    out = jax.ops.segment_sum(msg, dst, num_segments=n)
    return out + b


def batchnorm1d(x, gamma, beta, eps=1e-5):
    mu = jnp.mean(x, axis=0)
    var = jnp.mean((x - mu) ** 2, axis=0)
    return gamma * (x - mu) / jnp.sqrt(var + eps) + beta


def reference(x, edge_index, W1, b1, g1, beta1, W2, b2, g2, beta2):
    h = gcn_conv(x, edge_index, W1, b1)
    h = batchnorm1d(h, g1, beta1)
    h = gcn_conv(h, edge_index, W2, b2)
    h = batchnorm1d(h, g2, beta2)
    return h

if __name__ == "__main__":
    import jax
    _d = setup_inputs()
    print(jax.jit(kernel)(*tuple(_d.values())))

</pallas_src>

<mosaic_0001>
#map = affine_map<(d0, d1) -> (0, 0, 0)>
module attributes {stable_mosaic.version = 14 : i64} {
  func.func @_agg_body(%arg0: i32, %arg1: i32, %arg2: memref<2x10000x64xf32, #tpu.memory_space<hbm>>, %arg3: memref<16x160x128xi32, #tpu.memory_space<hbm>>, %arg4: memref<16x160x128xi32, #tpu.memory_space<hbm>>, %arg5: memref<2x10112x64xf32, #tpu.memory_space<hbm>>, %arg6: memref<160x128xi32, #tpu.memory_space<vmem>>, %arg7: memref<160x128xi32, #tpu.memory_space<vmem>>, %arg8: memref<2x2x128x64xf32, #tpu.memory_space<vmem>>, %arg9: memref<64x64xf32, #tpu.memory_space<vmem>>, %arg10: memref<10240x64xf32, #tpu.memory_space<vmem_shared>>, %arg11: memref<!tpu.dma_semaphore, #tpu.memory_space<semaphore_mem>>, %arg12: memref<!tpu.dma_semaphore, #tpu.memory_space<semaphore_mem>>) attributes {dimension_semantics = [#tpu.dimension_semantics<core_parallel>, #tpu.dimension_semantics<subcore_parallel>], iteration_bounds = array<i64: 2, 16>, scalar_prefetch = 0 : i64, scratch_operands = 7 : i64, tpu.core_type = #tpu.core_type<sc_vector_subcore>, window_params = [{transform_indices = #map}, {transform_indices = #map}, {transform_indices = #map}, {transform_indices = #map}]} {
    "tpu.region"() ({
      %run_scoped3A_164 = tpu.sem_alloc : memref<!tpu.dma_semaphore, #tpu.memory_space<semaphore_mem>>
      %dma_start3A_165 = arith.constant 0 : i32
      %dma_start3A_166 = arith.constant 0 : i32
      %dma_start3A_167 = tpu.memref_slice %arg3[%arg1, %dma_start3A_165, %dma_start3A_166] : memref<16x160x128xi32, #tpu.memory_space<hbm>> -> memref<1x160x128xi32, #tpu.memory_space<hbm>>
      %dma_start3A_168 = tpu.memref_squeeze %dma_start3A_167 : memref<1x160x128xi32, #tpu.memory_space<hbm>> -> memref<160x128xi32, #tpu.memory_space<hbm>>
      %dma_start3A_169 = arith.constant 0 : i32
      %dma_start3A_170 = arith.constant 0 : i32
      %dma_start3A_171 = tpu.memref_slice %arg3[%arg1, %dma_start3A_169, %dma_start3A_170] : memref<16x160x128xi32, #tpu.memory_space<hbm>> -> memref<1x160x128xi32, #tpu.memory_space<hbm>>
      %dma_start3A_172 = tpu.memref_squeeze %dma_start3A_171 : memref<1x160x128xi32, #tpu.memory_space<hbm>> -> memref<160x128xi32, #tpu.memory_space<hbm>>
      tpu.enqueue_dma source(%dma_start3A_172 : memref<160x128xi32, #tpu.memory_space<hbm>>) target(%arg6 : memref<160x128xi32, #tpu.memory_space<vmem>>) target_semaphore(%run_scoped3A_164 : memref<!tpu.dma_semaphore, #tpu.memory_space<semaphore_mem>>)
      %dma_wait3A_173 = arith.constant 0 : i32
      %dma_wait3A_174 = arith.constant 0 : i32
      %dma_wait3A_175 = tpu.memref_slice %arg3[%arg1, %dma_wait3A_173, %dma_wait3A_174] : memref<16x160x128xi32, #tpu.memory_space<hbm>> -> memref<1x160x128xi32, #tpu.memory_space<hbm>>
      %dma_wait3A_176 = tpu.memref_squeeze %dma_wait3A_175 : memref<1x160x128xi32, #tpu.memory_space<hbm>> -> memref<160x128xi32, #tpu.memory_space<hbm>>
      %dma_wait3A_177 = arith.constant 0 : i32
      %dma_wait3A_178 = arith.constant 0 : i32
      %dma_wait3A_179 = tpu.memref_slice %arg3[%arg1, %dma_wait3A_177, %dma_wait3A_178] : memref<16x160x128xi32, #tpu.memory_space<hbm>> -> memref<1x160x128xi32, #tpu.memory_space<hbm>>
      %dma_wait3A_180 = tpu.memref_squeeze %dma_wait3A_179 : memref<1x160x128xi32, #tpu.memory_space<hbm>> -> memref<160x128xi32, #tpu.memory_space<hbm>>
      tpu.wait_dma2 semaphore(%run_scoped3A_164 : memref<!tpu.dma_semaphore, #tpu.memory_space<semaphore_mem>>) src(%dma_wait3A_180 : memref<160x128xi32, #tpu.memory_space<hbm>>) dst(%arg6 : memref<160x128xi32, #tpu.memory_space<vmem>>)
      tpu.yield
    }) : () -> ()
    "tpu.region"() ({
      %run_scoped3A_164 = tpu.sem_alloc : memref<!tpu.dma_semaphore, #tpu.memory_space<semaphore_mem>>
      %dma_start3A_165 = arith.constant 0 : i32
      %dma_start3A_166 = arith.constant 0 : i32
      %dma_start3A_167 = tpu.memref_slice %arg4[%arg1, %dma_start3A_165, %dma_start3A_166] : memref<16x160x128xi32, #tpu.memory_space<hbm>> -> memref<1x160x128xi32, #tpu.memory_space<hbm>>
      %dma_start3A_168 = tpu.memref_squeeze %dma_start3A_167 : memref<1x160x128xi32, #tpu.memory_space<hbm>> -> memref<160x128xi32, #tpu.memory_space<hbm>>
      %dma_start3A_169 = arith.constant 0 : i32
      %dma_start3A_170 = arith.constant 0 : i32
      %dma_start3A_171 = tpu.memref_slice %arg4[%arg1, %dma_start3A_169, %dma_start3A_170] : memref<16x160x128xi32, #tpu.memory_space<hbm>> -> memref<1x160x128xi32, #tpu.memory_space<hbm>>
      %dma_start3A_172 = tpu.memref_squeeze %dma_start3A_171 : memref<1x160x128xi32, #tpu.memory_space<hbm>> -> memref<160x128xi32, #tpu.memory_space<hbm>>
      tpu.enqueue_dma source(%dma_start3A_172 : memref<160x128xi32, #tpu.memory_space<hbm>>) target(%arg7 : memref<160x128xi32, #tpu.memory_space<vmem>>) target_semaphore(%run_scoped3A_164 : memref<!tpu.dma_semaphore, #tpu.memory_space<semaphore_mem>>)
      %dma_wait3A_173 = arith.constant 0 : i32
      %dma_wait3A_174 = arith.constant 0 : i32
      %dma_wait3A_175 = tpu.memref_slice %arg4[%arg1, %dma_wait3A_173, %dma_wait3A_174] : memref<16x160x128xi32, #tpu.memory_space<hbm>> -> memref<1x160x128xi32, #tpu.memory_space<hbm>>
      %dma_wait3A_176 = tpu.memref_squeeze %dma_wait3A_175 : memref<1x160x128xi32, #tpu.memory_space<hbm>> -> memref<160x128xi32, #tpu.memory_space<hbm>>
      %dma_wait3A_177 = arith.constant 0 : i32
      %dma_wait3A_178 = arith.constant 0 : i32
      %dma_wait3A_179 = tpu.memref_slice %arg4[%arg1, %dma_wait3A_177, %dma_wait3A_178] : memref<16x160x128xi32, #tpu.memory_space<hbm>> -> memref<1x160x128xi32, #tpu.memory_space<hbm>>
      %dma_wait3A_180 = tpu.memref_squeeze %dma_wait3A_179 : memref<1x160x128xi32, #tpu.memory_space<hbm>> -> memref<160x128xi32, #tpu.memory_space<hbm>>
      tpu.wait_dma2 semaphore(%run_scoped3A_164 : memref<!tpu.dma_semaphore, #tpu.memory_space<semaphore_mem>>) src(%dma_wait3A_180 : memref<160x128xi32, #tpu.memory_space<hbm>>) dst(%arg7 : memref<160x128xi32, #tpu.memory_space<vmem>>)
      tpu.yield
    }) : () -> ()
    %broadcast_in_dim3A = arith.constant 0.000000e+00 : f32
    %broadcast_in_dim3A_0 = vector.broadcast %broadcast_in_dim3A : f32 to vector<16xf32>
    %scan3A = arith.constant 0 : i32
    %scan3A_1 = arith.constant 64 : i32
    %scan3A_2 = arith.addi %scan3A, %scan3A_1 : i32
    %scan3A_3 = arith.constant 1 : i32
    scf.for %scan3A_164 = %scan3A to %scan3A_2 step %scan3A_3  : i32 {
      %mul3A_165 = arith.constant 1 : i32
      %mul3A_166 = arith.muli %scan3A_164, %mul3A_165 : i32
      %add3A = arith.constant 0 : i32
      %add3A_167 = arith.addi %add3A, %mul3A_166 : i32
      %swap3A = arith.index_cast %add3A_167 : i32 to index
      %swap3A_168 = arith.constant 0 : index
      %swap3A_169 = tpu.vector_load %arg9[%swap3A, %swap3A_168] {strides = array<i32>} : memref<64x64xf32, #tpu.memory_space<vmem>>, vector<1x16xf32>,
      %swap3A_170 = vector.shape_cast %swap3A_169 : vector<1x16xf32> to vector<16xf32>
      %swap3A_171 = vector.shape_cast %broadcast_in_dim3A_0 : vector<16xf32> to vector<1x16xf32>
      tpu.vector_store %arg9[%swap3A, %swap3A_168], %swap3A_171 {strides = array<i32>} : memref<64x64xf32, #tpu.memory_space<vmem>>, vector<1x16xf32>,
      %swap3A_172 = arith.index_cast %add3A_167 : i32 to index
      %swap3A_173 = arith.constant 16 : index
      %swap3A_174 = tpu.vector_load %arg9[%swap3A_172, %swap3A_173] {strides = array<i32>} : memref<64x64xf32, #tpu.memory_space<vmem>>, vector<1x16xf32>,
      %swap3A_175 = vector.shape_cast %swap3A_174 : vector<1x16xf32> to vector<16xf32>
      %swap3A_176 = vector.shape_cast %broadcast_in_dim3A_0 : vector<16xf32> to vector<1x16xf32>
      tpu.vector_store %arg9[%swap3A_172, %swap3A_173], %swap3A_176 {strides = array<i32>} : memref<64x64xf32, #tpu.memory_space<vmem>>, vector<1x16xf32>,
      %swap3A_177 = arith.index_cast %add3A_167 : i32 to index
      %swap3A_178 = arith.constant 32 : index
      %swap3A_179 = tpu.vector_load %arg9[%swap3A_177, %swap3A_178] {strides = array<i32>} : memref<64x64xf32, #tpu.memory_space<vmem>>, vector<1x16xf32>,
      %swap3A_180 = vector.shape_cast %swap3A_179 : vector<1x16xf32> to vector<16xf32>
      %swap3A_181 = vector.shape_cast %broadcast_in_dim3A_0 : vector<16xf32> to vector<1x16xf32>
      tpu.vector_store %arg9[%swap3A_177, %swap3A_178], %swap3A_181 {strides = array<i32>} : memref<64x64xf32, #tpu.memory_space<vmem>>, vector<1x16xf32>,
      %swap3A_182 = arith.index_cast %add3A_167 : i32 to index
      %swap3A_183 = arith.constant 48 : index
      %swap3A_184 = tpu.vector_load %arg9[%swap3A_182, %swap3A_183] {strides = array<i32>} : memref<64x64xf32, #tpu.memory_space<vmem>>, vector<1x16xf32>,
      %swap3A_185 = vector.shape_cast %swap3A_184 : vector<1x16xf32> to vector<16xf32>
      %swap3A_186 = vector.shape_cast %broadcast_in_dim3A_0 : vector<16xf32> to vector<1x16xf32>
      tpu.vector_store %arg9[%swap3A_182, %swap3A_183], %swap3A_186 {strides = array<i32>} : memref<64x64xf32, #tpu.memory_space<vmem>>, vector<1x16xf32>,
    }
    %scan3A_4 = arith.constant 64 : i32
    %scan3A_5 = arith.constant 0 : i32
    %scan3A_6 = arith.constant 10 : i32
    %scan3A_7 = arith.addi %scan3A_5, %scan3A_6 : i32
    %scan3A_8 = arith.constant 1 : i32
    scf.for %scan3A_164 = %scan3A_5 to %scan3A_7 step %scan3A_8  : i32 {
      %mul3A_165 = arith.constant 1 : i32
      %mul3A_166 = arith.muli %scan3A_164, %mul3A_165 : i32
      %add3A = arith.constant 0 : i32
      %add3A_167 = arith.addi %add3A, %mul3A_166 : i32
      %mul3A_168 = arith.constant 640 : i32
      %mul3A_169 = arith.muli %arg1, %mul3A_168 : i32
      %mul3A_170 = arith.constant 64 : i32
      %mul3A_171 = arith.muli %add3A_167, %mul3A_170 : i32
      %add3A_172 = arith.addi %mul3A_169, %mul3A_171 : i32
      "tpu.region"() ({
        %run_scoped3A_173 = tpu.sem_alloc : memref<!tpu.dma_semaphore, #tpu.memory_space<semaphore_mem>>
        %dma_start3A_174 = arith.constant 0 : i32
        %dma_start3A_175 = tpu.memref_slice %arg10[%add3A_172, %dma_start3A_174] : memref<10240x64xf32, #tpu.memory_space<vmem_shared>> -> memref<64x64xf32, #tpu.memory_space<vmem_shared>>
        %dma_start3A_176 = arith.constant 0 : i32
        %dma_start3A_177 = tpu.memref_slice %arg10[%add3A_172, %dma_start3A_176] : memref<10240x64xf32, #tpu.memory_space<vmem_shared>> -> memref<64x64xf32, #tpu.memory_space<vmem_shared>>
        tpu.enqueue_dma source(%arg9 : memref<64x64xf32, #tpu.memory_space<vmem>>) target(%dma_start3A_177 : memref<64x64xf32, #tpu.memory_space<vmem_shared>>) target_semaphore(%run_scoped3A_173 : memref<!tpu.dma_semaphore, #tpu.memory_space<semaphore_mem>>)
        %dma_wait3A_178 = arith.constant 0 : i32
        %dma_wait3A_179 = tpu.memref_slice %arg10[%add3A_172, %dma_wait3A_178] : memref<10240x64xf32, #tpu.memory_space<vmem_shared>> -> memref<64x64xf32, #tpu.memory_space<vmem_shared>>
        %dma_wait3A_180 = arith.constant 0 : i32
        %dma_wait3A_181 = tpu.memref_slice %arg10[%add3A_172, %dma_wait3A_180] : memref<10240x64xf32, #tpu.memory_space<vmem_shared>> -> memref<64x64xf32, #tpu.memory_space<vmem_shared>>
        tpu.wait_dma2 semaphore(%run_scoped3A_173 : memref<!tpu.dma_semaphore, #tpu.memory_space<semaphore_mem>>) src(%arg9 : memref<64x64xf32, #tpu.memory_space<vmem>>) dst(%dma_wait3A_181 : memref<64x64xf32, #tpu.memory_space<vmem_shared>>)
        tpu.yield
      }) : () -> ()
    }
    %scan3A_9 = arith.constant 10 : i32
    %barrier3A = arith.constant 0 : index
    tpu.barrier barrier_id(%barrier3A)
    %dma_start3A = arith.constant 0 : i32
    %dma_start3A_10 = arith.constant 0 : i32
    %dma_start3A_11 = arith.constant 0 : i32
    %dma_start3A_12 = arith.constant 0 : i32
    %dma_start3A_13 = arith.constant 0 : i32
    %dma_start3A_14 = tpu.memref_slice %arg8[%dma_start3A_10, %dma_start3A_11, %dma_start3A_12, %dma_start3A_13] : memref<2x2x128x64xf32, #tpu.memory_space<vmem>> -> memref<1x1x128x64xf32, #tpu.memory_space<vmem>>
    %dma_start3A_15 = tpu.memref_squeeze %dma_start3A_14 : memref<1x1x128x64xf32, #tpu.memory_space<vmem>> -> memref<128x64xf32, #tpu.memory_space<vmem>>
    %dma_start3A_16 = arith.constant 0 : i32
    %dma_start3A_17 = tpu.memref_slice %arg6[%dma_start3A, %dma_start3A_16] : memref<160x128xi32, #tpu.memory_space<vmem>> -> memref<1x128xi32, #tpu.memory_space<vmem>>
    %dma_start3A_18 = tpu.memref_squeeze %dma_start3A_17 : memref<1x128xi32, #tpu.memory_space<vmem>> -> memref<128xi32, #tpu.memory_space<vmem>>
    %dma_start3A_19 = arith.constant 0 : i32
    %dma_start3A_20 = arith.constant 0 : i32
    %dma_start3A_21 = tpu.memref_slice %arg2[%arg0, %dma_start3A_19, %dma_start3A_20] : memref<2x10000x64xf32, #tpu.memory_space<hbm>> -> memref<1x10000x64xf32, #tpu.memory_space<hbm>>
    %dma_start3A_22 = tpu.memref_squeeze %dma_start3A_21 : memref<1x10000x64xf32, #tpu.memory_space<hbm>> -> memref<10000x64xf32, #tpu.memory_space<hbm>>
    %dma_start3A_23 = arith.constant 0 : i32
    %dma_start3A_24 = arith.constant 0 : i32
    %dma_start3A_25 = tpu.memref_slice %dma_start3A_22[%dma_start3A_23, %dma_start3A_24] : memref<10000x64xf32, #tpu.memory_space<hbm>> -> memref<10000x64xf32, #tpu.memory_space<hbm>>
    tpu.enqueue_indirect_dma source(%dma_start3A_25 : memref<10000x64xf32, #tpu.memory_space<hbm>>) target(%dma_start3A_15 : memref<128x64xf32, #tpu.memory_space<vmem>>) offsets(%dma_start3A_18 : memref<128xi32, #tpu.memory_space<vmem>>) semaphore(%arg11 : memref<!tpu.dma_semaphore, #tpu.memory_space<semaphore_mem>>)
    %dma_start3A_26 = arith.constant 1 : i32
    %dma_start3A_27 = arith.constant 0 : i32
    %dma_start3A_28 = arith.constant 1 : i32
    %dma_start3A_29 = arith.constant 0 : i32
    %dma_start3A_30 = arith.constant 0 : i32
    %dma_start3A_31 = tpu.memref_slice %arg8[%dma_start3A_27, %dma_start3A_28, %dma_start3A_29, %dma_start3A_30] : memref<2x2x128x64xf32, #tpu.memory_space<vmem>> -> memref<1x1x128x64xf32, #tpu.memory_space<vmem>>
    %dma_start3A_32 = tpu.memref_squeeze %dma_start3A_31 : memref<1x1x128x64xf32, #tpu.memory_space<vmem>> -> memref<128x64xf32, #tpu.memory_space<vmem>>
    %dma_start3A_33 = arith.constant 0 : i32
    %dma_start3A_34 = tpu.memref_slice %arg6[%dma_start3A_26, %dma_start3A_33] : memref<160x128xi32, #tpu.memory_space<vmem>> -> memref<1x128xi32, #tpu.memory_space<vmem>>
    %dma_start3A_35 = tpu.memref_squeeze %dma_start3A_34 : memref<1x128xi32, #tpu.memory_space<vmem>> -> memref<128xi32, #tpu.memory_space<vmem>>
    %dma_start3A_36 = arith.constant 0 : i32
    %dma_start3A_37 = arith.constant 0 : i32
    %dma_start3A_38 = tpu.memref_slice %arg2[%arg0, %dma_start3A_36, %dma_start3A_37] : memref<2x10000x64xf32, #tpu.memory_space<hbm>> -> memref<1x10000x64xf32, #tpu.memory_space<hbm>>
    %dma_start3A_39 = tpu.memref_squeeze %dma_start3A_38 : memref<1x10000x64xf32, #tpu.memory_space<hbm>> -> memref<10000x64xf32, #tpu.memory_space<hbm>>
    %dma_start3A_40 = arith.constant 0 : i32
    %dma_start3A_41 = arith.constant 0 : i32
    %dma_start3A_42 = tpu.memref_slice %dma_start3A_39[%dma_start3A_40, %dma_start3A_41] : memref<10000x64xf32, #tpu.memory_space<hbm>> -> memref<10000x64xf32, #tpu.memory_space<hbm>>
    tpu.enqueue_indirect_dma source(%dma_start3A_42 : memref<10000x64xf32, #tpu.memory_space<hbm>>) target(%dma_start3A_32 : memref<128x64xf32, #tpu.memory_space<vmem>>) offsets(%dma_start3A_35 : memref<128xi32, #tpu.memory_space<vmem>>) semaphore(%arg11 : memref<!tpu.dma_semaphore, #tpu.memory_space<semaphore_mem>>)
    %dma_start3A_43 = arith.constant 2 : i32
    %dma_start3A_44 = arith.constant 1 : i32
    %dma_start3A_45 = arith.constant 0 : i32
    %dma_start3A_46 = arith.constant 0 : i32
    %dma_start3A_47 = arith.constant 0 : i32
    %dma_start3A_48 = tpu.memref_slice %arg8[%dma_start3A_44, %dma_start3A_45, %dma_start3A_46, %dma_start3A_47] : memref<2x2x128x64xf32, #tpu.memory_space<vmem>> -> memref<1x1x128x64xf32, #tpu.memory_space<vmem>>
    %dma_start3A_49 = tpu.memref_squeeze %dma_start3A_48 : memref<1x1x128x64xf32, #tpu.memory_space<vmem>> -> memref<128x64xf32, #tpu.memory_space<vmem>>
    %dma_start3A_50 = arith.constant 0 : i32
    %dma_start3A_51 = tpu.memref_slice %arg6[%dma_start3A_43, %dma_start3A_50] : memref<160x128xi32, #tpu.memory_space<vmem>> -> memref<1x128xi32, #tpu.memory_space<vmem>>
    %dma_start3A_52 = tpu.memref_squeeze %dma_start3A_51 : memref<1x128xi32, #tpu.memory_space<vmem>> -> memref<128xi32, #tpu.memory_space<vmem>>
    %dma_start3A_53 = arith.constant 0 : i32
    %dma_start3A_54 = arith.constant 0 : i32
    %dma_start3A_55 = tpu.memref_slice %arg2[%arg0, %dma_start3A_53, %dma_start3A_54] : memref<2x10000x64xf32, #tpu.memory_space<hbm>> -> memref<1x10000x64xf32, #tpu.memory_space<hbm>>
    %dma_start3A_56 = tpu.memref_squeeze %dma_start3A_55 : memref<1x10000x64xf32, #tpu.memory_space<hbm>> -> memref<10000x64xf32, #tpu.memory_space<hbm>>
    %dma_start3A_57 = arith.constant 0 : i32
    %dma_start3A_58 = arith.constant 0 : i32
    %dma_start3A_59 = tpu.memref_slice %dma_start3A_56[%dma_start3A_57, %dma_start3A_58] : memref<10000x64xf32, #tpu.memory_space<hbm>> -> memref<10000x64xf32, #tpu.memory_space<hbm>>
    tpu.enqueue_indirect_dma source(%dma_start3A_59 : memref<10000x64xf32, #tpu.memory_space<hbm>>) target(%dma_start3A_49 : memref<128x64xf32, #tpu.memory_space<vmem>>) offsets(%dma_start3A_52 : memref<128xi32, #tpu.memory_space<vmem>>) semaphore(%arg12 : memref<!tpu.dma_semaphore, #tpu.memory_space<semaphore_mem>>)
    %dma_start3A_60 = arith.constant 3 : i32
    %dma_start3A_61 = arith.constant 1 : i32
    %dma_start3A_62 = arith.constant 1 : i32
    %dma_start3A_63 = arith.constant 0 : i32
    %dma_start3A_64 = arith.constant 0 : i32
    %dma_start3A_65 = tpu.memref_slice %arg8[%dma_start3A_61, %dma_start3A_62, %dma_start3A_63, %dma_start3A_64] : memref<2x2x128x64xf32, #tpu.memory_space<vmem>> -> memref<1x1x128x64xf32, #tpu.memory_space<vmem>>
    %dma_start3A_66 = tpu.memref_squeeze %dma_start3A_65 : memref<1x1x128x64xf32, #tpu.memory_space<vmem>> -> memref<128x64xf32, #tpu.memory_space<vmem>>
    %dma_start3A_67 = arith.constant 0 : i32
    %dma_start3A_68 = tpu.memref_slice %arg6[%dma_start3A_60, %dma_start3A_67] : memref<160x128xi32, #tpu.memory_space<vmem>> -> memref<1x128xi32, #tpu.memory_space<vmem>>
    %dma_start3A_69 = tpu.memref_squeeze %dma_start3A_68 : memref<1x128xi32, #tpu.memory_space<vmem>> -> memref<128xi32, #tpu.memory_space<vmem>>
    %dma_start3A_70 = arith.constant 0 : i32
    %dma_start3A_71 = arith.constant 0 : i32
    %dma_start3A_72 = tpu.memref_slice %arg2[%arg0, %dma_start3A_70, %dma_start3A_71] : memref<2x10000x64xf32, #tpu.memory_space<hbm>> -> memref<1x10000x64xf32, #tpu.memory_space<hbm>>
    %dma_start3A_73 = tpu.memref_squeeze %dma_start3A_72 : memref<1x10000x64xf32, #tpu.memory_space<hbm>> -> memref<10000x64xf32, #tpu.memory_space<hbm>>
    %dma_start3A_74 = arith.constant 0 : i32
    %dma_start3A_75 = arith.constant 0 : i32
    %dma_start3A_76 = tpu.memref_slice %dma_start3A_73[%dma_start3A_74, %dma_start3A_75] : memref<10000x64xf32, #tpu.memory_space<hbm>> -> memref<10000x64xf32, #tpu.memory_space<hbm>>
    tpu.enqueue_indirect_dma source(%dma_start3A_76 : memref<10000x64xf32, #tpu.memory_space<hbm>>) target(%dma_start3A_66 : memref<128x64xf32, #tpu.memory_space<vmem>>) offsets(%dma_start3A_69 : memref<128xi32, #tpu.memory_space<vmem>>) semaphore(%arg12 : memref<!tpu.dma_semaphore, #tpu.memory_space<semaphore_mem>>)
    %scan3A_77 = arith.constant 0 : i32
    %scan3A_78 = arith.constant 39 : i32
    %scan3A_79 = arith.addi %scan3A_77, %scan3A_78 : i32
    %scan3A_80 = arith.constant 1 : i32
    scf.for %scan3A_164 = %scan3A_77 to %scan3A_79 step %scan3A_80  : i32 {
      %mul3A_165 = arith.constant 1 : i32
      %mul3A_166 = arith.muli %scan3A_164, %mul3A_165 : i32
      %add3A = arith.constant 0 : i32
      %add3A_167 = arith.addi %add3A, %mul3A_166 : i32
      %mul3A_168 = arith.constant 2 : i32
      %mul3A_169 = arith.muli %mul3A_168, %add3A_167 : i32
      %mul3A_170 = arith.constant 2 : i32
      %mul3A_171 = arith.muli %mul3A_170, %add3A_167 : i32
      %add3A_172 = arith.constant 1 : i32
      %add3A_173 = arith.addi %mul3A_171, %add3A_172 : i32
      %mul3A_174 = arith.constant 2 : i32
      %mul3A_175 = arith.muli %mul3A_169, %mul3A_174 : i32
      %add3A_176 = arith.constant 0 : i32
      %add3A_177 = arith.addi %mul3A_175, %add3A_176 : i32
      %dma_wait3A_178 = arith.constant 0 : i32
      %dma_wait3A_179 = arith.constant 0 : i32
      %dma_wait3A_180 = arith.constant 0 : i32
      %dma_wait3A_181 = arith.constant 0 : i32
      %dma_wait3A_182 = tpu.memref_slice %arg8[%dma_wait3A_178, %dma_wait3A_179, %dma_wait3A_180, %dma_wait3A_181] : memref<2x2x128x64xf32, #tpu.memory_space<vmem>> -> memref<1x1x128x64xf32, #tpu.memory_space<vmem>>
      %dma_wait3A_183 = tpu.memref_squeeze %dma_wait3A_182 : memref<1x1x128x64xf32, #tpu.memory_space<vmem>> -> memref<128x64xf32, #tpu.memory_space<vmem>>
      %dma_wait3A_184 = arith.constant 0 : i32
      %dma_wait3A_185 = tpu.memref_slice %arg6[%add3A_177, %dma_wait3A_184] : memref<160x128xi32, #tpu.memory_space<vmem>> -> memref<1x128xi32, #tpu.memory_space<vmem>>
      %dma_wait3A_186 = tpu.memref_squeeze %dma_wait3A_185 : memref<1x128xi32, #tpu.memory_space<vmem>> -> memref<128xi32, #tpu.memory_space<vmem>>
      %dma_wait3A_187 = arith.constant 0 : i32
      %dma_wait3A_188 = arith.constant 0 : i32
      %dma_wait3A_189 = tpu.memref_slice %arg2[%arg0, %dma_wait3A_187, %dma_wait3A_188] : memref<2x10000x64xf32, #tpu.memory_space<hbm>> -> memref<1x10000x64xf32, #tpu.memory_space<hbm>>
      %dma_wait3A_190 = tpu.memref_squeeze %dma_wait3A_189 : memref<1x10000x64xf32, #tpu.memory_space<hbm>> -> memref<10000x64xf32, #tpu.memory_space<hbm>>
      %dma_wait3A_191 = arith.constant 0 : i32
      %dma_wait3A_192 = arith.constant 0 : i32
      %dma_wait3A_193 = tpu.memref_slice %dma_wait3A_190[%dma_wait3A_191, %dma_wait3A_192] : memref<10000x64xf32, #tpu.memory_space<hbm>> -> memref<10000x64xf32, #tpu.memory_space<hbm>>
      tpu.wait_indirect_dma semaphore(%arg11 : memref<!tpu.dma_semaphore, #tpu.memory_space<semaphore_mem>>) src(%dma_wait3A_193 : memref<10000x64xf32, #tpu.memory_space<hbm>>) dst(%dma_wait3A_183 : memref<128x64xf32, #tpu.memory_space<vmem>>)
      %mul3A_194 = arith.constant 2 : i32
      %mul3A_195 = arith.muli %mul3A_169, %mul3A_194 : i32
      %add3A_196 = arith.constant 1 : i32
      %add3A_197 = arith.addi %mul3A_195, %add3A_196 : i32
      %dma_wait3A_198 = arith.constant 0 : i32
      %dma_wait3A_199 = arith.constant 1 : i32
      %dma_wait3A_200 = arith.constant 0 : i32
      %dma_wait3A_201 = arith.constant 0 : i32
      %dma_wait3A_202 = tpu.memref_slice %arg8[%dma_wait3A_198, %dma_wait3A_199, %dma_wait3A_200, %dma_wait3A_201] : memref<2x2x128x64xf32, #tpu.memory_space<vmem>> -> memref<1x1x128x64xf32, #tpu.memory_space<vmem>>
      %dma_wait3A_203 = tpu.memref_squeeze %dma_wait3A_202 : memref<1x1x128x64xf32, #tpu.memory_space<vmem>> -> memref<128x64xf32, #tpu.memory_space<vmem>>
      %dma_wait3A_204 = arith.constant 0 : i32
      %dma_wait3A_205 = tpu.memref_slice %arg6[%add3A_197, %dma_wait3A_204] : memref<160x128xi32, #tpu.memory_space<vmem>> -> memref<1x128xi32, #tpu.memory_space<vmem>>
      %dma_wait3A_206 = tpu.memref_squeeze %dma_wait3A_205 : memref<1x128xi32, #tpu.memory_space<vmem>> -> memref<128xi32, #tpu.memory_space<vmem>>
      %dma_wait3A_207 = arith.constant 0 : i32
      %dma_wait3A_208 = arith.constant 0 : i32
      %dma_wait3A_209 = tpu.memref_slice %arg2[%arg0, %dma_wait3A_207, %dma_wait3A_208] : memref<2x10000x64xf32, #tpu.memory_space<hbm>> -> memref<1x10000x64xf32, #tpu.memory_space<hbm>>
      %dma_wait3A_210 = tpu.memref_squeeze %dma_wait3A_209 : memref<1x10000x64xf32, #tpu.memory_space<hbm>> -> memref<10000x64xf32, #tpu.memory_space<hbm>>
      %dma_wait3A_211 = arith.constant 0 : i32
      %dma_wait3A_212 = arith.constant 0 : i32
      %dma_wait3A_213 = tpu.memref_slice %dma_wait3A_210[%dma_wait3A_211, %dma_wait3A_212] : memref<10000x64xf32, #tpu.memory_space<hbm>> -> memref<10000x64xf32, #tpu.memory_space<hbm>>
      tpu.wait_indirect_dma semaphore(%arg11 : memref<!tpu.dma_semaphore, #tpu.memory_space<semaphore_mem>>) src(%dma_wait3A_213 : memref<10000x64xf32, #tpu.memory_space<hbm>>) dst(%dma_wait3A_203 : memref<128x64xf32, #tpu.memory_space<vmem>>)
      %mul3A_214 = arith.constant 2 : i32
      %mul3A_215 = arith.muli %mul3A_169, %mul3A_214 : i32
      %add3A_216 = arith.constant 0 : i32
      %add3A_217 = arith.addi %mul3A_215, %add3A_216 : i32
      %run_scoped3A_218 = arith.constant 0 : i32
      %run_scoped3A_219 = arith.constant 0 : i32
      "tpu.region"() ({
        %run_scoped3A_362 = tpu.sem_alloc : memref<!tpu.dma_semaphore, #tpu.memory_space<semaphore_mem>>
        %dma_start3A_363 = arith.constant 0 : i32
        %dma_start3A_364 = arith.constant 0 : i32
        %dma_start3A_365 = tpu.memref_slice %arg8[%run_scoped3A_218, %run_scoped3A_219, %dma_start3A_363, %dma_start3A_364] : memref<2x2x128x64xf32, #tpu.memory_space<vmem>> -> memref<1x1x128x64xf32, #tpu.memory_space<vmem>>
        %dma_start3A_366 = tpu.memref_squeeze %dma_start3A_365 : memref<1x1x128x64xf32, #tpu.memory_space<vmem>> -> memref<128x64xf32, #tpu.memory_space<vmem>>
        %dma_start3A_367 = arith.constant 0 : i32
        %dma_start3A_368 = tpu.memref_slice %arg7[%add3A_217, %dma_start3A_367] : memref<160x128xi32, #tpu.memory_space<vmem>> -> memref<1x128xi32, #tpu.memory_space<vmem>>
        %dma_start3A_369 = tpu.memref_squeeze %dma_start3A_368 : memref<1x128xi32, #tpu.memory_space<vmem>> -> memref<128xi32, #tpu.memory_space<vmem>>
        %dma_start3A_370 = arith.constant 0 : i32
        %dma_start3A_371 = arith.constant 0 : i32
        %dma_start3A_372 = tpu.memref_slice %arg10[%dma_start3A_370, %dma_start3A_371] : memref<10240x64xf32, #tpu.memory_space<vmem_shared>> -> memref<10240x64xf32, #tpu.memory_space<vmem_shared>>
        tpu.enqueue_indirect_dma source(%dma_start3A_366 : memref<128x64xf32, #tpu.memory_space<vmem>>) target(%dma_start3A_372 : memref<10240x64xf32, #tpu.memory_space<vmem_shared>>) offsets(%dma_start3A_369 : memref<128xi32, #tpu.memory_space<vmem>>) semaphore(%run_scoped3A_362 : memref<!tpu.dma_semaphore, #tpu.memory_space<semaphore_mem>>) {add = true}
        %dma_wait3A_373 = arith.constant 0 : i32
        %dma_wait3A_374 = arith.constant 0 : i32
        %dma_wait3A_375 = tpu.memref_slice %arg8[%run_scoped3A_218, %run_scoped3A_219, %dma_wait3A_373, %dma_wait3A_374] : memref<2x2x128x64xf32, #tpu.memory_space<vmem>> -> memref<1x1x128x64xf32, #tpu.memory_space<vmem>>
        %dma_wait3A_376 = tpu.memref_squeeze %dma_wait3A_375 : memref<1x1x128x64xf32, #tpu.memory_space<vmem>> -> memref<128x64xf32, #tpu.memory_space<vmem>>
        %dma_wait3A_377 = arith.constant 0 : i32
        %dma_wait3A_378 = tpu.memref_slice %arg7[%add3A_217, %dma_wait3A_377] : memref<160x128xi32, #tpu.memory_space<vmem>> -> memref<1x128xi32, #tpu.memory_space<vmem>>
        %dma_wait3A_379 = tpu.memref_squeeze %dma_wait3A_378 : memref<1x128xi32, #tpu.memory_space<vmem>> -> memref<128xi32, #tpu.memory_space<vmem>>
        %dma_wait3A_380 = arith.constant 0 : i32
        %dma_wait3A_381 = arith.constant 0 : i32
        %dma_wait3A_382 = tpu.memref_slice %arg10[%dma_wait3A_380, %dma_wait3A_381] : memref<10240x64xf32, #tpu.memory_space<vmem_shared>> -> memref<10240x64xf32, #tpu.memory_space<vmem_shared>>
        tpu.wait_indirect_dma semaphore(%run_scoped3A_362 : memref<!tpu.dma_semaphore, #tpu.memory_space<semaphore_mem>>) src(%dma_wait3A_376 : memref<128x64xf32, #tpu.memory_space<vmem>>) dst(%dma_wait3A_382 : memref<10240x64xf32, #tpu.memory_space<vmem_shared>>)
        tpu.yield
      }) : () -> ()
      %mul3A_220 = arith.constant 2 : i32
      %mul3A_221 = arith.muli %mul3A_169, %mul3A_220 : i32
      %add3A_222 = arith.constant 1 : i32
      %add3A_223 = arith.addi %mul3A_221, %add3A_222 : i32
      %run_scoped3A_224 = arith.constant 0 : i32
      %run_scoped3A_225 = arith.constant 1 : i32
      "tpu.region"() ({
        %run_scoped3A_362 = tpu.sem_alloc : memref<!tpu.dma_semaphore, #tpu.memory_space<semaphore_mem>>
        %dma_start3A_363 = arith.constant 0 : i32
        %dma_start3A_364 = arith.constant 0 : i32
        %dma_start3A_365 = tpu.memref_slice %arg8[%run_scoped3A_224, %run_scoped3A_225, %dma_start3A_363, %dma_start3A_364] : memref<2x2x128x64xf32, #tpu.memory_space<vmem>> -> memref<1x1x128x64xf32, #tpu.memory_space<vmem>>
        %dma_start3A_366 = tpu.memref_squeeze %dma_start3A_365 : memref<1x1x128x64xf32, #tpu.memory_space<vmem>> -> memref<128x64xf32, #tpu.memory_space<vmem>>
        %dma_start3A_367 = arith.constant 0 : i32
        %dma_start3A_368 = tpu.memref_slice %arg7[%add3A_223, %dma_start3A_367] : memref<160x128xi32, #tpu.memory_space<vmem>> -> memref<1x128xi32, #tpu.memory_space<vmem>>
        %dma_start3A_369 = tpu.memref_squeeze %dma_start3A_368 : memref<1x128xi32, #tpu.memory_space<vmem>> -> memref<128xi32, #tpu.memory_space<vmem>>
        %dma_start3A_370 = arith.constant 0 : i32
        %dma_start3A_371 = arith.constant 0 : i32
        %dma_start3A_372 = tpu.memref_slice %arg10[%dma_start3A_370, %dma_start3A_371] : memref<10240x64xf32, #tpu.memory_space<vmem_shared>> -> memref<10240x64xf32, #tpu.memory_space<vmem_shared>>
        tpu.enqueue_indirect_dma source(%dma_start3A_366 : memref<128x64xf32, #tpu.memory_space<vmem>>) target(%dma_start3A_372 : memref<10240x64xf32, #tpu.memory_space<vmem_shared>>) offsets(%dma_start3A_369 : memref<128xi32, #tpu.memory_space<vmem>>) semaphore(%run_scoped3A_362 : memref<!tpu.dma_semaphore, #tpu.memory_space<semaphore_mem>>) {add = true}
        %dma_wait3A_373 = arith.constant 0 : i32
        %dma_wait3A_374 = arith.constant 0 : i32
        %dma_wait3A_375 = tpu.memref_slice %arg8[%run_scoped3A_224, %run_scoped3A_225, %dma_wait3A_373, %dma_wait3A_374] : memref<2x2x128x64xf32, #tpu.memory_space<vmem>> -> memref<1x1x128x64xf32, #tpu.memory_space<vmem>>
        %dma_wait3A_376 = tpu.memref_squeeze %dma_wait3A_375 : memref<1x1x128x64xf32, #tpu.memory_space<vmem>> -> memref<128x64xf32, #tpu.memory_space<vmem>>
        %dma_wait3A_377 = arith.constant 0 : i32
        %dma_wait3A_378 = tpu.memref_slice %arg7[%add3A_223, %dma_wait3A_377] : memref<160x128xi32, #tpu.memory_space<vmem>> -> memref<1x128xi32, #tpu.memory_space<vmem>>
        %dma_wait3A_379 = tpu.memref_squeeze %dma_wait3A_378 : memref<1x128xi32, #tpu.memory_space<vmem>> -> memref<128xi32, #tpu.memory_space<vmem>>
        %dma_wait3A_380 = arith.constant 0 : i32
        %dma_wait3A_381 = arith.constant 0 : i32
        %dma_wait3A_382 = tpu.memref_slice %arg10[%dma_wait3A_380, %dma_wait3A_381] : memref<10240x64xf32, #tpu.memory_space<vmem_shared>> -> memref<10240x64xf32, #tpu.memory_space<vmem_shared>>
        tpu.wait_indirect_dma semaphore(%run_scoped3A_362 : memref<!tpu.dma_semaphore, #tpu.memory_space<semaphore_mem>>) src(%dma_wait3A_376 : memref<128x64xf32, #tpu.memory_space<vmem>>) dst(%dma_wait3A_382 : memref<10240x64xf32, #tpu.memory_space<vmem_shared>>)
        tpu.yield
      }) : () -> ()
      %add3A_226 = arith.constant 2 : i32
      %add3A_227 = arith.addi %mul3A_169, %add3A_226 : i32
      %mul3A_228 = arith.constant 2 : i32
      %mul3A_229 = arith.muli %add3A_227, %mul3A_228 : i32
      %add3A_230 = arith.constant 0 : i32
      %add3A_231 = arith.addi %mul3A_229, %add3A_230 : i32
      %dma_start3A_232 = arith.constant 0 : i32
      %dma_start3A_233 = arith.constant 0 : i32
      %dma_start3A_234 = arith.constant 0 : i32
      %dma_start3A_235 = arith.constant 0 : i32
      %dma_start3A_236 = tpu.memref_slice %arg8[%dma_start3A_232, %dma_start3A_233, %dma_start3A_234, %dma_start3A_235] : memref<2x2x128x64xf32, #tpu.memory_space<vmem>> -> memref<1x1x128x64xf32, #tpu.memory_space<vmem>>
      %dma_start3A_237 = tpu.memref_squeeze %dma_start3A_236 : memref<1x1x128x64xf32, #tpu.memory_space<vmem>> -> memref<128x64xf32, #tpu.memory_space<vmem>>
      %dma_start3A_238 = arith.constant 0 : i32
      %dma_start3A_239 = tpu.memref_slice %arg6[%add3A_231, %dma_start3A_238] : memref<160x128xi32, #tpu.memory_space<vmem>> -> memref<1x128xi32, #tpu.memory_space<vmem>>
      %dma_start3A_240 = tpu.memref_squeeze %dma_start3A_239 : memref<1x128xi32, #tpu.memory_space<vmem>> -> memref<128xi32, #tpu.memory_space<vmem>>
      %dma_start3A_241 = arith.constant 0 : i32
      %dma_start3A_242 = arith.constant 0 : i32
      %dma_start3A_243 = tpu.memref_slice %arg2[%arg0, %dma_start3A_241, %dma_start3A_242] : memref<2x10000x64xf32, #tpu.memory_space<hbm>> -> memref<1x10000x64xf32, #tpu.memory_space<hbm>>
      %dma_start3A_244 = tpu.memref_squeeze %dma_start3A_243 : memref<1x10000x64xf32, #tpu.memory_space<hbm>> -> memref<10000x64xf32, #tpu.memory_space<hbm>>
      %dma_start3A_245 = arith.constant 0 : i32
      %dma_start3A_246 = arith.constant 0 : i32
      %dma_start3A_247 = tpu.memref_slice %dma_start3A_244[%dma_start3A_245, %dma_start3A_246] : memref<10000x64xf32, #tpu.memory_space<hbm>> -> memref<10000x64xf32, #tpu.memory_space<hbm>>
      tpu.enqueue_indirect_dma source(%dma_start3A_247 : memref<10000x64xf32, #tpu.memory_space<hbm>>) target(%dma_start3A_237 : memref<128x64xf32, #tpu.memory_space<vmem>>) offsets(%dma_start3A_240 : memref<128xi32, #tpu.memory_space<vmem>>) semaphore(%arg11 : memref<!tpu.dma_semaphore, #tpu.memory_space<semaphore_mem>>)
      %mul3A_248 = arith.constant 2 : i32
      %mul3A_249 = arith.muli %add3A_227, %mul3A_248 : i32
      %add3A_250 = arith.constant 1 : i32
      %add3A_251 = arith.addi %mul3A_249, %add3A_250 : i32
      %dma_start3A_252 = arith.constant 0 : i32
      %dma_start3A_253 = arith.constant 1 : i32
      %dma_start3A_254 = arith.constant 0 : i32
      %dma_start3A_255 = arith.constant 0 : i32
      %dma_start3A_256 = tpu.memref_slice %arg8[%dma_start3A_252, %dma_start3A_253, %dma_start3A_254, %dma_start3A_255] : memref<2x2x128x64xf32, #tpu.memory_space<vmem>> -> memref<1x1x128x64xf32, #tpu.memory_space<vmem>>
      %dma_start3A_257 = tpu.memref_squeeze %dma_start3A_256 : memref<1x1x128x64xf32, #tpu.memory_space<vmem>> -> memref<128x64xf32, #tpu.memory_space<vmem>>
      %dma_start3A_258 = arith.constant 0 : i32
      %dma_start3A_259 = tpu.memref_slice %arg6[%add3A_251, %dma_start3A_258] : memref<160x128xi32, #tpu.memory_space<vmem>> -> memref<1x128xi32, #tpu.memory_space<vmem>>
      %dma_start3A_260 = tpu.memref_squeeze %dma_start3A_259 : memref<1x128xi32, #tpu.memory_space<vmem>> -> memref<128xi32, #tpu.memory_space<vmem>>
      %dma_start3A_261 = arith.constant 0 : i32
      %dma_start3A_262 = arith.constant 0 : i32
      %dma_start3A_263 = tpu.memref_slice %arg2[%arg0, %dma_start3A_261, %dma_start3A_262] : memref<2x10000x64xf32, #tpu.memory_space<hbm>> -> memref<1x10000x64xf32, #tpu.memory_space<hbm>>
      %dma_start3A_264 = tpu.memref_squeeze %dma_start3A_263 : memref<1x10000x64xf32, #tpu.memory_space<hbm>> -> memref<10000x64xf32, #tpu.memory_space<hbm>>
      %dma_start3A_265 = arith.constant 0 : i32
      %dma_start3A_266 = arith.constant 0 : i32
      %dma_start3A_267 = tpu.memref_slice %dma_start3A_264[%dma_start3A_265, %dma_start3A_266] : memref<10000x64xf32, #tpu.memory_space<hbm>> -> memref<10000x64xf32, #tpu.memory_space<hbm>>
      tpu.enqueue_indirect_dma source(%dma_start3A_267 : memref<10000x64xf32, #tpu.memory_space<hbm>>) target(%dma_start3A_257 : memref<128x64xf32, #tpu.memory_space<vmem>>) offsets(%dma_start3A_260 : memref<128xi32, #tpu.memory_space<vmem>>) semaphore(%arg11 : memref<!tpu.dma_semaphore, #tpu.memory_space<semaphore_mem>>)
      %mul3A_268 = arith.constant 2 : i32
      %mul3A_269 = arith.muli %add3A_173, %mul3A_268 : i32
      %add3A_270 = arith.constant 0 : i32
      %add3A_271 = arith.addi %mul3A_269, %add3A_270 : i32
      %dma_wait3A_272 = arith.constant 1 : i32
      %dma_wait3A_273 = arith.constant 0 : i32
      %dma_wait3A_274 = arith.constant 0 : i32
      %dma_wait3A_275 = arith.constant 0 : i32
      %dma_wait3A_276 = tpu.memref_slice %arg8[%dma_wait3A_272, %dma_wait3A_273, %dma_wait3A_274, %dma_wait3A_275] : memref<2x2x128x64xf32, #tpu.memory_space<vmem>> -> memref<1x1x128x64xf32, #tpu.memory_space<vmem>>
      %dma_wait3A_277 = tpu.memref_squeeze %dma_wait3A_276 : memref<1x1x128x64xf32, #tpu.memory_space<vmem>> -> memref<128x64xf32, #tpu.memory_space<vmem>>
      %dma_wait3A_278 = arith.constant 0 : i32
      %dma_wait3A_279 = tpu.memref_slice %arg6[%add3A_271, %dma_wait3A_278] : memref<160x128xi32, #tpu.memory_space<vmem>> -> memref<1x128xi32, #tpu.memory_space<vmem>>
      %dma_wait3A_280 = tpu.memref_squeeze %dma_wait3A_279 : memref<1x128xi32, #tpu.memory_space<vmem>> -> memref<128xi32, #tpu.memory_space<vmem>>
      %dma_wait3A_281 = arith.constant 0 : i32
      %dma_wait3A_282 = arith.constant 0 : i32
      %dma_wait3A_283 = tpu.memref_slice %arg2[%arg0, %dma_wait3A_281, %dma_wait3A_282] : memref<2x10000x64xf32, #tpu.memory_space<hbm>> -> memref<1x10000x64xf32, #tpu.memory_space<hbm>>
      %dma_wait3A_284 = tpu.memref_squeeze %dma_wait3A_283 : memref<1x10000x64xf32, #tpu.memory_space<hbm>> -> memref<10000x64xf32, #tpu.memory_space<hbm>>
      %dma_wait3A_285 = arith.constant 0 : i32
      %dma_wait3A_286 = arith.constant 0 : i32
      %dma_wait3A_287 = tpu.memref_slice %dma_wait3A_284[%dma_wait3A_285, %dma_wait3A_286] : memref<10000x64xf32, #tpu.memory_space<hbm>> -> memref<10000x64xf32, #tpu.memory_space<hbm>>
      tpu.wait_indirect_dma semaphore(%arg12 : memref<!tpu.dma_semaphore, #tpu.memory_space<semaphore_mem>>) src(%dma_wait3A_287 : memref<10000x64xf32, #tpu.memory_space<hbm>>) dst(%dma_wait3A_277 : memref<128x64xf32, #tpu.memory_space<vmem>>)
      %mul3A_288 = arith.constant 2 : i32
      %mul3A_289 = arith.muli %add3A_173, %mul3A_288 : i32
      %add3A_290 = arith.constant 1 : i32
      %add3A_291 = arith.addi %mul3A_289, %add3A_290 : i32
      %dma_wait3A_292 = arith.constant 1 : i32
      %dma_wait3A_293 = arith.constant 1 : i32
      %dma_wait3A_294 = arith.constant 0 : i32
      %dma_wait3A_295 = arith.constant 0 : i32
      %dma_wait3A_296 = tpu.memref_slice %arg8[%dma_wait3A_292, %dma_wait3A_293, %dma_wait3A_294, %dma_wait3A_295] : memref<2x2x128x64xf32, #tpu.memory_space<vmem>> -> memref<1x1x128x64xf32, #tpu.memory_space<vmem>>
      %dma_wait3A_297 = tpu.memref_squeeze %dma_wait3A_296 : memref<1x1x128x64xf32, #tpu.memory_space<vmem>> -> memref<128x64xf32, #tpu.memory_space<vmem>>
      %dma_wait3A_298 = arith.constant 0 : i32
      %dma_wait3A_299 = tpu.memref_slice %arg6[%add3A_291, %dma_wait3A_298] : memref<160x128xi32, #tpu.memory_space<vmem>> -> memref<1x128xi32, #tpu.memory_space<vmem>>
      %dma_wait3A_300 = tpu.memref_squeeze %dma_wait3A_299 : memref<1x128xi32, #tpu.memory_space<vmem>> -> memref<128xi32, #tpu.memory_space<vmem>>
      %dma_wait3A_301 = arith.constant 0 : i32
      %dma_wait3A_302 = arith.constant 0 : i32
      %dma_wait3A_303 = tpu.memref_slice %arg2[%arg0, %dma_wait3A_301, %dma_wait3A_302] : memref<2x10000x64xf32, #tpu.memory_space<hbm>> -> memref<1x10000x64xf32, #tpu.memory_space<hbm>>
      %dma_wait3A_304 = tpu.memref_squeeze %dma_wait3A_303 : memref<1x10000x64xf32, #tpu.memory_space<hbm>> -> memref<10000x64xf32, #tpu.memory_space<hbm>>
      %dma_wait3A_305 = arith.constant 0 : i32
      %dma_wait3A_306 = arith.constant 0 : i32
      %dma_wait3A_307 = tpu.memref_slice %dma_wait3A_304[%dma_wait3A_305, %dma_wait3A_306] : memref<10000x64xf32, #tpu.memory_space<hbm>> -> memref<10000x64xf32, #tpu.memory_space<hbm>>
      tpu.wait_indirect_dma semaphore(%arg12 : memref<!tpu.dma_semaphore, #tpu.memory_space<semaphore_mem>>) src(%dma_wait3A_307 : memref<10000x64xf32, #tpu.memory_space<hbm>>) dst(%dma_wait3A_297 : memref<128x64xf32, #tpu.memory_space<vmem>>)
      %mul3A_308 = arith.constant 2 : i32
      %mul3A_309 = arith.muli %add3A_173, %mul3A_308 : i32
      %add3A_310 = arith.constant 0 : i32
      %add3A_311 = arith.addi %mul3A_309, %add3A_310 : i32
      %run_scoped3A_312 = arith.constant 1 : i32
      %run_scoped3A_313 = arith.constant 0 : i32
      "tpu.region"() ({
        %run_scoped3A_362 = tpu.sem_alloc : memref<!tpu.dma_semaphore, #tpu.memory_space<semaphore_mem>>
        %dma_start3A_363 = arith.constant 0 : i32
        %dma_start3A_364 = arith.constant 0 : i32
        %dma_start3A_365 = tpu.memref_slice %arg8[%run_scoped3A_312, %run_scoped3A_313, %dma_start3A_363, %dma_start3A_364] : memref<2x2x128x64xf32, #tpu.memory_space<vmem>> -> memref<1x1x128x64xf32, #tpu.memory_space<vmem>>
        %dma_start3A_366 = tpu.memref_squeeze %dma_start3A_365 : memref<1x1x128x64xf32, #tpu.memory_space<vmem>> -> memref<128x64xf32, #tpu.memory_space<vmem>>
        %dma_start3A_367 = arith.constant 0 : i32
        %dma_start3A_368 = tpu.memref_slice %arg7[%add3A_311, %dma_start3A_367] : memref<160x128xi32, #tpu.memory_space<vmem>> -> memref<1x128xi32, #tpu.memory_space<vmem>>
        %dma_start3A_369 = tpu.memref_squeeze %dma_start3A_368 : memref<1x128xi32, #tpu.memory_space<vmem>> -> memref<128xi32, #tpu.memory_space<vmem>>
        %dma_start3A_370 = arith.constant 0 : i32
        %dma_start3A_371 = arith.constant 0 : i32
        %dma_start3A_372 = tpu.memref_slice %arg10[%dma_start3A_370, %dma_start3A_371] : memref<10240x64xf32, #tpu.memory_space<vmem_shared>> -> memref<10240x64xf32, #tpu.memory_space<vmem_shared>>
        tpu.enqueue_indirect_dma source(%dma_start3A_366 : memref<128x64xf32, #tpu.memory_space<vmem>>) target(%dma_start3A_372 : memref<10240x64xf32, #tpu.memory_space<vmem_shared>>) offsets(%dma_start3A_369 : memref<128xi32, #tpu.memory_space<vmem>>) semaphore(%run_scoped3A_362 : memref<!tpu.dma_semaphore, #tpu.memory_space<semaphore_mem>>) {add = true}
        %dma_wait3A_373 = arith.constant 0 : i32
        %dma_wait3A_374 = arith.constant 0 : i32
        %dma_wait3A_375 = tpu.memref_slice %arg8[%run_scoped3A_312, %run_scoped3A_313, %dma_wait3A_373, %dma_wait3A_374] : memref<2x2x128x64xf32, #tpu.memory_space<vmem>> -> memref<1x1x128x64xf32, #tpu.memory_space<vmem>>
        %dma_wait3A_376 = tpu.memref_squeeze %dma_wait3A_375 : memref<1x1x128x64xf32, #tpu.memory_space<vmem>> -> memref<128x64xf32, #tpu.memory_space<vmem>>
        %dma_wait3A_377 = arith.constant 0 : i32
        %dma_wait3A_378 = tpu.memref_slice %arg7[%add3A_311, %dma_wait3A_377] : memref<160x128xi32, #tpu.memory_space<vmem>> -> memref<1x128xi32, #tpu.memory_space<vmem>>
        %dma_wait3A_379 = tpu.memref_squeeze %dma_wait3A_378 : memref<1x128xi32, #tpu.memory_space<vmem>> -> memref<128xi32, #tpu.memory_space<vmem>>
        %dma_wait3A_380 = arith.constant 0 : i32
        %dma_wait3A_381 = arith.constant 0 : i32
        %dma_wait3A_382 = tpu.memref_slice %arg10[%dma_wait3A_380, %dma_wait3A_381] : memref<10240x64xf32, #tpu.memory_space<vmem_shared>> -> memref<10240x64xf32, #tpu.memory_space<vmem_shared>>
        tpu.wait_indirect_dma semaphore(%run_scoped3A_362 : memref<!tpu.dma_semaphore, #tpu.memory_space<semaphore_mem>>) src(%dma_wait3A_376 : memref<128x64xf32, #tpu.memory_space<vmem>>) dst(%dma_wait3A_382 : memref<10240x64xf32, #tpu.memory_space<vmem_shared>>)
        tpu.yield
      }) : () -> ()
      %mul3A_314 = arith.constant 2 : i32
      %mul3A_315 = arith.muli %add3A_173, %mul3A_314 : i32
      %add3A_316 = arith.constant 1 : i32
      %add3A_317 = arith.addi %mul3A_315, %add3A_316 : i32
      %run_scoped3A_318 = arith.constant 1 : i32
      %run_scoped3A_319 = arith.constant 1 : i32
      "tpu.region"() ({
        %run_scoped3A_362 = tpu.sem_alloc : memref<!tpu.dma_semaphore, #tpu.memory_space<semaphore_mem>>
        %dma_start3A_363 = arith.constant 0 : i32
        %dma_start3A_364 = arith.constant 0 : i32
        %dma_start3A_365 = tpu.memref_slice %arg8[%run_scoped3A_318, %run_scoped3A_319, %dma_start3A_363, %dma_start3A_364] : memref<2x2x128x64xf32, #tpu.memory_space<vmem>> -> memref<1x1x128x64xf32, #tpu.memory_space<vmem>>
        %dma_start3A_366 = tpu.memref_squeeze %dma_start3A_365 : memref<1x1x128x64xf32, #tpu.memory_space<vmem>> -> memref<128x64xf32, #tpu.memory_space<vmem>>
        %dma_start3A_367 = arith.constant 0 : i32
        %dma_start3A_368 = tpu.memref_slice %arg7[%add3A_317, %dma_start3A_367] : memref<160x128xi32, #tpu.memory_space<vmem>> -> memref<1x128xi32, #tpu.memory_space<vmem>>
        %dma_start3A_369 = tpu.memref_squeeze %dma_start3A_368 : memref<1x128xi32, #tpu.memory_space<vmem>> -> memref<128xi32, #tpu.memory_space<vmem>>
        %dma_start3A_370 = arith.constant 0 : i32
        %dma_start3A_371 = arith.constant 0 : i32
        %dma_start3A_372 = tpu.memref_slice %arg10[%dma_start3A_370, %dma_start3A_371] : memref<10240x64xf32, #tpu.memory_space<vmem_shared>> -> memref<10240x64xf32, #tpu.memory_space<vmem_shared>>
        tpu.enqueue_indirect_dma source(%dma_start3A_366 : memref<128x64xf32, #tpu.memory_space<vmem>>) target(%dma_start3A_372 : memref<10240x64xf32, #tpu.memory_space<vmem_shared>>) offsets(%dma_start3A_369 : memref<128xi32, #tpu.memory_space<vmem>>) semaphore(%run_scoped3A_362 : memref<!tpu.dma_semaphore, #tpu.memory_space<semaphore_mem>>) {add = true}
        %dma_wait3A_373 = arith.constant 0 : i32
        %dma_wait3A_374 = arith.constant 0 : i32
        %dma_wait3A_375 = tpu.memref_slice %arg8[%run_scoped3A_318, %run_scoped3A_319, %dma_wait3A_373, %dma_wait3A_374] : memref<2x2x128x64xf32, #tpu.memory_space<vmem>> -> memref<1x1x128x64xf32, #tpu.memory_space<vmem>>
        %dma_wait3A_376 = tpu.memref_squeeze %dma_wait3A_375 : memref<1x1x128x64xf32, #tpu.memory_space<vmem>> -> memref<128x64xf32, #tpu.memory_space<vmem>>
        %dma_wait3A_377 = arith.constant 0 : i32
        %dma_wait3A_378 = tpu.memref_slice %arg7[%add3A_317, %dma_wait3A_377] : memref<160x128xi32, #tpu.memory_space<vmem>> -> memref<1x128xi32, #tpu.memory_space<vmem>>
        %dma_wait3A_379 = tpu.memref_squeeze %dma_wait3A_378 : memref<1x128xi32, #tpu.memory_space<vmem>> -> memref<128xi32, #tpu.memory_space<vmem>>
        %dma_wait3A_380 = arith.constant 0 : i32
        %dma_wait3A_381 = arith.constant 0 : i32
        %dma_wait3A_382 = tpu.memref_slice %arg10[%dma_wait3A_380, %dma_wait3A_381] : memref<10240x64xf32, #tpu.memory_space<vmem_shared>> -> memref<10240x64xf32, #tpu.memory_space<vmem_shared>>
        tpu.wait_indirect_dma semaphore(%run_scoped3A_362 : memref<!tpu.dma_semaphore, #tpu.memory_space<semaphore_mem>>) src(%dma_wait3A_376 : memref<128x64xf32, #tpu.memory_space<vmem>>) dst(%dma_wait3A_382 : memref<10240x64xf32, #tpu.memory_space<vmem_shared>>)
        tpu.yield
      }) : () -> ()
      %add3A_320 = arith.constant 2 : i32
      %add3A_321 = arith.addi %add3A_173, %add3A_320 : i32
      %mul3A_322 = arith.constant 2 : i32
      %mul3A_323 = arith.muli %add3A_321, %mul3A_322 : i32
      %add3A_324 = arith.constant 0 : i32
      %add3A_325 = arith.addi %mul3A_323, %add3A_324 : i32
      %dma_start3A_326 = arith.constant 1 : i32
      %dma_start3A_327 = arith.constant 0 : i32
      %dma_start3A_328 = arith.constant 0 : i32
      %dma_start3A_329 = arith.constant 0 : i32
      %dma_start3A_330 = tpu.memref_slice %arg8[%dma_start3A_326, %dma_start3A_327, %dma_start3A_328, %dma_start3A_329] : memref<2x2x128x64xf32, #tpu.memory_space<vmem>> -> memref<1x1x128x64xf32, #tpu.memory_space<vmem>>
      %dma_start3A_331 = tpu.memref_squeeze %dma_start3A_330 : memref<1x1x128x64xf32, #tpu.memory_space<vmem>> -> memref<128x64xf32, #tpu.memory_space<vmem>>
      %dma_start3A_332 = arith.constant 0 : i32
      %dma_start3A_333 = tpu.memref_slice %arg6[%add3A_325, %dma_start3A_332] : memref<160x128xi32, #tpu.memory_space<vmem>> -> memref<1x128xi32, #tpu.memory_space<vmem>>
      %dma_start3A_334 = tpu.memref_squeeze %dma_start3A_333 : memref<1x128xi32, #tpu.memory_space<vmem>> -> memref<128xi32, #tpu.memory_space<vmem>>
      %dma_start3A_335 = arith.constant 0 : i32
      %dma_start3A_336 = arith.constant 0 : i32
      %dma_start3A_337 = tpu.memref_slice %arg2[%arg0, %dma_start3A_335, %dma_start3A_336] : memref<2x10000x64xf32, #tpu.memory_space<hbm>> -> memref<1x10000x64xf32, #tpu.memory_space<hbm>>
      %dma_start3A_338 = tpu.memref_squeeze %dma_start3A_337 : memref<1x10000x64xf32, #tpu.memory_space<hbm>> -> memref<10000x64xf32, #tpu.memory_space<hbm>>
      %dma_start3A_339 = arith.constant 0 : i32
      %dma_start3A_340 = arith.constant 0 : i32
      %dma_start3A_341 = tpu.memref_slice %dma_start3A_338[%dma_start3A_339, %dma_start3A_340] : memref<10000x64xf32, #tpu.memory_space<hbm>> -> memref<10000x64xf32, #tpu.memory_space<hbm>>
      tpu.enqueue_indirect_dma source(%dma_start3A_341 : memref<10000x64xf32, #tpu.memory_space<hbm>>) target(%dma_start3A_331 : memref<128x64xf32, #tpu.memory_space<vmem>>) offsets(%dma_start3A_334 : memref<128xi32, #tpu.memory_space<vmem>>) semaphore(%arg12 : memref<!tpu.dma_semaphore, #tpu.memory_space<semaphore_mem>>)
      %mul3A_342 = arith.constant 2 : i32
      %mul3A_343 = arith.muli %add3A_321, %mul3A_342 : i32
      %add3A_344 = arith.constant 1 : i32
      %add3A_345 = arith.addi %mul3A_343, %add3A_344 : i32
      %dma_start3A_346 = arith.constant 1 : i32
      %dma_start3A_347 = arith.constant 1 : i32
      %dma_start3A_348 = arith.constant 0 : i32
      %dma_start3A_349 = arith.constant 0 : i32
      %dma_start3A_350 = tpu.memref_slice %arg8[%dma_start3A_346, %dma_start3A_347, %dma_start3A_348, %dma_start3A_349] : memref<2x2x128x64xf32, #tpu.memory_space<vmem>> -> memref<1x1x128x64xf32, #tpu.memory_space<vmem>>
      %dma_start3A_351 = tpu.memref_squeeze %dma_start3A_350 : memref<1x1x128x64xf32, #tpu.memory_space<vmem>> -> memref<128x64xf32, #tpu.memory_space<vmem>>
      %dma_start3A_352 = arith.constant 0 : i32
      %dma_start3A_353 = tpu.memref_slice %arg6[%add3A_345, %dma_start3A_352] : memref<160x128xi32, #tpu.memory_space<vmem>> -> memref<1x128xi32, #tpu.memory_space<vmem>>
      %dma_start3A_354 = tpu.memref_squeeze %dma_start3A_353 : memref<1x128xi32, #tpu.memory_space<vmem>> -> memref<128xi32, #tpu.memory_space<vmem>>
      %dma_start3A_355 = arith.constant 0 : i32
      %dma_start3A_356 = arith.constant 0 : i32
      %dma_start3A_357 = tpu.memref_slice %arg2[%arg0, %dma_start3A_355, %dma_start3A_356] : memref<2x10000x64xf32, #tpu.memory_space<hbm>> -> memref<1x10000x64xf32, #tpu.memory_space<hbm>>
      %dma_start3A_358 = tpu.memref_squeeze %dma_start3A_357 : memref<1x10000x64xf32, #tpu.memory_space<hbm>> -> memref<10000x64xf32, #tpu.memory_space<hbm>>
      %dma_start3A_359 = arith.constant 0 : i32
      %dma_start3A_360 = arith.constant 0 : i32
      %dma_start3A_361 = tpu.memref_slice %dma_start3A_358[%dma_start3A_359, %dma_start3A_360] : memref<10000x64xf32, #tpu.memory_space<hbm>> -> memref<10000x64xf32, #tpu.memory_space<hbm>>
      tpu.enqueue_indirect_dma source(%dma_start3A_361 : memref<10000x64xf32, #tpu.memory_space<hbm>>) target(%dma_start3A_351 : memref<128x64xf32, #tpu.memory_space<vmem>>) offsets(%dma_start3A_354 : memref<128xi32, #tpu.memory_space<vmem>>) semaphore(%arg12 : memref<!tpu.dma_semaphore, #tpu.memory_space<semaphore_mem>>)
    }
    %scan3A_81 = arith.constant 39 : i32
    %dma_wait3A = arith.constant 156 : i32
    %dma_wait3A_82 = arith.constant 0 : i32
    %dma_wait3A_83 = arith.constant 0 : i32
    %dma_wait3A_84 = arith.constant 0 : i32
    %dma_wait3A_85 = arith.constant 0 : i32
    %dma_wait3A_86 = tpu.memref_slice %arg8[%dma_wait3A_82, %dma_wait3A_83, %dma_wait3A_84, %dma_wait3A_85] : memref<2x2x128x64xf32, #tpu.memory_space<vmem>> -> memref<1x1x128x64xf32, #tpu.memory_space<vmem>>
    %dma_wait3A_87 = tpu.memref_squeeze %dma_wait3A_86 : memref<1x1x128x64xf32, #tpu.memory_space<vmem>> -> memref<128x64xf32, #tpu.memory_space<vmem>>
    %dma_wait3A_88 = arith.constant 0 : i32
    %dma_wait3A_89 = tpu.memref_slice %arg6[%dma_wait3A, %dma_wait3A_88] : memref<160x128xi32, #tpu.memory_space<vmem>> -> memref<1x128xi32, #tpu.memory_space<vmem>>
    %dma_wait3A_90 = tpu.memref_squeeze %dma_wait3A_89 : memref<1x128xi32, #tpu.memory_space<vmem>> -> memref<128xi32, #tpu.memory_space<vmem>>
    %dma_wait3A_91 = arith.constant 0 : i32
    %dma_wait3A_92 = arith.constant 0 : i32
    %dma_wait3A_93 = tpu.memref_slice %arg2[%arg0, %dma_wait3A_91, %dma_wait3A_92] : memref<2x10000x64xf32, #tpu.memory_space<hbm>> -> memref<1x10000x64xf32, #tpu.memory_space<hbm>>
    %dma_wait3A_94 = tpu.memref_squeeze %dma_wait3A_93 : memref<1x10000x64xf32, #tpu.memory_space<hbm>> -> memref<10000x64xf32, #tpu.memory_space<hbm>>
    %dma_wait3A_95 = arith.constant 0 : i32
    %dma_wait3A_96 = arith.constant 0 : i32
    %dma_wait3A_97 = tpu.memref_slice %dma_wait3A_94[%dma_wait3A_95, %dma_wait3A_96] : memref<10000x64xf32, #tpu.memory_space<hbm>> -> memref<10000x64xf32, #tpu.memory_space<hbm>>
    tpu.wait_indirect_dma semaphore(%arg11 : memref<!tpu.dma_semaphore, #tpu.memory_space<semaphore_mem>>) src(%dma_wait3A_97 : memref<10000x64xf32, #tpu.memory_space<hbm>>) dst(%dma_wait3A_87 : memref<128x64xf32, #tpu.memory_space<vmem>>)
    %dma_wait3A_98 = arith.constant 157 : i32
    %dma_wait3A_99 = arith.constant 0 : i32
    %dma_wait3A_100 = arith.constant 1 : i32
    %dma_wait3A_101 = arith.constant 0 : i32
    %dma_wait3A_102 = arith.constant 0 : i32
    %dma_wait3A_103 = tpu.memref_slice %arg8[%dma_wait3A_99, %dma_wait3A_100, %dma_wait3A_101, %dma_wait3A_102] : memref<2x2x128x64xf32, #tpu.memory_space<vmem>> -> memref<1x1x128x64xf32, #tpu.memory_space<vmem>>
    %dma_wait3A_104 = tpu.memref_squeeze %dma_wait3A_103 : memref<1x1x128x64xf32, #tpu.memory_space<vmem>> -> memref<128x64xf32, #tpu.memory_space<vmem>>
    %dma_wait3A_105 = arith.constant 0 : i32
    %dma_wait3A_106 = tpu.memref_slice %arg6[%dma_wait3A_98, %dma_wait3A_105] : memref<160x128xi32, #tpu.memory_space<vmem>> -> memref<1x128xi32, #tpu.memory_space<vmem>>
    %dma_wait3A_107 = tpu.memref_squeeze %dma_wait3A_106 : memref<1x128xi32, #tpu.memory_space<vmem>> -> memref<128xi32, #tpu.memory_space<vmem>>
    %dma_wait3A_108 = arith.constant 0 : i32
    %dma_wait3A_109 = arith.constant 0 : i32
    %dma_wait3A_110 = tpu.memref_slice %arg2[%arg0, %dma_wait3A_108, %dma_wait3A_109] : memref<2x10000x64xf32, #tpu.memory_space<hbm>> -> memref<1x10000x64xf32, #tpu.memory_space<hbm>>
    %dma_wait3A_111 = tpu.memref_squeeze %dma_wait3A_110 : memref<1x10000x64xf32, #tpu.memory_space<hbm>> -> memref<10000x64xf32, #tpu.memory_space<hbm>>
    %dma_wait3A_112 = arith.constant 0 : i32
    %dma_wait3A_113 = arith.constant 0 : i32
    %dma_wait3A_114 = tpu.memref_slice %dma_wait3A_111[%dma_wait3A_112, %dma_wait3A_113] : memref<10000x64xf32, #tpu.memory_space<hbm>> -> memref<10000x64xf32, #tpu.memory_space<hbm>>
    tpu.wait_indirect_dma semaphore(%arg11 : memref<!tpu.dma_semaphore, #tpu.memory_space<semaphore_mem>>) src(%dma_wait3A_114 : memref<10000x64xf32, #tpu.memory_space<hbm>>) dst(%dma_wait3A_104 : memref<128x64xf32, #tpu.memory_space<vmem>>)
    %run_scoped3A = arith.constant 0 : i32
    %run_scoped3A_115 = arith.constant 0 : i32
    %run_scoped3A_116 = arith.constant 156 : i32
    "tpu.region"() ({
      %run_scoped3A_164 = tpu.sem_alloc : memref<!tpu.dma_semaphore, #tpu.memory_space<semaphore_mem>>
      %dma_start3A_165 = arith.constant 0 : i32
      %dma_start3A_166 = arith.constant 0 : i32
      %dma_start3A_167 = tpu.memref_slice %arg8[%run_scoped3A, %run_scoped3A_115, %dma_start3A_165, %dma_start3A_166] : memref<2x2x128x64xf32, #tpu.memory_space<vmem>> -> memref<1x1x128x64xf32, #tpu.memory_space<vmem>>
      %dma_start3A_168 = tpu.memref_squeeze %dma_start3A_167 : memref<1x1x128x64xf32, #tpu.memory_space<vmem>> -> memref<128x64xf32, #tpu.memory_space<vmem>>
      %dma_start3A_169 = arith.constant 0 : i32
      %dma_start3A_170 = tpu.memref_slice %arg7[%run_scoped3A_116, %dma_start3A_169] : memref<160x128xi32, #tpu.memory_space<vmem>> -> memref<1x128xi32, #tpu.memory_space<vmem>>
      %dma_start3A_171 = tpu.memref_squeeze %dma_start3A_170 : memref<1x128xi32, #tpu.memory_space<vmem>> -> memref<128xi32, #tpu.memory_space<vmem>>
      %dma_start3A_172 = arith.constant 0 : i32
      %dma_start3A_173 = arith.constant 0 : i32
      %dma_start3A_174 = tpu.memref_slice %arg10[%dma_start3A_172, %dma_start3A_173] : memref<10240x64xf32, #tpu.memory_space<vmem_shared>> -> memref<10240x64xf32, #tpu.memory_space<vmem_shared>>
      tpu.enqueue_indirect_dma source(%dma_start3A_168 : memref<128x64xf32, #tpu.memory_space<vmem>>) target(%dma_start3A_174 : memref<10240x64xf32, #tpu.memory_space<vmem_shared>>) offsets(%dma_start3A_171 : memref<128xi32, #tpu.memory_space<vmem>>) semaphore(%run_scoped3A_164 : memref<!tpu.dma_semaphore, #tpu.memory_space<semaphore_mem>>) {add = true}
      %dma_wait3A_175 = arith.constant 0 : i32
      %dma_wait3A_176 = arith.constant 0 : i32
      %dma_wait3A_177 = tpu.memref_slice %arg8[%run_scoped3A, %run_scoped3A_115, %dma_wait3A_175, %dma_wait3A_176] : memref<2x2x128x64xf32, #tpu.memory_space<vmem>> -> memref<1x1x128x64xf32, #tpu.memory_space<vmem>>
      %dma_wait3A_178 = tpu.memref_squeeze %dma_wait3A_177 : memref<1x1x128x64xf32, #tpu.memory_space<vmem>> -> memref<128x64xf32, #tpu.memory_space<vmem>>
      %dma_wait3A_179 = arith.constant 0 : i32
      %dma_wait3A_180 = tpu.memref_slice %arg7[%run_scoped3A_116, %dma_wait3A_179] : memref<160x128xi32, #tpu.memory_space<vmem>> -> memref<1x128xi32, #tpu.memory_space<vmem>>
      %dma_wait3A_181 = tpu.memref_squeeze %dma_wait3A_180 : memref<1x128xi32, #tpu.memory_space<vmem>> -> memref<128xi32, #tpu.memory_space<vmem>>
      %dma_wait3A_182 = arith.constant 0 : i32
      %dma_wait3A_183 = arith.constant 0 : i32
      %dma_wait3A_184 = tpu.memref_slice %arg10[%dma_wait3A_182, %dma_wait3A_183] : memref<10240x64xf32, #tpu.memory_space<vmem_shared>> -> memref<10240x64xf32, #tpu.memory_space<vmem_shared>>
      tpu.wait_indirect_dma semaphore(%run_scoped3A_164 : memref<!tpu.dma_semaphore, #tpu.memory_space<semaphore_mem>>) src(%dma_wait3A_178 : memref<128x64xf32, #tpu.memory_space<vmem>>) dst(%dma_wait3A_184 : memref<10240x64xf32, #tpu.memory_space<vmem_shared>>)
      tpu.yield
    }) : () -> ()
    %run_scoped3A_117 = arith.constant 0 : i32
    %run_scoped3A_118 = arith.constant 1 : i32
    %run_scoped3A_119 = arith.constant 157 : i32
    "tpu.region"() ({
      %run_scoped3A_164 = tpu.sem_alloc : memref<!tpu.dma_semaphore, #tpu.memory_space<semaphore_mem>>
      %dma_start3A_165 = arith.constant 0 : i32
      %dma_start3A_166 = arith.constant 0 : i32
      %dma_start3A_167 = tpu.memref_slice %arg8[%run_scoped3A_117, %run_scoped3A_118, %dma_start3A_165, %dma_start3A_166] : memref<2x2x128x64xf32, #tpu.memory_space<vmem>> -> memref<1x1x128x64xf32, #tpu.memory_space<vmem>>
      %dma_start3A_168 = tpu.memref_squeeze %dma_start3A_167 : memref<1x1x128x64xf32, #tpu.memory_space<vmem>> -> memref<128x64xf32, #tpu.memory_space<vmem>>
      %dma_start3A_169 = arith.constant 0 : i32
      %dma_start3A_170 = tpu.memref_slice %arg7[%run_scoped3A_119, %dma_start3A_169] : memref<160x128xi32, #tpu.memory_space<vmem>> -> memref<1x128xi32, #tpu.memory_space<vmem>>
      %dma_start3A_171 = tpu.memref_squeeze %dma_start3A_170 : memref<1x128xi32, #tpu.memory_space<vmem>> -> memref<128xi32, #tpu.memory_space<vmem>>
      %dma_start3A_172 = arith.constant 0 : i32
      %dma_start3A_173 = arith.constant 0 : i32
      %dma_start3A_174 = tpu.memref_slice %arg10[%dma_start3A_172, %dma_start3A_173] : memref<10240x64xf32, #tpu.memory_space<vmem_shared>> -> memref<10240x64xf32, #tpu.memory_space<vmem_shared>>
      tpu.enqueue_indirect_dma source(%dma_start3A_168 : memref<128x64xf32, #tpu.memory_space<vmem>>) target(%dma_start3A_174 : memref<10240x64xf32, #tpu.memory_space<vmem_shared>>) offsets(%dma_start3A_171 : memref<128xi32, #tpu.memory_space<vmem>>) semaphore(%run_scoped3A_164 : memref<!tpu.dma_semaphore, #tpu.memory_space<semaphore_mem>>) {add = true}
      %dma_wait3A_175 = arith.constant 0 : i32
      %dma_wait3A_176 = arith.constant 0 : i32
      %dma_wait3A_177 = tpu.memref_slice %arg8[%run_scoped3A_117, %run_scoped3A_118, %dma_wait3A_175, %dma_wait3A_176] : memref<2x2x128x64xf32, #tpu.memory_space<vmem>> -> memref<1x1x128x64xf32, #tpu.memory_space<vmem>>
      %dma_wait3A_178 = tpu.memref_squeeze %dma_wait3A_177 : memref<1x1x128x64xf32, #tpu.memory_space<vmem>> -> memref<128x64xf32, #tpu.memory_space<vmem>>
      %dma_wait3A_179 = arith.constant 0 : i32
      %dma_wait3A_180 = tpu.memref_slice %arg7[%run_scoped3A_119, %dma_wait3A_179] : memref<160x128xi32, #tpu.memory_space<vmem>> -> memref<1x128xi32, #tpu.memory_space<vmem>>
      %dma_wait3A_181 = tpu.memref_squeeze %dma_wait3A_180 : memref<1x128xi32, #tpu.memory_space<vmem>> -> memref<128xi32, #tpu.memory_space<vmem>>
      %dma_wait3A_182 = arith.constant 0 : i32
      %dma_wait3A_183 = arith.constant 0 : i32
      %dma_wait3A_184 = tpu.memref_slice %arg10[%dma_wait3A_182, %dma_wait3A_183] : memref<10240x64xf32, #tpu.memory_space<vmem_shared>> -> memref<10240x64xf32, #tpu.memory_space<vmem_shared>>
      tpu.wait_indirect_dma semaphore(%run_scoped3A_164 : memref<!tpu.dma_semaphore, #tpu.memory_space<semaphore_mem>>) src(%dma_wait3A_178 : memref<128x64xf32, #tpu.memory_space<vmem>>) dst(%dma_wait3A_184 : memref<10240x64xf32, #tpu.memory_space<vmem_shared>>)
      tpu.yield
    }) : () -> ()
    %dma_wait3A_120 = arith.constant 158 : i32
    %dma_wait3A_121 = arith.constant 1 : i32
    %dma_wait3A_122 = arith.constant 0 : i32
    %dma_wait3A_123 = arith.constant 0 : i32
    %dma_wait3A_124 = arith.constant 0 : i32
    %dma_wait3A_125 = tpu.memref_slice %arg8[%dma_wait3A_121, %dma_wait3A_122, %dma_wait3A_123, %dma_wait3A_124] : memref<2x2x128x64xf32, #tpu.memory_space<vmem>> -> memref<1x1x128x64xf32, #tpu.memory_space<vmem>>
    %dma_wait3A_126 = tpu.memref_squeeze %dma_wait3A_125 : memref<1x1x128x64xf32, #tpu.memory_space<vmem>> -> memref<128x64xf32, #tpu.memory_space<vmem>>
    %dma_wait3A_127 = arith.constant 0 : i32
    %dma_wait3A_128 = tpu.memref_slice %arg6[%dma_wait3A_120, %dma_wait3A_127] : memref<160x128xi32, #tpu.memory_space<vmem>> -> memref<1x128xi32, #tpu.memory_space<vmem>>
    %dma_wait3A_129 = tpu.memref_squeeze %dma_wait3A_128 : memref<1x128xi32, #tpu.memory_space<vmem>> -> memref<128xi32, #tpu.memory_space<vmem>>
    %dma_wait3A_130 = arith.constant 0 : i32
    %dma_wait3A_131 = arith.constant 0 : i32
    %dma_wait3A_132 = tpu.memref_slice %arg2[%arg0, %dma_wait3A_130, %dma_wait3A_131] : memref<2x10000x64xf32, #tpu.memory_space<hbm>> -> memref<1x10000x64xf32, #tpu.memory_space<hbm>>
    %dma_wait3A_133 = tpu.memref_squeeze %dma_wait3A_132 : memref<1x10000x64xf32, #tpu.memory_space<hbm>> -> memref<10000x64xf32, #tpu.memory_space<hbm>>
    %dma_wait3A_134 = arith.constant 0 : i32
    %dma_wait3A_135 = arith.constant 0 : i32
    %dma_wait3A_136 = tpu.memref_slice %dma_wait3A_133[%dma_wait3A_134, %dma_wait3A_135] : memref<10000x64xf32, #tpu.memory_space<hbm>> -> memref<10000x64xf32, #tpu.memory_space<hbm>>
    tpu.wait_indirect_dma semaphore(%arg12 : memref<!tpu.dma_semaphore, #tpu.memory_space<semaphore_mem>>) src(%dma_wait3A_136 : memref<10000x64xf32, #tpu.memory_space<hbm>>) dst(%dma_wait3A_126 : memref<128x64xf32, #tpu.memory_space<vmem>>)
    %dma_wait3A_137 = arith.constant 159 : i32
    %dma_wait3A_138 = arith.constant 1 : i32
    %dma_wait3A_139 = arith.constant 1 : i32
    %dma_wait3A_140 = arith.constant 0 : i32
    %dma_wait3A_141 = arith.constant 0 : i32
    %dma_wait3A_142 = tpu.memref_slice %arg8[%dma_wait3A_138, %dma_wait3A_139, %dma_wait3A_140, %dma_wait3A_141] : memref<2x2x128x64xf32, #tpu.memory_space<vmem>> -> memref<1x1x128x64xf32, #tpu.memory_space<vmem>>
    %dma_wait3A_143 = tpu.memref_squeeze %dma_wait3A_142 : memref<1x1x128x64xf32, #tpu.memory_space<vmem>> -> memref<128x64xf32, #tpu.memory_space<vmem>>
    %dma_wait3A_144 = arith.constant 0 : i32
    %dma_wait3A_145 = tpu.memref_slice %arg6[%dma_wait3A_137, %dma_wait3A_144] : memref<160x128xi32, #tpu.memory_space<vmem>> -> memref<1x128xi32, #tpu.memory_space<vmem>>
    %dma_wait3A_146 = tpu.memref_squeeze %dma_wait3A_145 : memref<1x128xi32, #tpu.memory_space<vmem>> -> memref<128xi32, #tpu.memory_space<vmem>>
    %dma_wait3A_147 = arith.constant 0 : i32
    %dma_wait3A_148 = arith.constant 0 : i32
    %dma_wait3A_149 = tpu.memref_slice %arg2[%arg0, %dma_wait3A_147, %dma_wait3A_148] : memref<2x10000x64xf32, #tpu.memory_space<hbm>> -> memref<1x10000x64xf32, #tpu.memory_space<hbm>>
    %dma_wait3A_150 = tpu.memref_squeeze %dma_wait3A_149 : memref<1x10000x64xf32, #tpu.memory_space<hbm>> -> memref<10000x64xf32, #tpu.memory_space<hbm>>
    %dma_wait3A_151 = arith.constant 0 : i32
    %dma_wait3A_152 = arith.constant 0 : i32
    %dma_wait3A_153 = tpu.memref_slice %dma_wait3A_150[%dma_wait3A_151, %dma_wait3A_152] : memref<10000x64xf32, #tpu.memory_space<hbm>> -> memref<10000x64xf32, #tpu.memory_space<hbm>>
    tpu.wait_indirect_dma semaphore(%arg12 : memref<!tpu.dma_semaphore, #tpu.memory_space<semaphore_mem>>) src(%dma_wait3A_153 : memref<10000x64xf32, #tpu.memory_space<hbm>>) dst(%dma_wait3A_143 : memref<128x64xf32, #tpu.memory_space<vmem>>)
    %run_scoped3A_154 = arith.constant 1 : i32
    %run_scoped3A_155 = arith.constant 0 : i32
    %run_scoped3A_156 = arith.constant 158 : i32
    "tpu.region"() ({
      %run_scoped3A_164 = tpu.sem_alloc : memref<!tpu.dma_semaphore, #tpu.memory_space<semaphore_mem>>
      %dma_start3A_165 = arith.constant 0 : i32
      %dma_start3A_166 = arith.constant 0 : i32
      %dma_start3A_167 = tpu.memref_slice %arg8[%run_scoped3A_154, %run_scoped3A_155, %dma_start3A_165, %dma_start3A_166] : memref<2x2x128x64xf32, #tpu.memory_space<vmem>> -> memref<1x1x128x64xf32, #tpu.memory_space<vmem>>
      %dma_start3A_168 = tpu.memref_squeeze %dma_start3A_167 : memref<1x1x128x64xf32, #tpu.memory_space<vmem>> -> memref<128x64xf32, #tpu.memory_space<vmem>>
      %dma_start3A_169 = arith.constant 0 : i32
      %dma_start3A_170 = tpu.memref_slice %arg7[%run_scoped3A_156, %dma_start3A_169] : memref<160x128xi32, #tpu.memory_space<vmem>> -> memref<1x128xi32, #tpu.memory_space<vmem>>
      %dma_start3A_171 = tpu.memref_squeeze %dma_start3A_170 : memref<1x128xi32, #tpu.memory_space<vmem>> -> memref<128xi32, #tpu.memory_space<vmem>>
      %dma_start3A_172 = arith.constant 0 : i32
      %dma_start3A_173 = arith.constant 0 : i32
      %dma_start3A_174 = tpu.memref_slice %arg10[%dma_start3A_172, %dma_start3A_173] : memref<10240x64xf32, #tpu.memory_space<vmem_shared>> -> memref<10240x64xf32, #tpu.memory_space<vmem_shared>>
      tpu.enqueue_indirect_dma source(%dma_start3A_168 : memref<128x64xf32, #tpu.memory_space<vmem>>) target(%dma_start3A_174 : memref<10240x64xf32, #tpu.memory_space<vmem_shared>>) offsets(%dma_start3A_171 : memref<128xi32, #tpu.memory_space<vmem>>) semaphore(%run_scoped3A_164 : memref<!tpu.dma_semaphore, #tpu.memory_space<semaphore_mem>>) {add = true}
      %dma_wait3A_175 = arith.constant 0 : i32
      %dma_wait3A_176 = arith.constant 0 : i32
      %dma_wait3A_177 = tpu.memref_slice %arg8[%run_scoped3A_154, %run_scoped3A_155, %dma_wait3A_175, %dma_wait3A_176] : memref<2x2x128x64xf32, #tpu.memory_space<vmem>> -> memref<1x1x128x64xf32, #tpu.memory_space<vmem>>
      %dma_wait3A_178 = tpu.memref_squeeze %dma_wait3A_177 : memref<1x1x128x64xf32, #tpu.memory_space<vmem>> -> memref<128x64xf32, #tpu.memory_space<vmem>>
      %dma_wait3A_179 = arith.constant 0 : i32
      %dma_wait3A_180 = tpu.memref_slice %arg7[%run_scoped3A_156, %dma_wait3A_179] : memref<160x128xi32, #tpu.memory_space<vmem>> -> memref<1x128xi32, #tpu.memory_space<vmem>>
      %dma_wait3A_181 = tpu.memref_squeeze %dma_wait3A_180 : memref<1x128xi32, #tpu.memory_space<vmem>> -> memref<128xi32, #tpu.memory_space<vmem>>
      %dma_wait3A_182 = arith.constant 0 : i32
      %dma_wait3A_183 = arith.constant 0 : i32
      %dma_wait3A_184 = tpu.memref_slice %arg10[%dma_wait3A_182, %dma_wait3A_183] : memref<10240x64xf32, #tpu.memory_space<vmem_shared>> -> memref<10240x64xf32, #tpu.memory_space<vmem_shared>>
      tpu.wait_indirect_dma semaphore(%run_scoped3A_164 : memref<!tpu.dma_semaphore, #tpu.memory_space<semaphore_mem>>) src(%dma_wait3A_178 : memref<128x64xf32, #tpu.memory_space<vmem>>) dst(%dma_wait3A_184 : memref<10240x64xf32, #tpu.memory_space<vmem_shared>>)
      tpu.yield
    }) : () -> ()
    %run_scoped3A_157 = arith.constant 1 : i32
    %run_scoped3A_158 = arith.constant 1 : i32
    %run_scoped3A_159 = arith.constant 159 : i32
    "tpu.region"() ({
      %run_scoped3A_164 = tpu.sem_alloc : memref<!tpu.dma_semaphore, #tpu.memory_space<semaphore_mem>>
      %dma_start3A_165 = arith.constant 0 : i32
      %dma_start3A_166 = arith.constant 0 : i32
      %dma_start3A_167 = tpu.memref_slice %arg8[%run_scoped3A_157, %run_scoped3A_158, %dma_start3A_165, %dma_start3A_166] : memref<2x2x128x64xf32, #tpu.memory_space<vmem>> -> memref<1x1x128x64xf32, #tpu.memory_space<vmem>>
      %dma_start3A_168 = tpu.memref_squeeze %dma_start3A_167 : memref<1x1x128x64xf32, #tpu.memory_space<vmem>> -> memref<128x64xf32, #tpu.memory_space<vmem>>
      %dma_start3A_169 = arith.constant 0 : i32
      %dma_start3A_170 = tpu.memref_slice %arg7[%run_scoped3A_159, %dma_start3A_169] : memref<160x128xi32, #tpu.memory_space<vmem>> -> memref<1x128xi32, #tpu.memory_space<vmem>>
      %dma_start3A_171 = tpu.memref_squeeze %dma_start3A_170 : memref<1x128xi32, #tpu.memory_space<vmem>> -> memref<128xi32, #tpu.memory_space<vmem>>
      %dma_start3A_172 = arith.constant 0 : i32
      %dma_start3A_173 = arith.constant 0 : i32
      %dma_start3A_174 = tpu.memref_slice %arg10[%dma_start3A_172, %dma_start3A_173] : memref<10240x64xf32, #tpu.memory_space<vmem_shared>> -> memref<10240x64xf32, #tpu.memory_space<vmem_shared>>
      tpu.enqueue_indirect_dma source(%dma_start3A_168 : memref<128x64xf32, #tpu.memory_space<vmem>>) target(%dma_start3A_174 : memref<10240x64xf32, #tpu.memory_space<vmem_shared>>) offsets(%dma_start3A_171 : memref<128xi32, #tpu.memory_space<vmem>>) semaphore(%run_scoped3A_164 : memref<!tpu.dma_semaphore, #tpu.memory_space<semaphore_mem>>) {add = true}
      %dma_wait3A_175 = arith.constant 0 : i32
      %dma_wait3A_176 = arith.constant 0 : i32
      %dma_wait3A_177 = tpu.memref_slice %arg8[%run_scoped3A_157, %run_scoped3A_158, %dma_wait3A_175, %dma_wait3A_176] : memref<2x2x128x64xf32, #tpu.memory_space<vmem>> -> memref<1x1x128x64xf32, #tpu.memory_space<vmem>>
      %dma_wait3A_178 = tpu.memref_squeeze %dma_wait3A_177 : memref<1x1x128x64xf32, #tpu.memory_space<vmem>> -> memref<128x64xf32, #tpu.memory_space<vmem>>
      %dma_wait3A_179 = arith.constant 0 : i32
      %dma_wait3A_180 = tpu.memref_slice %arg7[%run_scoped3A_159, %dma_wait3A_179] : memref<160x128xi32, #tpu.memory_space<vmem>> -> memref<1x128xi32, #tpu.memory_space<vmem>>
      %dma_wait3A_181 = tpu.memref_squeeze %dma_wait3A_180 : memref<1x128xi32, #tpu.memory_space<vmem>> -> memref<128xi32, #tpu.memory_space<vmem>>
      %dma_wait3A_182 = arith.constant 0 : i32
      %dma_wait3A_183 = arith.constant 0 : i32
      %dma_wait3A_184 = tpu.memref_slice %arg10[%dma_wait3A_182, %dma_wait3A_183] : memref<10240x64xf32, #tpu.memory_space<vmem_shared>> -> memref<10240x64xf32, #tpu.memory_space<vmem_shared>>
      tpu.wait_indirect_dma semaphore(%run_scoped3A_164 : memref<!tpu.dma_semaphore, #tpu.memory_space<semaphore_mem>>) src(%dma_wait3A_178 : memref<128x64xf32, #tpu.memory_space<vmem>>) dst(%dma_wait3A_184 : memref<10240x64xf32, #tpu.memory_space<vmem_shared>>)
      tpu.yield
    }) : () -> ()
    %barrier3A_160 = arith.constant 0 : index
    tpu.barrier barrier_id(%barrier3A_160)
    %mul3A = arith.constant 632 : i32
    %mul3A_161 = arith.muli %arg1, %mul3A : i32
    %mul3A_162 = arith.constant 632 : i32
    %mul3A_163 = arith.muli %arg1, %mul3A_162 : i32
    "tpu.region"() ({
      %run_scoped3A_164 = tpu.sem_alloc : memref<!tpu.dma_semaphore, #tpu.memory_space<semaphore_mem>>
      %dma_start3A_165 = arith.constant 0 : i32
      %dma_start3A_166 = tpu.memref_slice %arg5[%arg0, %mul3A_163, %dma_start3A_165] : memref<2x10112x64xf32, #tpu.memory_space<hbm>> -> memref<1x632x64xf32, #tpu.memory_space<hbm>>
      %dma_start3A_167 = tpu.memref_squeeze %dma_start3A_166 : memref<1x632x64xf32, #tpu.memory_space<hbm>> -> memref<632x64xf32, #tpu.memory_space<hbm>>
      %dma_start3A_168 = arith.constant 0 : i32
      %dma_start3A_169 = tpu.memref_slice %arg10[%mul3A_161, %dma_start3A_168] : memref<10240x64xf32, #tpu.memory_space<vmem_shared>> -> memref<632x64xf32, #tpu.memory_space<vmem_shared>>
      tpu.enqueue_dma source(%dma_start3A_169 : memref<632x64xf32, #tpu.memory_space<vmem_shared>>) target(%dma_start3A_167 : memref<632x64xf32, #tpu.memory_space<hbm>>) target_semaphore(%run_scoped3A_164 : memref<!tpu.dma_semaphore, #tpu.memory_space<semaphore_mem>>)
      %dma_wait3A_170 = arith.constant 0 : i32
      %dma_wait3A_171 = tpu.memref_slice %arg5[%arg0, %mul3A_163, %dma_wait3A_170] : memref<2x10112x64xf32, #tpu.memory_space<hbm>> -> memref<1x632x64xf32, #tpu.memory_space<hbm>>
      %dma_wait3A_172 = tpu.memref_squeeze %dma_wait3A_171 : memref<1x632x64xf32, #tpu.memory_space<hbm>> -> memref<632x64xf32, #tpu.memory_space<hbm>>
      %dma_wait3A_173 = arith.constant 0 : i32
      %dma_wait3A_174 = tpu.memref_slice %arg10[%mul3A_161, %dma_wait3A_173] : memref<10240x64xf32, #tpu.memory_space<vmem_shared>> -> memref<632x64xf32, #tpu.memory_space<vmem_shared>>
      tpu.wait_dma2 semaphore(%run_scoped3A_164 : memref<!tpu.dma_semaphore, #tpu.memory_space<semaphore_mem>>) src(%dma_wait3A_174 : memref<632x64xf32, #tpu.memory_space<vmem_shared>>) dst(%dma_wait3A_172 : memref<632x64xf32, #tpu.memory_space<hbm>>)
      tpu.yield
    }) : () -> ()
    return
  }
}

#map = affine_map<(d0, d1) -> (0, 0, 0)>
module attributes {stable_mosaic.version = 14 : i64} {
  func.func @_agg_body(%arg0: i32, %arg1: i32, %arg2: memref<2x10000x64xf32, #tpu.memory_space<hbm>>, %arg3: memref<16x160x128xi32, #tpu.memory_space<hbm>>, %arg4: memref<16x160x128xi32, #tpu.memory_space<hbm>>, %arg5: memref<2x10112x64xf32, #tpu.memory_space<hbm>>, %arg6: memref<160x128xi32, #tpu.memory_space<vmem>>, %arg7: memref<160x128xi32, #tpu.memory_space<vmem>>, %arg8: memref<2x2x128x64xf32, #tpu.memory_space<vmem>>, %arg9: memref<64x64xf32, #tpu.memory_space<vmem>>, %arg10: memref<10240x64xf32, #tpu.memory_space<vmem_shared>>, %arg11: memref<!tpu.dma_semaphore, #tpu.memory_space<semaphore_mem>>, %arg12: memref<!tpu.dma_semaphore, #tpu.memory_space<semaphore_mem>>) attributes {dimension_semantics = [#tpu.dimension_semantics<core_parallel>, #tpu.dimension_semantics<subcore_parallel>], iteration_bounds = array<i64: 2, 16>, scalar_prefetch = 0 : i64, scratch_operands = 7 : i64, tpu.core_type = #tpu.core_type<sc_vector_subcore>, window_params = [{transform_indices = #map}, {transform_indices = #map}, {transform_indices = #map}, {transform_indices = #map}]} {
    "tpu.region"() ({
      %run_scoped3A_164 = tpu.sem_alloc : memref<!tpu.dma_semaphore, #tpu.memory_space<semaphore_mem>>
      %dma_start3A_165 = arith.constant 0 : i32
      %dma_start3A_166 = arith.constant 0 : i32
      %dma_start3A_167 = tpu.memref_slice %arg3[%arg1, %dma_start3A_165, %dma_start3A_166] : memref<16x160x128xi32, #tpu.memory_space<hbm>> -> memref<1x160x128xi32, #tpu.memory_space<hbm>>
      %dma_start3A_168 = tpu.memref_squeeze %dma_start3A_167 : memref<1x160x128xi32, #tpu.memory_space<hbm>> -> memref<160x128xi32, #tpu.memory_space<hbm>>
      %dma_start3A_169 = arith.constant 0 : i32
      %dma_start3A_170 = arith.constant 0 : i32
      %dma_start3A_171 = tpu.memref_slice %arg3[%arg1, %dma_start3A_169, %dma_start3A_170] : memref<16x160x128xi32, #tpu.memory_space<hbm>> -> memref<1x160x128xi32, #tpu.memory_space<hbm>>
      %dma_start3A_172 = tpu.memref_squeeze %dma_start3A_171 : memref<1x160x128xi32, #tpu.memory_space<hbm>> -> memref<160x128xi32, #tpu.memory_space<hbm>>
      tpu.enqueue_dma source(%dma_start3A_172 : memref<160x128xi32, #tpu.memory_space<hbm>>) target(%arg6 : memref<160x128xi32, #tpu.memory_space<vmem>>) target_semaphore(%run_scoped3A_164 : memref<!tpu.dma_semaphore, #tpu.memory_space<semaphore_mem>>)
      %dma_wait3A_173 = arith.constant 0 : i32
      %dma_wait3A_174 = arith.constant 0 : i32
      %dma_wait3A_175 = tpu.memref_slice %arg3[%arg1, %dma_wait3A_173, %dma_wait3A_174] : memref<16x160x128xi32, #tpu.memory_space<hbm>> -> memref<1x160x128xi32, #tpu.memory_space<hbm>>
      %dma_wait3A_176 = tpu.memref_squeeze %dma_wait3A_175 : memref<1x160x128xi32, #tpu.memory_space<hbm>> -> memref<160x128xi32, #tpu.memory_space<hbm>>
      %dma_wait3A_177 = arith.constant 0 : i32
      %dma_wait3A_178 = arith.constant 0 : i32
      %dma_wait3A_179 = tpu.memref_slice %arg3[%arg1, %dma_wait3A_177, %dma_wait3A_178] : memref<16x160x128xi32, #tpu.memory_space<hbm>> -> memref<1x160x128xi32, #tpu.memory_space<hbm>>
      %dma_wait3A_180 = tpu.memref_squeeze %dma_wait3A_179 : memref<1x160x128xi32, #tpu.memory_space<hbm>> -> memref<160x128xi32, #tpu.memory_space<hbm>>
      tpu.wait_dma2 semaphore(%run_scoped3A_164 : memref<!tpu.dma_semaphore, #tpu.memory_space<semaphore_mem>>) src(%dma_wait3A_180 : memref<160x128xi32, #tpu.memory_space<hbm>>) dst(%arg6 : memref<160x128xi32, #tpu.memory_space<vmem>>)
      tpu.yield
    }) : () -> ()
    "tpu.region"() ({
      %run_scoped3A_164 = tpu.sem_alloc : memref<!tpu.dma_semaphore, #tpu.memory_space<semaphore_mem>>
      %dma_start3A_165 = arith.constant 0 : i32
      %dma_start3A_166 = arith.constant 0 : i32
      %dma_start3A_167 = tpu.memref_slice %arg4[%arg1, %dma_start3A_165, %dma_start3A_166] : memref<16x160x128xi32, #tpu.memory_space<hbm>> -> memref<1x160x128xi32, #tpu.memory_space<hbm>>
      %dma_start3A_168 = tpu.memref_squeeze %dma_start3A_167 : memref<1x160x128xi32, #tpu.memory_space<hbm>> -> memref<160x128xi32, #tpu.memory_space<hbm>>
      %dma_start3A_169 = arith.constant 0 : i32
      %dma_start3A_170 = arith.constant 0 : i32
      %dma_start3A_171 = tpu.memref_slice %arg4[%arg1, %dma_start3A_169, %dma_start3A_170] : memref<16x160x128xi32, #tpu.memory_space<hbm>> -> memref<1x160x128xi32, #tpu.memory_space<hbm>>
      %dma_start3A_172 = tpu.memref_squeeze %dma_start3A_171 : memref<1x160x128xi32, #tpu.memory_space<hbm>> -> memref<160x128xi32, #tpu.memory_space<hbm>>
      tpu.enqueue_dma source(%dma_start3A_172 : memref<160x128xi32, #tpu.memory_space<hbm>>) target(%arg7 : memref<160x128xi32, #tpu.memory_space<vmem>>) target_semaphore(%run_scoped3A_164 : memref<!tpu.dma_semaphore, #tpu.memory_space<semaphore_mem>>)
      %dma_wait3A_173 = arith.constant 0 : i32
      %dma_wait3A_174 = arith.constant 0 : i32
      %dma_wait3A_175 = tpu.memref_slice %arg4[%arg1, %dma_wait3A_173, %dma_wait3A_174] : memref<16x160x128xi32, #tpu.memory_space<hbm>> -> memref<1x160x128xi32, #tpu.memory_space<hbm>>
      %dma_wait3A_176 = tpu.memref_squeeze %dma_wait3A_175 : memref<1x160x128xi32, #tpu.memory_space<hbm>> -> memref<160x128xi32, #tpu.memory_space<hbm>>
      %dma_wait3A_177 = arith.constant 0 : i32
      %dma_wait3A_178 = arith.constant 0 : i32
      %dma_wait3A_179 = tpu.memref_slice %arg4[%arg1, %dma_wait3A_177, %dma_wait3A_178] : memref<16x160x128xi32, #tpu.memory_space<hbm>> -> memref<1x160x128xi32, #tpu.memory_space<hbm>>
      %dma_wait3A_180 = tpu.memref_squeeze %dma_wait3A_179 : memref<1x160x128xi32, #tpu.memory_space<hbm>> -> memref<160x128xi32, #tpu.memory_space<hbm>>
      tpu.wait_dma2 semaphore(%run_scoped3A_164 : memref<!tpu.dma_semaphore, #tpu.memory_space<semaphore_mem>>) src(%dma_wait3A_180 : memref<160x128xi32, #tpu.memory_space<hbm>>) dst(%arg7 : memref<160x128xi32, #tpu.memory_space<vmem>>)
      tpu.yield
    }) : () -> ()
    %broadcast_in_dim3A = arith.constant 0.000000e+00 : f32
    %broadcast_in_dim3A_0 = vector.broadcast %broadcast_in_dim3A : f32 to vector<16xf32>
    %scan3A = arith.constant 0 : i32
    %scan3A_1 = arith.constant 64 : i32
    %scan3A_2 = arith.addi %scan3A, %scan3A_1 : i32
    %scan3A_3 = arith.constant 1 : i32
    scf.for %scan3A_164 = %scan3A to %scan3A_2 step %scan3A_3  : i32 {
      %mul3A_165 = arith.constant 1 : i32
      %mul3A_166 = arith.muli %scan3A_164, %mul3A_165 : i32
      %add3A = arith.constant 0 : i32
      %add3A_167 = arith.addi %add3A, %mul3A_166 : i32
      %swap3A = arith.index_cast %add3A_167 : i32 to index
      %swap3A_168 = arith.constant 0 : index
      %swap3A_169 = tpu.vector_load %arg9[%swap3A, %swap3A_168] {strides = array<i32>} : memref<64x64xf32, #tpu.memory_space<vmem>>, vector<1x16xf32>,
      %swap3A_170 = vector.shape_cast %swap3A_169 : vector<1x16xf32> to vector<16xf32>
      %swap3A_171 = vector.shape_cast %broadcast_in_dim3A_0 : vector<16xf32> to vector<1x16xf32>
      tpu.vector_store %arg9[%swap3A, %swap3A_168], %swap3A_171 {strides = array<i32>} : memref<64x64xf32, #tpu.memory_space<vmem>>, vector<1x16xf32>,
      %swap3A_172 = arith.index_cast %add3A_167 : i32 to index
      %swap3A_173 = arith.constant 16 : index
      %swap3A_174 = tpu.vector_load %arg9[%swap3A_172, %swap3A_173] {strides = array<i32>} : memref<64x64xf32, #tpu.memory_space<vmem>>, vector<1x16xf32>,
      %swap3A_175 = vector.shape_cast %swap3A_174 : vector<1x16xf32> to vector<16xf32>
      %swap3A_176 = vector.shape_cast %broadcast_in_dim3A_0 : vector<16xf32> to vector<1x16xf32>
      tpu.vector_store %arg9[%swap3A_172, %swap3A_173], %swap3A_176 {strides = array<i32>} : memref<64x64xf32, #tpu.memory_space<vmem>>, vector<1x16xf32>,
      %swap3A_177 = arith.index_cast %add3A_167 : i32 to index
      %swap3A_178 = arith.constant 32 : index
      %swap3A_179 = tpu.vector_load %arg9[%swap3A_177, %swap3A_178] {strides = array<i32>} : memref<64x64xf32, #tpu.memory_space<vmem>>, vector<1x16xf32>,
      %swap3A_180 = vector.shape_cast %swap3A_179 : vector<1x16xf32> to vector<16xf32>
      %swap3A_181 = vector.shape_cast %broadcast_in_dim3A_0 : vector<16xf32> to vector<1x16xf32>
      tpu.vector_store %arg9[%swap3A_177, %swap3A_178], %swap3A_181 {strides = array<i32>} : memref<64x64xf32, #tpu.memory_space<vmem>>, vector<1x16xf32>,
      %swap3A_182 = arith.index_cast %add3A_167 : i32 to index
      %swap3A_183 = arith.constant 48 : index
      %swap3A_184 = tpu.vector_load %arg9[%swap3A_182, %swap3A_183] {strides = array<i32>} : memref<64x64xf32, #tpu.memory_space<vmem>>, vector<1x16xf32>,
      %swap3A_185 = vector.shape_cast %swap3A_184 : vector<1x16xf32> to vector<16xf32>
      %swap3A_186 = vector.shape_cast %broadcast_in_dim3A_0 : vector<16xf32> to vector<1x16xf32>
      tpu.vector_store %arg9[%swap3A_182, %swap3A_183], %swap3A_186 {strides = array<i32>} : memref<64x64xf32, #tpu.memory_space<vmem>>, vector<1x16xf32>,
    }
    %scan3A_4 = arith.constant 64 : i32
    %scan3A_5 = arith.constant 0 : i32
    %scan3A_6 = arith.constant 10 : i32
    %scan3A_7 = arith.addi %scan3A_5, %scan3A_6 : i32
    %scan3A_8 = arith.constant 1 : i32
    scf.for %scan3A_164 = %scan3A_5 to %scan3A_7 step %scan3A_8  : i32 {
      %mul3A_165 = arith.constant 1 : i32
      %mul3A_166 = arith.muli %scan3A_164, %mul3A_165 : i32
      %add3A = arith.constant 0 : i32
      %add3A_167 = arith.addi %add3A, %mul3A_166 : i32
      %mul3A_168 = arith.constant 640 : i32
      %mul3A_169 = arith.muli %arg1, %mul3A_168 : i32
      %mul3A_170 = arith.constant 64 : i32
      %mul3A_171 = arith.muli %add3A_167, %mul3A_170 : i32
      %add3A_172 = arith.addi %mul3A_169, %mul3A_171 : i32
      "tpu.region"() ({
        %run_scoped3A_173 = tpu.sem_alloc : memref<!tpu.dma_semaphore, #tpu.memory_space<semaphore_mem>>
        %dma_start3A_174 = arith.constant 0 : i32
        %dma_start3A_175 = tpu.memref_slice %arg10[%add3A_172, %dma_start3A_174] : memref<10240x64xf32, #tpu.memory_space<vmem_shared>> -> memref<64x64xf32, #tpu.memory_space<vmem_shared>>
        %dma_start3A_176 = arith.constant 0 : i32
        %dma_start3A_177 = tpu.memref_slice %arg10[%add3A_172, %dma_start3A_176] : memref<10240x64xf32, #tpu.memory_space<vmem_shared>> -> memref<64x64xf32, #tpu.memory_space<vmem_shared>>
        tpu.enqueue_dma source(%arg9 : memref<64x64xf32, #tpu.memory_space<vmem>>) target(%dma_start3A_177 : memref<64x64xf32, #tpu.memory_space<vmem_shared>>) target_semaphore(%run_scoped3A_173 : memref<!tpu.dma_semaphore, #tpu.memory_space<semaphore_mem>>)
        %dma_wait3A_178 = arith.constant 0 : i32
        %dma_wait3A_179 = tpu.memref_slice %arg10[%add3A_172, %dma_wait3A_178] : memref<10240x64xf32, #tpu.memory_space<vmem_shared>> -> memref<64x64xf32, #tpu.memory_space<vmem_shared>>
        %dma_wait3A_180 = arith.constant 0 : i32
        %dma_wait3A_181 = tpu.memref_slice %arg10[%add3A_172, %dma_wait3A_180] : memref<10240x64xf32, #tpu.memory_space<vmem_shared>> -> memref<64x64xf32, #tpu.memory_space<vmem_shared>>
        tpu.wait_dma2 semaphore(%run_scoped3A_173 : memref<!tpu.dma_semaphore, #tpu.memory_space<semaphore_mem>>) src(%arg9 : memref<64x64xf32, #tpu.memory_space<vmem>>) dst(%dma_wait3A_181 : memref<64x64xf32, #tpu.memory_space<vmem_shared>>)
        tpu.yield
      }) : () -> ()
    }
    %scan3A_9 = arith.constant 10 : i32
    %barrier3A = arith.constant 0 : index
    tpu.barrier barrier_id(%barrier3A)
    %dma_start3A = arith.constant 0 : i32
    %dma_start3A_10 = arith.constant 0 : i32
    %dma_start3A_11 = arith.constant 0 : i32
    %dma_start3A_12 = arith.constant 0 : i32
    %dma_start3A_13 = arith.constant 0 : i32
    %dma_start3A_14 = tpu.memref_slice %arg8[%dma_start3A_10, %dma_start3A_11, %dma_start3A_12, %dma_start3A_13] : memref<2x2x128x64xf32, #tpu.memory_space<vmem>> -> memref<1x1x128x64xf32, #tpu.memory_space<vmem>>
    %dma_start3A_15 = tpu.memref_squeeze %dma_start3A_14 : memref<1x1x128x64xf32, #tpu.memory_space<vmem>> -> memref<128x64xf32, #tpu.memory_space<vmem>>
    %dma_start3A_16 = arith.constant 0 : i32
    %dma_start3A_17 = tpu.memref_slice %arg6[%dma_start3A, %dma_start3A_16] : memref<160x128xi32, #tpu.memory_space<vmem>> -> memref<1x128xi32, #tpu.memory_space<vmem>>
    %dma_start3A_18 = tpu.memref_squeeze %dma_start3A_17 : memref<1x128xi32, #tpu.memory_space<vmem>> -> memref<128xi32, #tpu.memory_space<vmem>>
    %dma_start3A_19 = arith.constant 0 : i32
    %dma_start3A_20 = arith.constant 0 : i32
    %dma_start3A_21 = tpu.memref_slice %arg2[%arg0, %dma_start3A_19, %dma_start3A_20] : memref<2x10000x64xf32, #tpu.memory_space<hbm>> -> memref<1x10000x64xf32, #tpu.memory_space<hbm>>
    %dma_start3A_22 = tpu.memref_squeeze %dma_start3A_21 : memref<1x10000x64xf32, #tpu.memory_space<hbm>> -> memref<10000x64xf32, #tpu.memory_space<hbm>>
    %dma_start3A_23 = arith.constant 0 : i32
    %dma_start3A_24 = arith.constant 0 : i32
    %dma_start3A_25 = tpu.memref_slice %dma_start3A_22[%dma_start3A_23, %dma_start3A_24] : memref<10000x64xf32, #tpu.memory_space<hbm>> -> memref<10000x64xf32, #tpu.memory_space<hbm>>
    tpu.enqueue_indirect_dma source(%dma_start3A_25 : memref<10000x64xf32, #tpu.memory_space<hbm>>) target(%dma_start3A_15 : memref<128x64xf32, #tpu.memory_space<vmem>>) offsets(%dma_start3A_18 : memref<128xi32, #tpu.memory_space<vmem>>) semaphore(%arg11 : memref<!tpu.dma_semaphore, #tpu.memory_space<semaphore_mem>>)
    %dma_start3A_26 = arith.constant 1 : i32
    %dma_start3A_27 = arith.constant 0 : i32
    %dma_start3A_28 = arith.constant 1 : i32
    %dma_start3A_29 = arith.constant 0 : i32
    %dma_start3A_30 = arith.constant 0 : i32
    %dma_start3A_31 = tpu.memref_slice %arg8[%dma_start3A_27, %dma_start3A_28, %dma_start3A_29, %dma_start3A_30] : memref<2x2x128x64xf32, #tpu.memory_space<vmem>> -> memref<1x1x128x64xf32, #tpu.memory_space<vmem>>
    %dma_start3A_32 = tpu.memref_squeeze %dma_start3A_31 : memref<1x1x128x64xf32, #tpu.memory_space<vmem>> -> memref<128x64xf32, #tpu.memory_space<vmem>>
    %dma_start3A_33 = arith.constant 0 : i32
    %dma_start3A_34 = tpu.memref_slice %arg6[%dma_start3A_26, %dma_start3A_33] : memref<160x128xi32, #tpu.memory_space<vmem>> -> memref<1x128xi32, #tpu.memory_space<vmem>>
    %dma_start3A_35 = tpu.memref_squeeze %dma_start3A_34 : memref<1x128xi32, #tpu.memory_space<vmem>> -> memref<128xi32, #tpu.memory_space<vmem>>
    %dma_start3A_36 = arith.constant 0 : i32
    %dma_start3A_37 = arith.constant 0 : i32
    %dma_start3A_38 = tpu.memref_slice %arg2[%arg0, %dma_start3A_36, %dma_start3A_37] : memref<2x10000x64xf32, #tpu.memory_space<hbm>> -> memref<1x10000x64xf32, #tpu.memory_space<hbm>>
    %dma_start3A_39 = tpu.memref_squeeze %dma_start3A_38 : memref<1x10000x64xf32, #tpu.memory_space<hbm>> -> memref<10000x64xf32, #tpu.memory_space<hbm>>
    %dma_start3A_40 = arith.constant 0 : i32
    %dma_start3A_41 = arith.constant 0 : i32
    %dma_start3A_42 = tpu.memref_slice %dma_start3A_39[%dma_start3A_40, %dma_start3A_41] : memref<10000x64xf32, #tpu.memory_space<hbm>> -> memref<10000x64xf32, #tpu.memory_space<hbm>>
    tpu.enqueue_indirect_dma source(%dma_start3A_42 : memref<10000x64xf32, #tpu.memory_space<hbm>>) target(%dma_start3A_32 : memref<128x64xf32, #tpu.memory_space<vmem>>) offsets(%dma_start3A_35 : memref<128xi32, #tpu.memory_space<vmem>>) semaphore(%arg11 : memref<!tpu.dma_semaphore, #tpu.memory_space<semaphore_mem>>)
    %dma_start3A_43 = arith.constant 2 : i32
    %dma_start3A_44 = arith.constant 1 : i32
    %dma_start3A_45 = arith.constant 0 : i32
    %dma_start3A_46 = arith.constant 0 : i32
    %dma_start3A_47 = arith.constant 0 : i32
    %dma_start3A_48 = tpu.memref_slice %arg8[%dma_start3A_44, %dma_start3A_45, %dma_start3A_46, %dma_start3A_47] : memref<2x2x128x64xf32, #tpu.memory_space<vmem>> -> memref<1x1x128x64xf32, #tpu.memory_space<vmem>>
    %dma_start3A_49 = tpu.memref_squeeze %dma_start3A_48 : memref<1x1x128x64xf32, #tpu.memory_space<vmem>> -> memref<128x64xf32, #tpu.memory_space<vmem>>
    %dma_start3A_50 = arith.constant 0 : i32
    %dma_start3A_51 = tpu.memref_slice %arg6[%dma_start3A_43, %dma_start3A_50] : memref<160x128xi32, #tpu.memory_space<vmem>> -> memref<1x128xi32, #tpu.memory_space<vmem>>
    %dma_start3A_52 = tpu.memref_squeeze %dma_start3A_51 : memref<1x128xi32, #tpu.memory_space<vmem>> -> memref<128xi32, #tpu.memory_space<vmem>>
    %dma_start3A_53 = arith.constant 0 : i32
    %dma_start3A_54 = arith.constant 0 : i32
    %dma_start3A_55 = tpu.memref_slice %arg2[%arg0, %dma_start3A_53, %dma_start3A_54] : memref<2x10000x64xf32, #tpu.memory_space<hbm>> -> memref<1x10000x64xf32, #tpu.memory_space<hbm>>
    %dma_start3A_56 = tpu.memref_squeeze %dma_start3A_55 : memref<1x10000x64xf32, #tpu.memory_space<hbm>> -> memref<10000x64xf32, #tpu.memory_space<hbm>>
    %dma_start3A_57 = arith.constant 0 : i32
    %dma_start3A_58 = arith.constant 0 : i32
    %dma_start3A_59 = tpu.memref_slice %dma_start3A_56[%dma_start3A_57, %dma_start3A_58] : memref<10000x64xf32, #tpu.memory_space<hbm>> -> memref<10000x64xf32, #tpu.memory_space<hbm>>
    tpu.enqueue_indirect_dma source(%dma_start3A_59 : memref<10000x64xf32, #tpu.memory_space<hbm>>) target(%dma_start3A_49 : memref<128x64xf32, #tpu.memory_space<vmem>>) offsets(%dma_start3A_52 : memref<128xi32, #tpu.memory_space<vmem>>) semaphore(%arg12 : memref<!tpu.dma_semaphore, #tpu.memory_space<semaphore_mem>>)
    %dma_start3A_60 = arith.constant 3 : i32
    %dma_start3A_61 = arith.constant 1 : i32
    %dma_start3A_62 = arith.constant 1 : i32
    %dma_start3A_63 = arith.constant 0 : i32
    %dma_start3A_64 = arith.constant 0 : i32
    %dma_start3A_65 = tpu.memref_slice %arg8[%dma_start3A_61, %dma_start3A_62, %dma_start3A_63, %dma_start3A_64] : memref<2x2x128x64xf32, #tpu.memory_space<vmem>> -> memref<1x1x128x64xf32, #tpu.memory_space<vmem>>
    %dma_start3A_66 = tpu.memref_squeeze %dma_start3A_65 : memref<1x1x128x64xf32, #tpu.memory_space<vmem>> -> memref<128x64xf32, #tpu.memory_space<vmem>>
    %dma_start3A_67 = arith.constant 0 : i32
    %dma_start3A_68 = tpu.memref_slice %arg6[%dma_start3A_60, %dma_start3A_67] : memref<160x128xi32, #tpu.memory_space<vmem>> -> memref<1x128xi32, #tpu.memory_space<vmem>>
    %dma_start3A_69 = tpu.memref_squeeze %dma_start3A_68 : memref<1x128xi32, #tpu.memory_space<vmem>> -> memref<128xi32, #tpu.memory_space<vmem>>
    %dma_start3A_70 = arith.constant 0 : i32
    %dma_start3A_71 = arith.constant 0 : i32
    %dma_start3A_72 = tpu.memref_slice %arg2[%arg0, %dma_start3A_70, %dma_start3A_71] : memref<2x10000x64xf32, #tpu.memory_space<hbm>> -> memref<1x10000x64xf32, #tpu.memory_space<hbm>>
    %dma_start3A_73 = tpu.memref_squeeze %dma_start3A_72 : memref<1x10000x64xf32, #tpu.memory_space<hbm>> -> memref<10000x64xf32, #tpu.memory_space<hbm>>
    %dma_start3A_74 = arith.constant 0 : i32
    %dma_start3A_75 = arith.constant 0 : i32
    %dma_start3A_76 = tpu.memref_slice %dma_start3A_73[%dma_start3A_74, %dma_start3A_75] : memref<10000x64xf32, #tpu.memory_space<hbm>> -> memref<10000x64xf32, #tpu.memory_space<hbm>>
    tpu.enqueue_indirect_dma source(%dma_start3A_76 : memref<10000x64xf32, #tpu.memory_space<hbm>>) target(%dma_start3A_66 : memref<128x64xf32, #tpu.memory_space<vmem>>) offsets(%dma_start3A_69 : memref<128xi32, #tpu.memory_space<vmem>>) semaphore(%arg12 : memref<!tpu.dma_semaphore, #tpu.memory_space<semaphore_mem>>)
    %scan3A_77 = arith.constant 0 : i32
    %scan3A_78 = arith.constant 39 : i32
    %scan3A_79 = arith.addi %scan3A_77, %scan3A_78 : i32
    %scan3A_80 = arith.constant 1 : i32
    scf.for %scan3A_164 = %scan3A_77 to %scan3A_79 step %scan3A_80  : i32 {
      %mul3A_165 = arith.constant 1 : i32
      %mul3A_166 = arith.muli %scan3A_164, %mul3A_165 : i32
      %add3A = arith.constant 0 : i32
      %add3A_167 = arith.addi %add3A, %mul3A_166 : i32
      %mul3A_168 = arith.constant 2 : i32
      %mul3A_169 = arith.muli %mul3A_168, %add3A_167 : i32
      %mul3A_170 = arith.constant 2 : i32
      %mul3A_171 = arith.muli %mul3A_170, %add3A_167 : i32
      %add3A_172 = arith.constant 1 : i32
      %add3A_173 = arith.addi %mul3A_171, %add3A_172 : i32
      %mul3A_174 = arith.constant 2 : i32
      %mul3A_175 = arith.muli %mul3A_169, %mul3A_174 : i32
      %add3A_176 = arith.constant 0 : i32
      %add3A_177 = arith.addi %mul3A_175, %add3A_176 : i32
      %dma_wait3A_178 = arith.constant 0 : i32
      %dma_wait3A_179 = arith.constant 0 : i32
      %dma_wait3A_180 = arith.constant 0 : i32
      %dma_wait3A_181 = arith.constant 0 : i32
      %dma_wait3A_182 = tpu.memref_slice %arg8[%dma_wait3A_178, %dma_wait3A_179, %dma_wait3A_180, %dma_wait3A_181] : memref<2x2x128x64xf32, #tpu.memory_space<vmem>> -> memref<1x1x128x64xf32, #tpu.memory_space<vmem>>
      %dma_wait3A_183 = tpu.memref_squeeze %dma_wait3A_182 : memref<1x1x128x64xf32, #tpu.memory_space<vmem>> -> memref<128x64xf32, #tpu.memory_space<vmem>>
      %dma_wait3A_184 = arith.constant 0 : i32
      %dma_wait3A_185 = tpu.memref_slice %arg6[%add3A_177, %dma_wait3A_184] : memref<160x128xi32, #tpu.memory_space<vmem>> -> memref<1x128xi32, #tpu.memory_space<vmem>>
      %dma_wait3A_186 = tpu.memref_squeeze %dma_wait3A_185 : memref<1x128xi32, #tpu.memory_space<vmem>> -> memref<128xi32, #tpu.memory_space<vmem>>
      %dma_wait3A_187 = arith.constant 0 : i32
      %dma_wait3A_188 = arith.constant 0 : i32
      %dma_wait3A_189 = tpu.memref_slice %arg2[%arg0, %dma_wait3A_187, %dma_wait3A_188] : memref<2x10000x64xf32, #tpu.memory_space<hbm>> -> memref<1x10000x64xf32, #tpu.memory_space<hbm>>
      %dma_wait3A_190 = tpu.memref_squeeze %dma_wait3A_189 : memref<1x10000x64xf32, #tpu.memory_space<hbm>> -> memref<10000x64xf32, #tpu.memory_space<hbm>>
      %dma_wait3A_191 = arith.constant 0 : i32
      %dma_wait3A_192 = arith.constant 0 : i32
      %dma_wait3A_193 = tpu.memref_slice %dma_wait3A_190[%dma_wait3A_191, %dma_wait3A_192] : memref<10000x64xf32, #tpu.memory_space<hbm>> -> memref<10000x64xf32, #tpu.memory_space<hbm>>
      tpu.wait_indirect_dma semaphore(%arg11 : memref<!tpu.dma_semaphore, #tpu.memory_space<semaphore_mem>>) src(%dma_wait3A_193 : memref<10000x64xf32, #tpu.memory_space<hbm>>) dst(%dma_wait3A_183 : memref<128x64xf32, #tpu.memory_space<vmem>>)
      %mul3A_194 = arith.constant 2 : i32
      %mul3A_195 = arith.muli %mul3A_169, %mul3A_194 : i32
      %add3A_196 = arith.constant 1 : i32
      %add3A_197 = arith.addi %mul3A_195, %add3A_196 : i32
      %dma_wait3A_198 = arith.constant 0 : i32
      %dma_wait3A_199 = arith.constant 1 : i32
      %dma_wait3A_200 = arith.constant 0 : i32
      %dma_wait3A_201 = arith.constant 0 : i32
      %dma_wait3A_202 = tpu.memref_slice %arg8[%dma_wait3A_198, %dma_wait3A_199, %dma_wait3A_200, %dma_wait3A_201] : memref<2x2x128x64xf32, #tpu.memory_space<vmem>> -> memref<1x1x128x64xf32, #tpu.memory_space<vmem>>
      %dma_wait3A_203 = tpu.memref_squeeze %dma_wait3A_202 : memref<1x1x128x64xf32, #tpu.memory_space<vmem>> -> memref<128x64xf32, #tpu.memory_space<vmem>>
      %dma_wait3A_204 = arith.constant 0 : i32
      %dma_wait3A_205 = tpu.memref_slice %arg6[%add3A_197, %dma_wait3A_204] : memref<160x128xi32, #tpu.memory_space<vmem>> -> memref<1x128xi32, #tpu.memory_space<vmem>>
      %dma_wait3A_206 = tpu.memref_squeeze %dma_wait3A_205 : memref<1x128xi32, #tpu.memory_space<vmem>> -> memref<128xi32, #tpu.memory_space<vmem>>
      %dma_wait3A_207 = arith.constant 0 : i32
      %dma_wait3A_208 = arith.constant 0 : i32
      %dma_wait3A_209 = tpu.memref_slice %arg2[%arg0, %dma_wait3A_207, %dma_wait3A_208] : memref<2x10000x64xf32, #tpu.memory_space<hbm>> -> memref<1x10000x64xf32, #tpu.memory_space<hbm>>
      %dma_wait3A_210 = tpu.memref_squeeze %dma_wait3A_209 : memref<1x10000x64xf32, #tpu.memory_space<hbm>> -> memref<10000x64xf32, #tpu.memory_space<hbm>>
      %dma_wait3A_211 = arith.constant 0 : i32
      %dma_wait3A_212 = arith.constant 0 : i32
      %dma_wait3A_213 = tpu.memref_slice %dma_wait3A_210[%dma_wait3A_211, %dma_wait3A_212] : memref<10000x64xf32, #tpu.memory_space<hbm>> -> memref<10000x64xf32, #tpu.memory_space<hbm>>
      tpu.wait_indirect_dma semaphore(%arg11 : memref<!tpu.dma_semaphore, #tpu.memory_space<semaphore_mem>>) src(%dma_wait3A_213 : memref<10000x64xf32, #tpu.memory_space<hbm>>) dst(%dma_wait3A_203 : memref<128x64xf32, #tpu.memory_space<vmem>>)
      %mul3A_214 = arith.constant 2 : i32
      %mul3A_215 = arith.muli %mul3A_169, %mul3A_214 : i32
      %add3A_216 = arith.constant 0 : i32
      %add3A_217 = arith.addi %mul3A_215, %add3A_216 : i32
      %run_scoped3A_218 = arith.constant 0 : i32
      %run_scoped3A_219 = arith.constant 0 : i32
      "tpu.region"() ({
        %run_scoped3A_362 = tpu.sem_alloc : memref<!tpu.dma_semaphore, #tpu.memory_space<semaphore_mem>>
        %dma_start3A_363 = arith.constant 0 : i32
        %dma_start3A_364 = arith.constant 0 : i32
        %dma_start3A_365 = tpu.memref_slice %arg8[%run_scoped3A_218, %run_scoped3A_219, %dma_start3A_363, %dma_start3A_364] : memref<2x2x128x64xf32, #tpu.memory_space<vmem>> -> memref<1x1x128x64xf32, #tpu.memory_space<vmem>>
        %dma_start3A_366 = tpu.memref_squeeze %dma_start3A_365 : memref<1x1x128x64xf32, #tpu.memory_space<vmem>> -> memref<128x64xf32, #tpu.memory_space<vmem>>
        %dma_start3A_367 = arith.constant 0 : i32
        %dma_start3A_368 = tpu.memref_slice %arg7[%add3A_217, %dma_start3A_367] : memref<160x128xi32, #tpu.memory_space<vmem>> -> memref<1x128xi32, #tpu.memory_space<vmem>>
        %dma_start3A_369 = tpu.memref_squeeze %dma_start3A_368 : memref<1x128xi32, #tpu.memory_space<vmem>> -> memref<128xi32, #tpu.memory_space<vmem>>
        %dma_start3A_370 = arith.constant 0 : i32
        %dma_start3A_371 = arith.constant 0 : i32
        %dma_start3A_372 = tpu.memref_slice %arg10[%dma_start3A_370, %dma_start3A_371] : memref<10240x64xf32, #tpu.memory_space<vmem_shared>> -> memref<10240x64xf32, #tpu.memory_space<vmem_shared>>
        tpu.enqueue_indirect_dma source(%dma_start3A_366 : memref<128x64xf32, #tpu.memory_space<vmem>>) target(%dma_start3A_372 : memref<10240x64xf32, #tpu.memory_space<vmem_shared>>) offsets(%dma_start3A_369 : memref<128xi32, #tpu.memory_space<vmem>>) semaphore(%run_scoped3A_362 : memref<!tpu.dma_semaphore, #tpu.memory_space<semaphore_mem>>) {add = true}
        %dma_wait3A_373 = arith.constant 0 : i32
        %dma_wait3A_374 = arith.constant 0 : i32
        %dma_wait3A_375 = tpu.memref_slice %arg8[%run_scoped3A_218, %run_scoped3A_219, %dma_wait3A_373, %dma_wait3A_374] : memref<2x2x128x64xf32, #tpu.memory_space<vmem>> -> memref<1x1x128x64xf32, #tpu.memory_space<vmem>>
        %dma_wait3A_376 = tpu.memref_squeeze %dma_wait3A_375 : memref<1x1x128x64xf32, #tpu.memory_space<vmem>> -> memref<128x64xf32, #tpu.memory_space<vmem>>
        %dma_wait3A_377 = arith.constant 0 : i32
        %dma_wait3A_378 = tpu.memref_slice %arg7[%add3A_217, %dma_wait3A_377] : memref<160x128xi32, #tpu.memory_space<vmem>> -> memref<1x128xi32, #tpu.memory_space<vmem>>
        %dma_wait3A_379 = tpu.memref_squeeze %dma_wait3A_378 : memref<1x128xi32, #tpu.memory_space<vmem>> -> memref<128xi32, #tpu.memory_space<vmem>>
        %dma_wait3A_380 = arith.constant 0 : i32
        %dma_wait3A_381 = arith.constant 0 : i32
        %dma_wait3A_382 = tpu.memref_slice %arg10[%dma_wait3A_380, %dma_wait3A_381] : memref<10240x64xf32, #tpu.memory_space<vmem_shared>> -> memref<10240x64xf32, #tpu.memory_space<vmem_shared>>
        tpu.wait_indirect_dma semaphore(%run_scoped3A_362 : memref<!tpu.dma_semaphore, #tpu.memory_space<semaphore_mem>>) src(%dma_wait3A_376 : memref<128x64xf32, #tpu.memory_space<vmem>>) dst(%dma_wait3A_382 : memref<10240x64xf32, #tpu.memory_space<vmem_shared>>)
        tpu.yield
      }) : () -> ()
      %mul3A_220 = arith.constant 2 : i32
      %mul3A_221 = arith.muli %mul3A_169, %mul3A_220 : i32
      %add3A_222 = arith.constant 1 : i32
      %add3A_223 = arith.addi %mul3A_221, %add3A_222 : i32
      %run_scoped3A_224 = arith.constant 0 : i32
      %run_scoped3A_225 = arith.constant 1 : i32
      "tpu.region"() ({
        %run_scoped3A_362 = tpu.sem_alloc : memref<!tpu.dma_semaphore, #tpu.memory_space<semaphore_mem>>
        %dma_start3A_363 = arith.constant 0 : i32
        %dma_start3A_364 = arith.constant 0 : i32
        %dma_start3A_365 = tpu.memref_slice %arg8[%run_scoped3A_224, %run_scoped3A_225, %dma_start3A_363, %dma_start3A_364] : memref<2x2x128x64xf32, #tpu.memory_space<vmem>> -> memref<1x1x128x64xf32, #tpu.memory_space<vmem>>
        %dma_start3A_366 = tpu.memref_squeeze %dma_start3A_365 : memref<1x1x128x64xf32, #tpu.memory_space<vmem>> -> memref<128x64xf32, #tpu.memory_space<vmem>>
        %dma_start3A_367 = arith.constant 0 : i32
        %dma_start3A_368 = tpu.memref_slice %arg7[%add3A_223, %dma_start3A_367] : memref<160x128xi32, #tpu.memory_space<vmem>> -> memref<1x128xi32, #tpu.memory_space<vmem>>
        %dma_start3A_369 = tpu.memref_squeeze %dma_start3A_368 : memref<1x128xi32, #tpu.memory_space<vmem>> -> memref<128xi32, #tpu.memory_space<vmem>>
        %dma_start3A_370 = arith.constant 0 : i32
        %dma_start3A_371 = arith.constant 0 : i32
        %dma_start3A_372 = tpu.memref_slice %arg10[%dma_start3A_370, %dma_start3A_371] : memref<10240x64xf32, #tpu.memory_space<vmem_shared>> -> memref<10240x64xf32, #tpu.memory_space<vmem_shared>>
        tpu.enqueue_indirect_dma source(%dma_start3A_366 : memref<128x64xf32, #tpu.memory_space<vmem>>) target(%dma_start3A_372 : memref<10240x64xf32, #tpu.memory_space<vmem_shared>>) offsets(%dma_start3A_369 : memref<128xi32, #tpu.memory_space<vmem>>) semaphore(%run_scoped3A_362 : memref<!tpu.dma_semaphore, #tpu.memory_space<semaphore_mem>>) {add = true}
        %dma_wait3A_373 = arith.constant 0 : i32
        %dma_wait3A_374 = arith.constant 0 : i32
        %dma_wait3A_375 = tpu.memref_slice %arg8[%run_scoped3A_224, %run_scoped3A_225, %dma_wait3A_373, %dma_wait3A_374] : memref<2x2x128x64xf32, #tpu.memory_space<vmem>> -> memref<1x1x128x64xf32, #tpu.memory_space<vmem>>
        %dma_wait3A_376 = tpu.memref_squeeze %dma_wait3A_375 : memref<1x1x128x64xf32, #tpu.memory_space<vmem>> -> memref<128x64xf32, #tpu.memory_space<vmem>>
        %dma_wait3A_377 = arith.constant 0 : i32
        %dma_wait3A_378 = tpu.memref_slice %arg7[%add3A_223, %dma_wait3A_377] : memref<160x128xi32, #tpu.memory_space<vmem>> -> memref<1x128xi32, #tpu.memory_space<vmem>>
        %dma_wait3A_379 = tpu.memref_squeeze %dma_wait3A_378 : memref<1x128xi32, #tpu.memory_space<vmem>> -> memref<128xi32, #tpu.memory_space<vmem>>
        %dma_wait3A_380 = arith.constant 0 : i32
        %dma_wait3A_381 = arith.constant 0 : i32
        %dma_wait3A_382 = tpu.memref_slice %arg10[%dma_wait3A_380, %dma_wait3A_381] : memref<10240x64xf32, #tpu.memory_space<vmem_shared>> -> memref<10240x64xf32, #tpu.memory_space<vmem_shared>>
        tpu.wait_indirect_dma semaphore(%run_scoped3A_362 : memref<!tpu.dma_semaphore, #tpu.memory_space<semaphore_mem>>) src(%dma_wait3A_376 : memref<128x64xf32, #tpu.memory_space<vmem>>) dst(%dma_wait3A_382 : memref<10240x64xf32, #tpu.memory_space<vmem_shared>>)
        tpu.yield
      }) : () -> ()
      %add3A_226 = arith.constant 2 : i32
      %add3A_227 = arith.addi %mul3A_169, %add3A_226 : i32
      %mul3A_228 = arith.constant 2 : i32
      %mul3A_229 = arith.muli %add3A_227, %mul3A_228 : i32
      %add3A_230 = arith.constant 0 : i32
      %add3A_231 = arith.addi %mul3A_229, %add3A_230 : i32
      %dma_start3A_232 = arith.constant 0 : i32
      %dma_start3A_233 = arith.constant 0 : i32
      %dma_start3A_234 = arith.constant 0 : i32
      %dma_start3A_235 = arith.constant 0 : i32
      %dma_start3A_236 = tpu.memref_slice %arg8[%dma_start3A_232, %dma_start3A_233, %dma_start3A_234, %dma_start3A_235] : memref<2x2x128x64xf32, #tpu.memory_space<vmem>> -> memref<1x1x128x64xf32, #tpu.memory_space<vmem>>
      %dma_start3A_237 = tpu.memref_squeeze %dma_start3A_236 : memref<1x1x128x64xf32, #tpu.memory_space<vmem>> -> memref<128x64xf32, #tpu.memory_space<vmem>>
      %dma_start3A_238 = arith.constant 0 : i32
      %dma_start3A_239 = tpu.memref_slice %arg6[%add3A_231, %dma_start3A_238] : memref<160x128xi32, #tpu.memory_space<vmem>> -> memref<1x128xi32, #tpu.memory_space<vmem>>
      %dma_start3A_240 = tpu.memref_squeeze %dma_start3A_239 : memref<1x128xi32, #tpu.memory_space<vmem>> -> memref<128xi32, #tpu.memory_space<vmem>>
      %dma_start3A_241 = arith.constant 0 : i32
      %dma_start3A_242 = arith.constant 0 : i32
      %dma_start3A_243 = tpu.memref_slice %arg2[%arg0, %dma_start3A_241, %dma_start3A_242] : memref<2x10000x64xf32, #tpu.memory_space<hbm>> -> memref<1x10000x64xf32, #tpu.memory_space<hbm>>
      %dma_start3A_244 = tpu.memref_squeeze %dma_start3A_243 : memref<1x10000x64xf32, #tpu.memory_space<hbm>> -> memref<10000x64xf32, #tpu.memory_space<hbm>>
      %dma_start3A_245 = arith.constant 0 : i32
      %dma_start3A_246 = arith.constant 0 : i32
      %dma_start3A_247 = tpu.memref_slice %dma_start3A_244[%dma_start3A_245, %dma_start3A_246] : memref<10000x64xf32, #tpu.memory_space<hbm>> -> memref<10000x64xf32, #tpu.memory_space<hbm>>
      tpu.enqueue_indirect_dma source(%dma_start3A_247 : memref<10000x64xf32, #tpu.memory_space<hbm>>) target(%dma_start3A_237 : memref<128x64xf32, #tpu.memory_space<vmem>>) offsets(%dma_start3A_240 : memref<128xi32, #tpu.memory_space<vmem>>) semaphore(%arg11 : memref<!tpu.dma_semaphore, #tpu.memory_space<semaphore_mem>>)
      %mul3A_248 = arith.constant 2 : i32
      %mul3A_249 = arith.muli %add3A_227, %mul3A_248 : i32
      %add3A_250 = arith.constant 1 : i32
      %add3A_251 = arith.addi %mul3A_249, %add3A_250 : i32
      %dma_start3A_252 = arith.constant 0 : i32
      %dma_start3A_253 = arith.constant 1 : i32
      %dma_start3A_254 = arith.constant 0 : i32
      %dma_start3A_255 = arith.constant 0 : i32
      %dma_start3A_256 = tpu.memref_slice %arg8[%dma_start3A_252, %dma_start3A_253, %dma_start3A_254, %dma_start3A_255] : memref<2x2x128x64xf32, #tpu.memory_space<vmem>> -> memref<1x1x128x64xf32, #tpu.memory_space<vmem>>
      %dma_start3A_257 = tpu.memref_squeeze %dma_start3A_256 : memref<1x1x128x64xf32, #tpu.memory_space<vmem>> -> memref<128x64xf32, #tpu.memory_space<vmem>>
      %dma_start3A_258 = arith.constant 0 : i32
      %dma_start3A_259 = tpu.memref_slice %arg6[%add3A_251, %dma_start3A_258] : memref<160x128xi32, #tpu.memory_space<vmem>> -> memref<1x128xi32, #tpu.memory_space<vmem>>
      %dma_start3A_260 = tpu.memref_squeeze %dma_start3A_259 : memref<1x128xi32, #tpu.memory_space<vmem>> -> memref<128xi32, #tpu.memory_space<vmem>>
      %dma_start3A_261 = arith.constant 0 : i32
      %dma_start3A_262 = arith.constant 0 : i32
      %dma_start3A_263 = tpu.memref_slice %arg2[%arg0, %dma_start3A_261, %dma_start3A_262] : memref<2x10000x64xf32, #tpu.memory_space<hbm>> -> memref<1x10000x64xf32, #tpu.memory_space<hbm>>
      %dma_start3A_264 = tpu.memref_squeeze %dma_start3A_263 : memref<1x10000x64xf32, #tpu.memory_space<hbm>> -> memref<10000x64xf32, #tpu.memory_space<hbm>>
      %dma_start3A_265 = arith.constant 0 : i32
      %dma_start3A_266 = arith.constant 0 : i32
      %dma_start3A_267 = tpu.memref_slice %dma_start3A_264[%dma_start3A_265, %dma_start3A_266] : memref<10000x64xf32, #tpu.memory_space<hbm>> -> memref<10000x64xf32, #tpu.memory_space<hbm>>
      tpu.enqueue_indirect_dma source(%dma_start3A_267 : memref<10000x64xf32, #tpu.memory_space<hbm>>) target(%dma_start3A_257 : memref<128x64xf32, #tpu.memory_space<vmem>>) offsets(%dma_start3A_260 : memref<128xi32, #tpu.memory_space<vmem>>) semaphore(%arg11 : memref<!tpu.dma_semaphore, #tpu.memory_space<semaphore_mem>>)
      %mul3A_268 = arith.constant 2 : i32
      %mul3A_269 = arith.muli %add3A_173, %mul3A_268 : i32
      %add3A_270 = arith.constant 0 : i32
      %add3A_271 = arith.addi %mul3A_269, %add3A_270 : i32
      %dma_wait3A_272 = arith.constant 1 : i32
      %dma_wait3A_273 = arith.constant 0 : i32
      %dma_wait3A_274 = arith.constant 0 : i32
      %dma_wait3A_275 = arith.constant 0 : i32
      %dma_wait3A_276 = tpu.memref_slice %arg8[%dma_wait3A_272, %dma_wait3A_273, %dma_wait3A_274, %dma_wait3A_275] : memref<2x2x128x64xf32, #tpu.memory_space<vmem>> -> memref<1x1x128x64xf32, #tpu.memory_space<vmem>>
      %dma_wait3A_277 = tpu.memref_squeeze %dma_wait3A_276 : memref<1x1x128x64xf32, #tpu.memory_space<vmem>> -> memref<128x64xf32, #tpu.memory_space<vmem>>
      %dma_wait3A_278 = arith.constant 0 : i32
      %dma_wait3A_279 = tpu.memref_slice %arg6[%add3A_271, %dma_wait3A_278] : memref<160x128xi32, #tpu.memory_space<vmem>> -> memref<1x128xi32, #tpu.memory_space<vmem>>
      %dma_wait3A_280 = tpu.memref_squeeze %dma_wait3A_279 : memref<1x128xi32, #tpu.memory_space<vmem>> -> memref<128xi32, #tpu.memory_space<vmem>>
      %dma_wait3A_281 = arith.constant 0 : i32
      %dma_wait3A_282 = arith.constant 0 : i32
      %dma_wait3A_283 = tpu.memref_slice %arg2[%arg0, %dma_wait3A_281, %dma_wait3A_282] : memref<2x10000x64xf32, #tpu.memory_space<hbm>> -> memref<1x10000x64xf32, #tpu.memory_space<hbm>>
      %dma_wait3A_284 = tpu.memref_squeeze %dma_wait3A_283 : memref<1x10000x64xf32, #tpu.memory_space<hbm>> -> memref<10000x64xf32, #tpu.memory_space<hbm>>
      %dma_wait3A_285 = arith.constant 0 : i32
      %dma_wait3A_286 = arith.constant 0 : i32
      %dma_wait3A_287 = tpu.memref_slice %dma_wait3A_284[%dma_wait3A_285, %dma_wait3A_286] : memref<10000x64xf32, #tpu.memory_space<hbm>> -> memref<10000x64xf32, #tpu.memory_space<hbm>>
      tpu.wait_indirect_dma semaphore(%arg12 : memref<!tpu.dma_semaphore, #tpu.memory_space<semaphore_mem>>) src(%dma_wait3A_287 : memref<10000x64xf32, #tpu.memory_space<hbm>>) dst(%dma_wait3A_277 : memref<128x64xf32, #tpu.memory_space<vmem>>)
      %mul3A_288 = arith.constant 2 : i32
      %mul3A_289 = arith.muli %add3A_173, %mul3A_288 : i32
      %add3A_290 = arith.constant 1 : i32
      %add3A_291 = arith.addi %mul3A_289, %add3A_290 : i32
      %dma_wait3A_292 = arith.constant 1 : i32
      %dma_wait3A_293 = arith.constant 1 : i32
      %dma_wait3A_294 = arith.constant 0 : i32
      %dma_wait3A_295 = arith.constant 0 : i32
      %dma_wait3A_296 = tpu.memref_slice %arg8[%dma_wait3A_292, %dma_wait3A_293, %dma_wait3A_294, %dma_wait3A_295] : memref<2x2x128x64xf32, #tpu.memory_space<vmem>> -> memref<1x1x128x64xf32, #tpu.memory_space<vmem>>
      %dma_wait3A_297 = tpu.memref_squeeze %dma_wait3A_296 : memref<1x1x128x64xf32, #tpu.memory_space<vmem>> -> memref<128x64xf32, #tpu.memory_space<vmem>>
      %dma_wait3A_298 = arith.constant 0 : i32
      %dma_wait3A_299 = tpu.memref_slice %arg6[%add3A_291, %dma_wait3A_298] : memref<160x128xi32, #tpu.memory_space<vmem>> -> memref<1x128xi32, #tpu.memory_space<vmem>>
      %dma_wait3A_300 = tpu.memref_squeeze %dma_wait3A_299 : memref<1x128xi32, #tpu.memory_space<vmem>> -> memref<128xi32, #tpu.memory_space<vmem>>
      %dma_wait3A_301 = arith.constant 0 : i32
      %dma_wait3A_302 = arith.constant 0 : i32
      %dma_wait3A_303 = tpu.memref_slice %arg2[%arg0, %dma_wait3A_301, %dma_wait3A_302] : memref<2x10000x64xf32, #tpu.memory_space<hbm>> -> memref<1x10000x64xf32, #tpu.memory_space<hbm>>
      %dma_wait3A_304 = tpu.memref_squeeze %dma_wait3A_303 : memref<1x10000x64xf32, #tpu.memory_space<hbm>> -> memref<10000x64xf32, #tpu.memory_space<hbm>>
      %dma_wait3A_305 = arith.constant 0 : i32
      %dma_wait3A_306 = arith.constant 0 : i32
      %dma_wait3A_307 = tpu.memref_slice %dma_wait3A_304[%dma_wait3A_305, %dma_wait3A_306] : memref<10000x64xf32, #tpu.memory_space<hbm>> -> memref<10000x64xf32, #tpu.memory_space<hbm>>
      tpu.wait_indirect_dma semaphore(%arg12 : memref<!tpu.dma_semaphore, #tpu.memory_space<semaphore_mem>>) src(%dma_wait3A_307 : memref<10000x64xf32, #tpu.memory_space<hbm>>) dst(%dma_wait3A_297 : memref<128x64xf32, #tpu.memory_space<vmem>>)
      %mul3A_308 = arith.constant 2 : i32
      %mul3A_309 = arith.muli %add3A_173, %mul3A_308 : i32
      %add3A_310 = arith.constant 0 : i32
      %add3A_311 = arith.addi %mul3A_309, %add3A_310 : i32
      %run_scoped3A_312 = arith.constant 1 : i32
      %run_scoped3A_313 = arith.constant 0 : i32
      "tpu.region"() ({
        %run_scoped3A_362 = tpu.sem_alloc : memref<!tpu.dma_semaphore, #tpu.memory_space<semaphore_mem>>
        %dma_start3A_363 = arith.constant 0 : i32
        %dma_start3A_364 = arith.constant 0 : i32
        %dma_start3A_365 = tpu.memref_slice %arg8[%run_scoped3A_312, %run_scoped3A_313, %dma_start3A_363, %dma_start3A_364] : memref<2x2x128x64xf32, #tpu.memory_space<vmem>> -> memref<1x1x128x64xf32, #tpu.memory_space<vmem>>
        %dma_start3A_366 = tpu.memref_squeeze %dma_start3A_365 : memref<1x1x128x64xf32, #tpu.memory_space<vmem>> -> memref<128x64xf32, #tpu.memory_space<vmem>>
        %dma_start3A_367 = arith.constant 0 : i32
        %dma_start3A_368 = tpu.memref_slice %arg7[%add3A_311, %dma_start3A_367] : memref<160x128xi32, #tpu.memory_space<vmem>> -> memref<1x128xi32, #tpu.memory_space<vmem>>
        %dma_start3A_369 = tpu.memref_squeeze %dma_start3A_368 : memref<1x128xi32, #tpu.memory_space<vmem>> -> memref<128xi32, #tpu.memory_space<vmem>>
        %dma_start3A_370 = arith.constant 0 : i32
        %dma_start3A_371 = arith.constant 0 : i32
        %dma_start3A_372 = tpu.memref_slice %arg10[%dma_start3A_370, %dma_start3A_371] : memref<10240x64xf32, #tpu.memory_space<vmem_shared>> -> memref<10240x64xf32, #tpu.memory_space<vmem_shared>>
        tpu.enqueue_indirect_dma source(%dma_start3A_366 : memref<128x64xf32, #tpu.memory_space<vmem>>) target(%dma_start3A_372 : memref<10240x64xf32, #tpu.memory_space<vmem_shared>>) offsets(%dma_start3A_369 : memref<128xi32, #tpu.memory_space<vmem>>) semaphore(%run_scoped3A_362 : memref<!tpu.dma_semaphore, #tpu.memory_space<semaphore_mem>>) {add = true}
        %dma_wait3A_373 = arith.constant 0 : i32
        %dma_wait3A_374 = arith.constant 0 : i32
        %dma_wait3A_375 = tpu.memref_slice %arg8[%run_scoped3A_312, %run_scoped3A_313, %dma_wait3A_373, %dma_wait3A_374] : memref<2x2x128x64xf32, #tpu.memory_space<vmem>> -> memref<1x1x128x64xf32, #tpu.memory_space<vmem>>
        %dma_wait3A_376 = tpu.memref_squeeze %dma_wait3A_375 : memref<1x1x128x64xf32, #tpu.memory_space<vmem>> -> memref<128x64xf32, #tpu.memory_space<vmem>>
        %dma_wait3A_377 = arith.constant 0 : i32
        %dma_wait3A_378 = tpu.memref_slice %arg7[%add3A_311, %dma_wait3A_377] : memref<160x128xi32, #tpu.memory_space<vmem>> -> memref<1x128xi32, #tpu.memory_space<vmem>>
        %dma_wait3A_379 = tpu.memref_squeeze %dma_wait3A_378 : memref<1x128xi32, #tpu.memory_space<vmem>> -> memref<128xi32, #tpu.memory_space<vmem>>
        %dma_wait3A_380 = arith.constant 0 : i32
        %dma_wait3A_381 = arith.constant 0 : i32
        %dma_wait3A_382 = tpu.memref_slice %arg10[%dma_wait3A_380, %dma_wait3A_381] : memref<10240x64xf32, #tpu.memory_space<vmem_shared>> -> memref<10240x64xf32, #tpu.memory_space<vmem_shared>>
        tpu.wait_indirect_dma semaphore(%run_scoped3A_362 : memref<!tpu.dma_semaphore, #tpu.memory_space<semaphore_mem>>) src(%dma_wait3A_376 : memref<128x64xf32, #tpu.memory_space<vmem>>) dst(%dma_wait3A_382 : memref<10240x64xf32, #tpu.memory_space<vmem_shared>>)
        tpu.yield
      }) : () -> ()
      %mul3A_314 = arith.constant 2 : i32
      %mul3A_315 = arith.muli %add3A_173, %mul3A_314 : i32
      %add3A_316 = arith.constant 1 : i32
      %add3A_317 = arith.addi %mul3A_315, %add3A_316 : i32
      %run_scoped3A_318 = arith.constant 1 : i32
      %run_scoped3A_319 = arith.constant 1 : i32
      "tpu.region"() ({
        %run_scoped3A_362 = tpu.sem_alloc : memref<!tpu.dma_semaphore, #tpu.memory_space<semaphore_mem>>
        %dma_start3A_363 = arith.constant 0 : i32
        %dma_start3A_364 = arith.constant 0 : i32
        %dma_start3A_365 = tpu.memref_slice %arg8[%run_scoped3A_318, %run_scoped3A_319, %dma_start3A_363, %dma_start3A_364] : memref<2x2x128x64xf32, #tpu.memory_space<vmem>> -> memref<1x1x128x64xf32, #tpu.memory_space<vmem>>
        %dma_start3A_366 = tpu.memref_squeeze %dma_start3A_365 : memref<1x1x128x64xf32, #tpu.memory_space<vmem>> -> memref<128x64xf32, #tpu.memory_space<vmem>>
        %dma_start3A_367 = arith.constant 0 : i32
        %dma_start3A_368 = tpu.memref_slice %arg7[%add3A_317, %dma_start3A_367] : memref<160x128xi32, #tpu.memory_space<vmem>> -> memref<1x128xi32, #tpu.memory_space<vmem>>
        %dma_start3A_369 = tpu.memref_squeeze %dma_start3A_368 : memref<1x128xi32, #tpu.memory_space<vmem>> -> memref<128xi32, #tpu.memory_space<vmem>>
        %dma_start3A_370 = arith.constant 0 : i32
        %dma_start3A_371 = arith.constant 0 : i32
        %dma_start3A_372 = tpu.memref_slice %arg10[%dma_start3A_370, %dma_start3A_371] : memref<10240x64xf32, #tpu.memory_space<vmem_shared>> -> memref<10240x64xf32, #tpu.memory_space<vmem_shared>>
        tpu.enqueue_indirect_dma source(%dma_start3A_366 : memref<128x64xf32, #tpu.memory_space<vmem>>) target(%dma_start3A_372 : memref<10240x64xf32, #tpu.memory_space<vmem_shared>>) offsets(%dma_start3A_369 : memref<128xi32, #tpu.memory_space<vmem>>) semaphore(%run_scoped3A_362 : memref<!tpu.dma_semaphore, #tpu.memory_space<semaphore_mem>>) {add = true}
        %dma_wait3A_373 = arith.constant 0 : i32
        %dma_wait3A_374 = arith.constant 0 : i32
        %dma_wait3A_375 = tpu.memref_slice %arg8[%run_scoped3A_318, %run_scoped3A_319, %dma_wait3A_373, %dma_wait3A_374] : memref<2x2x128x64xf32, #tpu.memory_space<vmem>> -> memref<1x1x128x64xf32, #tpu.memory_space<vmem>>
        %dma_wait3A_376 = tpu.memref_squeeze %dma_wait3A_375 : memref<1x1x128x64xf32, #tpu.memory_space<vmem>> -> memref<128x64xf32, #tpu.memory_space<vmem>>
        %dma_wait3A_377 = arith.constant 0 : i32
        %dma_wait3A_378 = tpu.memref_slice %arg7[%add3A_317, %dma_wait3A_377] : memref<160x128xi32, #tpu.memory_space<vmem>> -> memref<1x128xi32, #tpu.memory_space<vmem>>
        %dma_wait3A_379 = tpu.memref_squeeze %dma_wait3A_378 : memref<1x128xi32, #tpu.memory_space<vmem>> -> memref<128xi32, #tpu.memory_space<vmem>>
        %dma_wait3A_380 = arith.constant 0 : i32
        %dma_wait3A_381 = arith.constant 0 : i32
        %dma_wait3A_382 = tpu.memref_slice %arg10[%dma_wait3A_380, %dma_wait3A_381] : memref<10240x64xf32, #tpu.memory_space<vmem_shared>> -> memref<10240x64xf32, #tpu.memory_space<vmem_shared>>
        tpu.wait_indirect_dma semaphore(%run_scoped3A_362 : memref<!tpu.dma_semaphore, #tpu.memory_space<semaphore_mem>>) src(%dma_wait3A_376 : memref<128x64xf32, #tpu.memory_space<vmem>>) dst(%dma_wait3A_382 : memref<10240x64xf32, #tpu.memory_space<vmem_shared>>)
        tpu.yield
      }) : () -> ()
      %add3A_320 = arith.constant 2 : i32
      %add3A_321 = arith.addi %add3A_173, %add3A_320 : i32
      %mul3A_322 = arith.constant 2 : i32
      %mul3A_323 = arith.muli %add3A_321, %mul3A_322 : i32
      %add3A_324 = arith.constant 0 : i32
      %add3A_325 = arith.addi %mul3A_323, %add3A_324 : i32
      %dma_start3A_326 = arith.constant 1 : i32
      %dma_start3A_327 = arith.constant 0 : i32
      %dma_start3A_328 = arith.constant 0 : i32
      %dma_start3A_329 = arith.constant 0 : i32
      %dma_start3A_330 = tpu.memref_slice %arg8[%dma_start3A_326, %dma_start3A_327, %dma_start3A_328, %dma_start3A_329] : memref<2x2x128x64xf32, #tpu.memory_space<vmem>> -> memref<1x1x128x64xf32, #tpu.memory_space<vmem>>
      %dma_start3A_331 = tpu.memref_squeeze %dma_start3A_330 : memref<1x1x128x64xf32, #tpu.memory_space<vmem>> -> memref<128x64xf32, #tpu.memory_space<vmem>>
      %dma_start3A_332 = arith.constant 0 : i32
      %dma_start3A_333 = tpu.memref_slice %arg6[%add3A_325, %dma_start3A_332] : memref<160x128xi32, #tpu.memory_space<vmem>> -> memref<1x128xi32, #tpu.memory_space<vmem>>
      %dma_start3A_334 = tpu.memref_squeeze %dma_start3A_333 : memref<1x128xi32, #tpu.memory_space<vmem>> -> memref<128xi32, #tpu.memory_space<vmem>>
      %dma_start3A_335 = arith.constant 0 : i32
      %dma_start3A_336 = arith.constant 0 : i32
      %dma_start3A_337 = tpu.memref_slice %arg2[%arg0, %dma_start3A_335, %dma_start3A_336] : memref<2x10000x64xf32, #tpu.memory_space<hbm>> -> memref<1x10000x64xf32, #tpu.memory_space<hbm>>
      %dma_start3A_338 = tpu.memref_squeeze %dma_start3A_337 : memref<1x10000x64xf32, #tpu.memory_space<hbm>> -> memref<10000x64xf32, #tpu.memory_space<hbm>>
      %dma_start3A_339 = arith.constant 0 : i32
      %dma_start3A_340 = arith.constant 0 : i32
      %dma_start3A_341 = tpu.memref_slice %dma_start3A_338[%dma_start3A_339, %dma_start3A_340] : memref<10000x64xf32, #tpu.memory_space<hbm>> -> memref<10000x64xf32, #tpu.memory_space<hbm>>
      tpu.enqueue_indirect_dma source(%dma_start3A_341 : memref<10000x64xf32, #tpu.memory_space<hbm>>) target(%dma_start3A_331 : memref<128x64xf32, #tpu.memory_space<vmem>>) offsets(%dma_start3A_334 : memref<128xi32, #tpu.memory_space<vmem>>) semaphore(%arg12 : memref<!tpu.dma_semaphore, #tpu.memory_space<semaphore_mem>>)
      %mul3A_342 = arith.constant 2 : i32
      %mul3A_343 = arith.muli %add3A_321, %mul3A_342 : i32
      %add3A_344 = arith.constant 1 : i32
      %add3A_345 = arith.addi %mul3A_343, %add3A_344 : i32
      %dma_start3A_346 = arith.constant 1 : i32
      %dma_start3A_347 = arith.constant 1 : i32
      %dma_start3A_348 = arith.constant 0 : i32
      %dma_start3A_349 = arith.constant 0 : i32
      %dma_start3A_350 = tpu.memref_slice %arg8[%dma_start3A_346, %dma_start3A_347, %dma_start3A_348, %dma_start3A_349] : memref<2x2x128x64xf32, #tpu.memory_space<vmem>> -> memref<1x1x128x64xf32, #tpu.memory_space<vmem>>
      %dma_start3A_351 = tpu.memref_squeeze %dma_start3A_350 : memref<1x1x128x64xf32, #tpu.memory_space<vmem>> -> memref<128x64xf32, #tpu.memory_space<vmem>>
      %dma_start3A_352 = arith.constant 0 : i32
      %dma_start3A_353 = tpu.memref_slice %arg6[%add3A_345, %dma_start3A_352] : memref<160x128xi32, #tpu.memory_space<vmem>> -> memref<1x128xi32, #tpu.memory_space<vmem>>
      %dma_start3A_354 = tpu.memref_squeeze %dma_start3A_353 : memref<1x128xi32, #tpu.memory_space<vmem>> -> memref<128xi32, #tpu.memory_space<vmem>>
      %dma_start3A_355 = arith.constant 0 : i32
      %dma_start3A_356 = arith.constant 0 : i32
      %dma_start3A_357 = tpu.memref_slice %arg2[%arg0, %dma_start3A_355, %dma_start3A_356] : memref<2x10000x64xf32, #tpu.memory_space<hbm>> -> memref<1x10000x64xf32, #tpu.memory_space<hbm>>
      %dma_start3A_358 = tpu.memref_squeeze %dma_start3A_357 : memref<1x10000x64xf32, #tpu.memory_space<hbm>> -> memref<10000x64xf32, #tpu.memory_space<hbm>>
      %dma_start3A_359 = arith.constant 0 : i32
      %dma_start3A_360 = arith.constant 0 : i32
      %dma_start3A_361 = tpu.memref_slice %dma_start3A_358[%dma_start3A_359, %dma_start3A_360] : memref<10000x64xf32, #tpu.memory_space<hbm>> -> memref<10000x64xf32, #tpu.memory_space<hbm>>
      tpu.enqueue_indirect_dma source(%dma_start3A_361 : memref<10000x64xf32, #tpu.memory_space<hbm>>) target(%dma_start3A_351 : memref<128x64xf32, #tpu.memory_space<vmem>>) offsets(%dma_start3A_354 : memref<128xi32, #tpu.memory_space<vmem>>) semaphore(%arg12 : memref<!tpu.dma_semaphore, #tpu.memory_space<semaphore_mem>>)
    }
    %scan3A_81 = arith.constant 39 : i32
    %dma_wait3A = arith.constant 156 : i32
    %dma_wait3A_82 = arith.constant 0 : i32
    %dma_wait3A_83 = arith.constant 0 : i32
    %dma_wait3A_84 = arith.constant 0 : i32
    %dma_wait3A_85 = arith.constant 0 : i32
    %dma_wait3A_86 = tpu.memref_slice %arg8[%dma_wait3A_82, %dma_wait3A_83, %dma_wait3A_84, %dma_wait3A_85] : memref<2x2x128x64xf32, #tpu.memory_space<vmem>> -> memref<1x1x128x64xf32, #tpu.memory_space<vmem>>
    %dma_wait3A_87 = tpu.memref_squeeze %dma_wait3A_86 : memref<1x1x128x64xf32, #tpu.memory_space<vmem>> -> memref<128x64xf32, #tpu.memory_space<vmem>>
    %dma_wait3A_88 = arith.constant 0 : i32
    %dma_wait3A_89 = tpu.memref_slice %arg6[%dma_wait3A, %dma_wait3A_88] : memref<160x128xi32, #tpu.memory_space<vmem>> -> memref<1x128xi32, #tpu.memory_space<vmem>>
    %dma_wait3A_90 = tpu.memref_squeeze %dma_wait3A_89 : memref<1x128xi32, #tpu.memory_space<vmem>> -> memref<128xi32, #tpu.memory_space<vmem>>
    %dma_wait3A_91 = arith.constant 0 : i32
    %dma_wait3A_92 = arith.constant 0 : i32
    %dma_wait3A_93 = tpu.memref_slice %arg2[%arg0, %dma_wait3A_91, %dma_wait3A_92] : memref<2x10000x64xf32, #tpu.memory_space<hbm>> -> memref<1x10000x64xf32, #tpu.memory_space<hbm>>
    %dma_wait3A_94 = tpu.memref_squeeze %dma_wait3A_93 : memref<1x10000x64xf32, #tpu.memory_space<hbm>> -> memref<10000x64xf32, #tpu.memory_space<hbm>>
    %dma_wait3A_95 = arith.constant 0 : i32
    %dma_wait3A_96 = arith.constant 0 : i32
    %dma_wait3A_97 = tpu.memref_slice %dma_wait3A_94[%dma_wait3A_95, %dma_wait3A_96] : memref<10000x64xf32, #tpu.memory_space<hbm>> -> memref<10000x64xf32, #tpu.memory_space<hbm>>
    tpu.wait_indirect_dma semaphore(%arg11 : memref<!tpu.dma_semaphore, #tpu.memory_space<semaphore_mem>>) src(%dma_wait3A_97 : memref<10000x64xf32, #tpu.memory_space<hbm>>) dst(%dma_wait3A_87 : memref<128x64xf32, #tpu.memory_space<vmem>>)
    %dma_wait3A_98 = arith.constant 157 : i32
    %dma_wait3A_99 = arith.constant 0 : i32
    %dma_wait3A_100 = arith.constant 1 : i32
    %dma_wait3A_101 = arith.constant 0 : i32
    %dma_wait3A_102 = arith.constant 0 : i32
    %dma_wait3A_103 = tpu.memref_slice %arg8[%dma_wait3A_99, %dma_wait3A_100, %dma_wait3A_101, %dma_wait3A_102] : memref<2x2x128x64xf32, #tpu.memory_space<vmem>> -> memref<1x1x128x64xf32, #tpu.memory_space<vmem>>
    %dma_wait3A_104 = tpu.memref_squeeze %dma_wait3A_103 : memref<1x1x128x64xf32, #tpu.memory_space<vmem>> -> memref<128x64xf32, #tpu.memory_space<vmem>>
    %dma_wait3A_105 = arith.constant 0 : i32
    %dma_wait3A_106 = tpu.memref_slice %arg6[%dma_wait3A_98, %dma_wait3A_105] : memref<160x128xi32, #tpu.memory_space<vmem>> -> memref<1x128xi32, #tpu.memory_space<vmem>>
    %dma_wait3A_107 = tpu.memref_squeeze %dma_wait3A_106 : memref<1x128xi32, #tpu.memory_space<vmem>> -> memref<128xi32, #tpu.memory_space<vmem>>
    %dma_wait3A_108 = arith.constant 0 : i32
    %dma_wait3A_109 = arith.constant 0 : i32
    %dma_wait3A_110 = tpu.memref_slice %arg2[%arg0, %dma_wait3A_108, %dma_wait3A_109] : memref<2x10000x64xf32, #tpu.memory_space<hbm>> -> memref<1x10000x64xf32, #tpu.memory_space<hbm>>
    %dma_wait3A_111 = tpu.memref_squeeze %dma_wait3A_110 : memref<1x10000x64xf32, #tpu.memory_space<hbm>> -> memref<10000x64xf32, #tpu.memory_space<hbm>>
    %dma_wait3A_112 = arith.constant 0 : i32
    %dma_wait3A_113 = arith.constant 0 : i32
    %dma_wait3A_114 = tpu.memref_slice %dma_wait3A_111[%dma_wait3A_112, %dma_wait3A_113] : memref<10000x64xf32, #tpu.memory_space<hbm>> -> memref<10000x64xf32, #tpu.memory_space<hbm>>
    tpu.wait_indirect_dma semaphore(%arg11 : memref<!tpu.dma_semaphore, #tpu.memory_space<semaphore_mem>>) src(%dma_wait3A_114 : memref<10000x64xf32, #tpu.memory_space<hbm>>) dst(%dma_wait3A_104 : memref<128x64xf32, #tpu.memory_space<vmem>>)
    %run_scoped3A = arith.constant 0 : i32
    %run_scoped3A_115 = arith.constant 0 : i32
    %run_scoped3A_116 = arith.constant 156 : i32
    "tpu.region"() ({
      %run_scoped3A_164 = tpu.sem_alloc : memref<!tpu.dma_semaphore, #tpu.memory_space<semaphore_mem>>
      %dma_start3A_165 = arith.constant 0 : i32
      %dma_start3A_166 = arith.constant 0 : i32
      %dma_start3A_167 = tpu.memref_slice %arg8[%run_scoped3A, %run_scoped3A_115, %dma_start3A_165, %dma_start3A_166] : memref<2x2x128x64xf32, #tpu.memory_space<vmem>> -> memref<1x1x128x64xf32, #tpu.memory_space<vmem>>
      %dma_start3A_168 = tpu.memref_squeeze %dma_start3A_167 : memref<1x1x128x64xf32, #tpu.memory_space<vmem>> -> memref<128x64xf32, #tpu.memory_space<vmem>>
      %dma_start3A_169 = arith.constant 0 : i32
      %dma_start3A_170 = tpu.memref_slice %arg7[%run_scoped3A_116, %dma_start3A_169] : memref<160x128xi32, #tpu.memory_space<vmem>> -> memref<1x128xi32, #tpu.memory_space<vmem>>
      %dma_start3A_171 = tpu.memref_squeeze %dma_start3A_170 : memref<1x128xi32, #tpu.memory_space<vmem>> -> memref<128xi32, #tpu.memory_space<vmem>>
      %dma_start3A_172 = arith.constant 0 : i32
      %dma_start3A_173 = arith.constant 0 : i32
      %dma_start3A_174 = tpu.memref_slice %arg10[%dma_start3A_172, %dma_start3A_173] : memref<10240x64xf32, #tpu.memory_space<vmem_shared>> -> memref<10240x64xf32, #tpu.memory_space<vmem_shared>>
      tpu.enqueue_indirect_dma source(%dma_start3A_168 : memref<128x64xf32, #tpu.memory_space<vmem>>) target(%dma_start3A_174 : memref<10240x64xf32, #tpu.memory_space<vmem_shared>>) offsets(%dma_start3A_171 : memref<128xi32, #tpu.memory_space<vmem>>) semaphore(%run_scoped3A_164 : memref<!tpu.dma_semaphore, #tpu.memory_space<semaphore_mem>>) {add = true}
      %dma_wait3A_175 = arith.constant 0 : i32
      %dma_wait3A_176 = arith.constant 0 : i32
      %dma_wait3A_177 = tpu.memref_slice %arg8[%run_scoped3A, %run_scoped3A_115, %dma_wait3A_175, %dma_wait3A_176] : memref<2x2x128x64xf32, #tpu.memory_space<vmem>> -> memref<1x1x128x64xf32, #tpu.memory_space<vmem>>
      %dma_wait3A_178 = tpu.memref_squeeze %dma_wait3A_177 : memref<1x1x128x64xf32, #tpu.memory_space<vmem>> -> memref<128x64xf32, #tpu.memory_space<vmem>>
      %dma_wait3A_179 = arith.constant 0 : i32
      %dma_wait3A_180 = tpu.memref_slice %arg7[%run_scoped3A_116, %dma_wait3A_179] : memref<160x128xi32, #tpu.memory_space<vmem>> -> memref<1x128xi32, #tpu.memory_space<vmem>>
      %dma_wait3A_181 = tpu.memref_squeeze %dma_wait3A_180 : memref<1x128xi32, #tpu.memory_space<vmem>> -> memref<128xi32, #tpu.memory_space<vmem>>
      %dma_wait3A_182 = arith.constant 0 : i32
      %dma_wait3A_183 = arith.constant 0 : i32
      %dma_wait3A_184 = tpu.memref_slice %arg10[%dma_wait3A_182, %dma_wait3A_183] : memref<10240x64xf32, #tpu.memory_space<vmem_shared>> -> memref<10240x64xf32, #tpu.memory_space<vmem_shared>>
      tpu.wait_indirect_dma semaphore(%run_scoped3A_164 : memref<!tpu.dma_semaphore, #tpu.memory_space<semaphore_mem>>) src(%dma_wait3A_178 : memref<128x64xf32, #tpu.memory_space<vmem>>) dst(%dma_wait3A_184 : memref<10240x64xf32, #tpu.memory_space<vmem_shared>>)
      tpu.yield
    }) : () -> ()
    %run_scoped3A_117 = arith.constant 0 : i32
    %run_scoped3A_118 = arith.constant 1 : i32
    %run_scoped3A_119 = arith.constant 157 : i32
    "tpu.region"() ({
      %run_scoped3A_164 = tpu.sem_alloc : memref<!tpu.dma_semaphore, #tpu.memory_space<semaphore_mem>>
      %dma_start3A_165 = arith.constant 0 : i32
      %dma_start3A_166 = arith.constant 0 : i32
      %dma_start3A_167 = tpu.memref_slice %arg8[%run_scoped3A_117, %run_scoped3A_118, %dma_start3A_165, %dma_start3A_166] : memref<2x2x128x64xf32, #tpu.memory_space<vmem>> -> memref<1x1x128x64xf32, #tpu.memory_space<vmem>>
      %dma_start3A_168 = tpu.memref_squeeze %dma_start3A_167 : memref<1x1x128x64xf32, #tpu.memory_space<vmem>> -> memref<128x64xf32, #tpu.memory_space<vmem>>
      %dma_start3A_169 = arith.constant 0 : i32
      %dma_start3A_170 = tpu.memref_slice %arg7[%run_scoped3A_119, %dma_start3A_169] : memref<160x128xi32, #tpu.memory_space<vmem>> -> memref<1x128xi32, #tpu.memory_space<vmem>>
      %dma_start3A_171 = tpu.memref_squeeze %dma_start3A_170 : memref<1x128xi32, #tpu.memory_space<vmem>> -> memref<128xi32, #tpu.memory_space<vmem>>
      %dma_start3A_172 = arith.constant 0 : i32
      %dma_start3A_173 = arith.constant 0 : i32
      %dma_start3A_174 = tpu.memref_slice %arg10[%dma_start3A_172, %dma_start3A_173] : memref<10240x64xf32, #tpu.memory_space<vmem_shared>> -> memref<10240x64xf32, #tpu.memory_space<vmem_shared>>
      tpu.enqueue_indirect_dma source(%dma_start3A_168 : memref<128x64xf32, #tpu.memory_space<vmem>>) target(%dma_start3A_174 : memref<10240x64xf32, #tpu.memory_space<vmem_shared>>) offsets(%dma_start3A_171 : memref<128xi32, #tpu.memory_space<vmem>>) semaphore(%run_scoped3A_164 : memref<!tpu.dma_semaphore, #tpu.memory_space<semaphore_mem>>) {add = true}
      %dma_wait3A_175 = arith.constant 0 : i32
      %dma_wait3A_176 = arith.constant 0 : i32
      %dma_wait3A_177 = tpu.memref_slice %arg8[%run_scoped3A_117, %run_scoped3A_118, %dma_wait3A_175, %dma_wait3A_176] : memref<2x2x128x64xf32, #tpu.memory_space<vmem>> -> memref<1x1x128x64xf32, #tpu.memory_space<vmem>>
      %dma_wait3A_178 = tpu.memref_squeeze %dma_wait3A_177 : memref<1x1x128x64xf32, #tpu.memory_space<vmem>> -> memref<128x64xf32, #tpu.memory_space<vmem>>
      %dma_wait3A_179 = arith.constant 0 : i32
      %dma_wait3A_180 = tpu.memref_slice %arg7[%run_scoped3A_119, %dma_wait3A_179] : memref<160x128xi32, #tpu.memory_space<vmem>> -> memref<1x128xi32, #tpu.memory_space<vmem>>
      %dma_wait3A_181 = tpu.memref_squeeze %dma_wait3A_180 : memref<1x128xi32, #tpu.memory_space<vmem>> -> memref<128xi32, #tpu.memory_space<vmem>>
      %dma_wait3A_182 = arith.constant 0 : i32
      %dma_wait3A_183 = arith.constant 0 : i32
      %dma_wait3A_184 = tpu.memref_slice %arg10[%dma_wait3A_182, %dma_wait3A_183] : memref<10240x64xf32, #tpu.memory_space<vmem_shared>> -> memref<10240x64xf32, #tpu.memory_space<vmem_shared>>
      tpu.wait_indirect_dma semaphore(%run_scoped3A_164 : memref<!tpu.dma_semaphore, #tpu.memory_space<semaphore_mem>>) src(%dma_wait3A_178 : memref<128x64xf32, #tpu.memory_space<vmem>>) dst(%dma_wait3A_184 : memref<10240x64xf32, #tpu.memory_space<vmem_shared>>)
      tpu.yield
    }) : () -> ()
    %dma_wait3A_120 = arith.constant 158 : i32
    %dma_wait3A_121 = arith.constant 1 : i32
    %dma_wait3A_122 = arith.constant 0 : i32
    %dma_wait3A_123 = arith.constant 0 : i32
    %dma_wait3A_124 = arith.constant 0 : i32
    %dma_wait3A_125 = tpu.memref_slice %arg8[%dma_wait3A_121, %dma_wait3A_122, %dma_wait3A_123, %dma_wait3A_124] : memref<2x2x128x64xf32, #tpu.memory_space<vmem>> -> memref<1x1x128x64xf32, #tpu.memory_space<vmem>>
    %dma_wait3A_126 = tpu.memref_squeeze %dma_wait3A_125 : memref<1x1x128x64xf32, #tpu.memory_space<vmem>> -> memref<128x64xf32, #tpu.memory_space<vmem>>
    %dma_wait3A_127 = arith.constant 0 : i32
    %dma_wait3A_128 = tpu.memref_slice %arg6[%dma_wait3A_120, %dma_wait3A_127] : memref<160x128xi32, #tpu.memory_space<vmem>> -> memref<1x128xi32, #tpu.memory_space<vmem>>
    %dma_wait3A_129 = tpu.memref_squeeze %dma_wait3A_128 : memref<1x128xi32, #tpu.memory_space<vmem>> -> memref<128xi32, #tpu.memory_space<vmem>>
    %dma_wait3A_130 = arith.constant 0 : i32
    %dma_wait3A_131 = arith.constant 0 : i32
    %dma_wait3A_132 = tpu.memref_slice %arg2[%arg0, %dma_wait3A_130, %dma_wait3A_131] : memref<2x10000x64xf32, #tpu.memory_space<hbm>> -> memref<1x10000x64xf32, #tpu.memory_space<hbm>>
    %dma_wait3A_133 = tpu.memref_squeeze %dma_wait3A_132 : memref<1x10000x64xf32, #tpu.memory_space<hbm>> -> memref<10000x64xf32, #tpu.memory_space<hbm>>
    %dma_wait3A_134 = arith.constant 0 : i32
    %dma_wait3A_135 = arith.constant 0 : i32
    %dma_wait3A_136 = tpu.memref_slice %dma_wait3A_133[%dma_wait3A_134, %dma_wait3A_135] : memref<10000x64xf32, #tpu.memory_space<hbm>> -> memref<10000x64xf32, #tpu.memory_space<hbm>>
    tpu.wait_indirect_dma semaphore(%arg12 : memref<!tpu.dma_semaphore, #tpu.memory_space<semaphore_mem>>) src(%dma_wait3A_136 : memref<10000x64xf32, #tpu.memory_space<hbm>>) dst(%dma_wait3A_126 : memref<128x64xf32, #tpu.memory_space<vmem>>)
    %dma_wait3A_137 = arith.constant 159 : i32
    %dma_wait3A_138 = arith.constant 1 : i32
    %dma_wait3A_139 = arith.constant 1 : i32
    %dma_wait3A_140 = arith.constant 0 : i32
    %dma_wait3A_141 = arith.constant 0 : i32
    %dma_wait3A_142 = tpu.memref_slice %arg8[%dma_wait3A_138, %dma_wait3A_139, %dma_wait3A_140, %dma_wait3A_141] : memref<2x2x128x64xf32, #tpu.memory_space<vmem>> -> memref<1x1x128x64xf32, #tpu.memory_space<vmem>>
    %dma_wait3A_143 = tpu.memref_squeeze %dma_wait3A_142 : memref<1x1x128x64xf32, #tpu.memory_space<vmem>> -> memref<128x64xf32, #tpu.memory_space<vmem>>
    %dma_wait3A_144 = arith.constant 0 : i32
    %dma_wait3A_145 = tpu.memref_slice %arg6[%dma_wait3A_137, %dma_wait3A_144] : memref<160x128xi32, #tpu.memory_space<vmem>> -> memref<1x128xi32, #tpu.memory_space<vmem>>
    %dma_wait3A_146 = tpu.memref_squeeze %dma_wait3A_145 : memref<1x128xi32, #tpu.memory_space<vmem>> -> memref<128xi32, #tpu.memory_space<vmem>>
    %dma_wait3A_147 = arith.constant 0 : i32
    %dma_wait3A_148 = arith.constant 0 : i32
    %dma_wait3A_149 = tpu.memref_slice %arg2[%arg0, %dma_wait3A_147, %dma_wait3A_148] : memref<2x10000x64xf32, #tpu.memory_space<hbm>> -> memref<1x10000x64xf32, #tpu.memory_space<hbm>>
    %dma_wait3A_150 = tpu.memref_squeeze %dma_wait3A_149 : memref<1x10000x64xf32, #tpu.memory_space<hbm>> -> memref<10000x64xf32, #tpu.memory_space<hbm>>
    %dma_wait3A_151 = arith.constant 0 : i32
    %dma_wait3A_152 = arith.constant 0 : i32
    %dma_wait3A_153 = tpu.memref_slice %dma_wait3A_150[%dma_wait3A_151, %dma_wait3A_152] : memref<10000x64xf32, #tpu.memory_space<hbm>> -> memref<10000x64xf32, #tpu.memory_space<hbm>>
    tpu.wait_indirect_dma semaphore(%arg12 : memref<!tpu.dma_semaphore, #tpu.memory_space<semaphore_mem>>) src(%dma_wait3A_153 : memref<10000x64xf32, #tpu.memory_space<hbm>>) dst(%dma_wait3A_143 : memref<128x64xf32, #tpu.memory_space<vmem>>)
    %run_scoped3A_154 = arith.constant 1 : i32
    %run_scoped3A_155 = arith.constant 0 : i32
    %run_scoped3A_156 = arith.constant 158 : i32
    "tpu.region"() ({
      %run_scoped3A_164 = tpu.sem_alloc : memref<!tpu.dma_semaphore, #tpu.memory_space<semaphore_mem>>
      %dma_start3A_165 = arith.constant 0 : i32
      %dma_start3A_166 = arith.constant 0 : i32
      %dma_start3A_167 = tpu.memref_slice %arg8[%run_scoped3A_154, %run_scoped3A_155, %dma_start3A_165, %dma_start3A_166] : memref<2x2x128x64xf32, #tpu.memory_space<vmem>> -> memref<1x1x128x64xf32, #tpu.memory_space<vmem>>
      %dma_start3A_168 = tpu.memref_squeeze %dma_start3A_167 : memref<1x1x128x64xf32, #tpu.memory_space<vmem>> -> memref<128x64xf32, #tpu.memory_space<vmem>>
      %dma_start3A_169 = arith.constant 0 : i32
      %dma_start3A_170 = tpu.memref_slice %arg7[%run_scoped3A_156, %dma_start3A_169] : memref<160x128xi32, #tpu.memory_space<vmem>> -> memref<1x128xi32, #tpu.memory_space<vmem>>
      %dma_start3A_171 = tpu.memref_squeeze %dma_start3A_170 : memref<1x128xi32, #tpu.memory_space<vmem>> -> memref<128xi32, #tpu.memory_space<vmem>>
      %dma_start3A_172 = arith.constant 0 : i32
      %dma_start3A_173 = arith.constant 0 : i32
      %dma_start3A_174 = tpu.memref_slice %arg10[%dma_start3A_172, %dma_start3A_173] : memref<10240x64xf32, #tpu.memory_space<vmem_shared>> -> memref<10240x64xf32, #tpu.memory_space<vmem_shared>>
      tpu.enqueue_indirect_dma source(%dma_start3A_168 : memref<128x64xf32, #tpu.memory_space<vmem>>) target(%dma_start3A_174 : memref<10240x64xf32, #tpu.memory_space<vmem_shared>>) offsets(%dma_start3A_171 : memref<128xi32, #tpu.memory_space<vmem>>) semaphore(%run_scoped3A_164 : memref<!tpu.dma_semaphore, #tpu.memory_space<semaphore_mem>>) {add = true}
      %dma_wait3A_175 = arith.constant 0 : i32
      %dma_wait3A_176 = arith.constant 0 : i32
      %dma_wait3A_177 = tpu.memref_slice %arg8[%run_scoped3A_154, %run_scoped3A_155, %dma_wait3A_175, %dma_wait3A_176] : memref<2x2x128x64xf32, #tpu.memory_space<vmem>> -> memref<1x1x128x64xf32, #tpu.memory_space<vmem>>
      %dma_wait3A_178 = tpu.memref_squeeze %dma_wait3A_177 : memref<1x1x128x64xf32, #tpu.memory_space<vmem>> -> memref<128x64xf32, #tpu.memory_space<vmem>>
      %dma_wait3A_179 = arith.constant 0 : i32
      %dma_wait3A_180 = tpu.memref_slice %arg7[%run_scoped3A_156, %dma_wait3A_179] : memref<160x128xi32, #tpu.memory_space<vmem>> -> memref<1x128xi32, #tpu.memory_space<vmem>>
      %dma_wait3A_181 = tpu.memref_squeeze %dma_wait3A_180 : memref<1x128xi32, #tpu.memory_space<vmem>> -> memref<128xi32, #tpu.memory_space<vmem>>
      %dma_wait3A_182 = arith.constant 0 : i32
      %dma_wait3A_183 = arith.constant 0 : i32
      %dma_wait3A_184 = tpu.memref_slice %arg10[%dma_wait3A_182, %dma_wait3A_183] : memref<10240x64xf32, #tpu.memory_space<vmem_shared>> -> memref<10240x64xf32, #tpu.memory_space<vmem_shared>>
      tpu.wait_indirect_dma semaphore(%run_scoped3A_164 : memref<!tpu.dma_semaphore, #tpu.memory_space<semaphore_mem>>) src(%dma_wait3A_178 : memref<128x64xf32, #tpu.memory_space<vmem>>) dst(%dma_wait3A_184 : memref<10240x64xf32, #tpu.memory_space<vmem_shared>>)
      tpu.yield
    }) : () -> ()
    %run_scoped3A_157 = arith.constant 1 : i32
    %run_scoped3A_158 = arith.constant 1 : i32
    %run_scoped3A_159 = arith.constant 159 : i32
    "tpu.region"() ({
      %run_scoped3A_164 = tpu.sem_alloc : memref<!tpu.dma_semaphore, #tpu.memory_space<semaphore_mem>>
      %dma_start3A_165 = arith.constant 0 : i32
      %dma_start3A_166 = arith.constant 0 : i32
      %dma_start3A_167 = tpu.memref_slice %arg8[%run_scoped3A_157, %run_scoped3A_158, %dma_start3A_165, %dma_start3A_166] : memref<2x2x128x64xf32, #tpu.memory_space<vmem>> -> memref<1x1x128x64xf32, #tpu.memory_space<vmem>>
      %dma_start3A_168 = tpu.memref_squeeze %dma_start3A_167 : memref<1x1x128x64xf32, #tpu.memory_space<vmem>> -> memref<128x64xf32, #tpu.memory_space<vmem>>
      %dma_start3A_169 = arith.constant 0 : i32
      %dma_start3A_170 = tpu.memref_slice %arg7[%run_scoped3A_159, %dma_start3A_169] : memref<160x128xi32, #tpu.memory_space<vmem>> -> memref<1x128xi32, #tpu.memory_space<vmem>>
      %dma_start3A_171 = tpu.memref_squeeze %dma_start3A_170 : memref<1x128xi32, #tpu.memory_space<vmem>> -> memref<128xi32, #tpu.memory_space<vmem>>
      %dma_start3A_172 = arith.constant 0 : i32
      %dma_start3A_173 = arith.constant 0 : i32
      %dma_start3A_174 = tpu.memref_slice %arg10[%dma_start3A_172, %dma_start3A_173] : memref<10240x64xf32, #tpu.memory_space<vmem_shared>> -> memref<10240x64xf32, #tpu.memory_space<vmem_shared>>
      tpu.enqueue_indirect_dma source(%dma_start3A_168 : memref<128x64xf32, #tpu.memory_space<vmem>>) target(%dma_start3A_174 : memref<10240x64xf32, #tpu.memory_space<vmem_shared>>) offsets(%dma_start3A_171 : memref<128xi32, #tpu.memory_space<vmem>>) semaphore(%run_scoped3A_164 : memref<!tpu.dma_semaphore, #tpu.memory_space<semaphore_mem>>) {add = true}
      %dma_wait3A_175 = arith.constant 0 : i32
      %dma_wait3A_176 = arith.constant 0 : i32
      %dma_wait3A_177 = tpu.memref_slice %arg8[%run_scoped3A_157, %run_scoped3A_158, %dma_wait3A_175, %dma_wait3A_176] : memref<2x2x128x64xf32, #tpu.memory_space<vmem>> -> memref<1x1x128x64xf32, #tpu.memory_space<vmem>>
      %dma_wait3A_178 = tpu.memref_squeeze %dma_wait3A_177 : memref<1x1x128x64xf32, #tpu.memory_space<vmem>> -> memref<128x64xf32, #tpu.memory_space<vmem>>
      %dma_wait3A_179 = arith.constant 0 : i32
      %dma_wait3A_180 = tpu.memref_slice %arg7[%run_scoped3A_159, %dma_wait3A_179] : memref<160x128xi32, #tpu.memory_space<vmem>> -> memref<1x128xi32, #tpu.memory_space<vmem>>
      %dma_wait3A_181 = tpu.memref_squeeze %dma_wait3A_180 : memref<1x128xi32, #tpu.memory_space<vmem>> -> memref<128xi32, #tpu.memory_space<vmem>>
      %dma_wait3A_182 = arith.constant 0 : i32
      %dma_wait3A_183 = arith.constant 0 : i32
      %dma_wait3A_184 = tpu.memref_slice %arg10[%dma_wait3A_182, %dma_wait3A_183] : memref<10240x64xf32, #tpu.memory_space<vmem_shared>> -> memref<10240x64xf32, #tpu.memory_space<vmem_shared>>
      tpu.wait_indirect_dma semaphore(%run_scoped3A_164 : memref<!tpu.dma_semaphore, #tpu.memory_space<semaphore_mem>>) src(%dma_wait3A_178 : memref<128x64xf32, #tpu.memory_space<vmem>>) dst(%dma_wait3A_184 : memref<10240x64xf32, #tpu.memory_space<vmem_shared>>)
      tpu.yield
    }) : () -> ()
    %barrier3A_160 = arith.constant 0 : index
    tpu.barrier barrier_id(%barrier3A_160)
    %mul3A = arith.constant 632 : i32
    %mul3A_161 = arith.muli %arg1, %mul3A : i32
    %mul3A_162 = arith.constant 632 : i32
    %mul3A_163 = arith.muli %arg1, %mul3A_162 : i32
    "tpu.region"() ({
      %run_scoped3A_164 = tpu.sem_alloc : memref<!tpu.dma_semaphore, #tpu.memory_space<semaphore_mem>>
      %dma_start3A_165 = arith.constant 0 : i32
      %dma_start3A_166 = tpu.memref_slice %arg5[%arg0, %mul3A_163, %dma_start3A_165] : memref<2x10112x64xf32, #tpu.memory_space<hbm>> -> memref<1x632x64xf32, #tpu.memory_space<hbm>>
      %dma_start3A_167 = tpu.memref_squeeze %dma_start3A_166 : memref<1x632x64xf32, #tpu.memory_space<hbm>> -> memref<632x64xf32, #tpu.memory_space<hbm>>
      %dma_start3A_168 = arith.constant 0 : i32
      %dma_start3A_169 = tpu.memref_slice %arg10[%mul3A_161, %dma_start3A_168] : memref<10240x64xf32, #tpu.memory_space<vmem_shared>> -> memref<632x64xf32, #tpu.memory_space<vmem_shared>>
      tpu.enqueue_dma source(%dma_start3A_169 : memref<632x64xf32, #tpu.memory_space<vmem_shared>>) target(%dma_start3A_167 : memref<632x64xf32, #tpu.memory_space<hbm>>) target_semaphore(%run_scoped3A_164 : memref<!tpu.dma_semaphore, #tpu.memory_space<semaphore_mem>>)
      %dma_wait3A_170 = arith.constant 0 : i32
      %dma_wait3A_171 = tpu.memref_slice %arg5[%arg0, %mul3A_163, %dma_wait3A_170] : memref<2x10112x64xf32, #tpu.memory_space<hbm>> -> memref<1x632x64xf32, #tpu.memory_space<hbm>>
      %dma_wait3A_172 = tpu.memref_squeeze %dma_wait3A_171 : memref<1x632x64xf32, #tpu.memory_space<hbm>> -> memref<632x64xf32, #tpu.memory_space<hbm>>
      %dma_wait3A_173 = arith.constant 0 : i32
      %dma_wait3A_174 = tpu.memref_slice %arg10[%mul3A_161, %dma_wait3A_173] : memref<10240x64xf32, #tpu.memory_space<vmem_shared>> -> memref<632x64xf32, #tpu.memory_space<vmem_shared>>
      tpu.wait_dma2 semaphore(%run_scoped3A_164 : memref<!tpu.dma_semaphore, #tpu.memory_space<semaphore_mem>>) src(%dma_wait3A_174 : memref<632x64xf32, #tpu.memory_space<vmem_shared>>) dst(%dma_wait3A_172 : memref<632x64xf32, #tpu.memory_space<hbm>>)
      tpu.yield
    }) : () -> ()
    return
  }
}

#map = affine_map<(d0, d1) -> (0, 0, 0)>
module attributes {stable_mosaic.version = 14 : i64} {
  func.func @_deg_body(%arg0: i32, %arg1: i32, %arg2: memref<16x160x128xi32, #tpu.memory_space<hbm>>, %arg3: memref<2x10112x16xf32, #tpu.memory_space<hbm>>, %arg4: memref<80x128xi32, #tpu.memory_space<vmem>>, %arg5: memref<128x16xf32, #tpu.memory_space<vmem>>, %arg6: memref<128x16xf32, #tpu.memory_space<vmem>>, %arg7: memref<10240x16xf32, #tpu.memory_space<vmem_shared>>) attributes {dimension_semantics = [#tpu.dimension_semantics<core_parallel>, #tpu.dimension_semantics<subcore_parallel>], iteration_bounds = array<i64: 2, 16>, scalar_prefetch = 0 : i64, scratch_operands = 4 : i64, tpu.core_type = #tpu.core_type<sc_vector_subcore>, window_params = [{transform_indices = #map}, {transform_indices = #map}]} {
    %mul3A = arith.constant 80 : i32
    %mul3A_0 = arith.muli %arg0, %mul3A : i32
    "tpu.region"() ({
      %run_scoped3A = tpu.sem_alloc : memref<!tpu.dma_semaphore, #tpu.memory_space<semaphore_mem>>
      %dma_start3A = arith.constant 0 : i32
      %dma_start3A_23 = tpu.memref_slice %arg2[%arg1, %mul3A_0, %dma_start3A] : memref<16x160x128xi32, #tpu.memory_space<hbm>> -> memref<1x80x128xi32, #tpu.memory_space<hbm>>
      %dma_start3A_24 = tpu.memref_squeeze %dma_start3A_23 : memref<1x80x128xi32, #tpu.memory_space<hbm>> -> memref<80x128xi32, #tpu.memory_space<hbm>>
      %dma_start3A_25 = arith.constant 0 : i32
      %dma_start3A_26 = tpu.memref_slice %arg2[%arg1, %mul3A_0, %dma_start3A_25] : memref<16x160x128xi32, #tpu.memory_space<hbm>> -> memref<1x80x128xi32, #tpu.memory_space<hbm>>
      %dma_start3A_27 = tpu.memref_squeeze %dma_start3A_26 : memref<1x80x128xi32, #tpu.memory_space<hbm>> -> memref<80x128xi32, #tpu.memory_space<hbm>>
      tpu.enqueue_dma source(%dma_start3A_27 : memref<80x128xi32, #tpu.memory_space<hbm>>) target(%arg4 : memref<80x128xi32, #tpu.memory_space<vmem>>) target_semaphore(%run_scoped3A : memref<!tpu.dma_semaphore, #tpu.memory_space<semaphore_mem>>)
      %dma_wait3A = arith.constant 0 : i32
      %dma_wait3A_28 = tpu.memref_slice %arg2[%arg1, %mul3A_0, %dma_wait3A] : memref<16x160x128xi32, #tpu.memory_space<hbm>> -> memref<1x80x128xi32, #tpu.memory_space<hbm>>
      %dma_wait3A_29 = tpu.memref_squeeze %dma_wait3A_28 : memref<1x80x128xi32, #tpu.memory_space<hbm>> -> memref<80x128xi32, #tpu.memory_space<hbm>>
      %dma_wait3A_30 = arith.constant 0 : i32
      %dma_wait3A_31 = tpu.memref_slice %arg2[%arg1, %mul3A_0, %dma_wait3A_30] : memref<16x160x128xi32, #tpu.memory_space<hbm>> -> memref<1x80x128xi32, #tpu.memory_space<hbm>>
      %dma_wait3A_32 = tpu.memref_squeeze %dma_wait3A_31 : memref<1x80x128xi32, #tpu.memory_space<hbm>> -> memref<80x128xi32, #tpu.memory_space<hbm>>
      tpu.wait_dma2 semaphore(%run_scoped3A : memref<!tpu.dma_semaphore, #tpu.memory_space<semaphore_mem>>) src(%dma_wait3A_32 : memref<80x128xi32, #tpu.memory_space<hbm>>) dst(%arg4 : memref<80x128xi32, #tpu.memory_space<vmem>>)
      tpu.yield
    }) : () -> ()
    %broadcast_in_dim3A = arith.constant 1.000000e+00 : f32
    %broadcast_in_dim3A_1 = vector.broadcast %broadcast_in_dim3A : f32 to vector<16xf32>
    %broadcast_in_dim3A_2 = arith.constant 0.000000e+00 : f32
    %broadcast_in_dim3A_3 = vector.broadcast %broadcast_in_dim3A_2 : f32 to vector<16xf32>
    %scan3A = arith.constant 0 : i32
    %scan3A_4 = arith.constant 128 : i32
    %scan3A_5 = arith.addi %scan3A, %scan3A_4 : i32
    %scan3A_6 = arith.constant 1 : i32
    scf.for %scan3A_23 = %scan3A to %scan3A_5 step %scan3A_6  : i32 {
      %mul3A_24 = arith.constant 1 : i32
      %mul3A_25 = arith.muli %scan3A_23, %mul3A_24 : i32
      %add3A = arith.constant 0 : i32
      %add3A_26 = arith.addi %add3A, %mul3A_25 : i32
      %swap3A = arith.index_cast %add3A_26 : i32 to index
      %swap3A_27 = arith.constant 0 : index
      %swap3A_28 = tpu.vector_load %arg5[%swap3A, %swap3A_27] {strides = array<i32>} : memref<128x16xf32, #tpu.memory_space<vmem>>, vector<1x16xf32>,
      %swap3A_29 = vector.shape_cast %swap3A_28 : vector<1x16xf32> to vector<16xf32>
      %swap3A_30 = vector.shape_cast %broadcast_in_dim3A_1 : vector<16xf32> to vector<1x16xf32>
      tpu.vector_store %arg5[%swap3A, %swap3A_27], %swap3A_30 {strides = array<i32>} : memref<128x16xf32, #tpu.memory_space<vmem>>, vector<1x16xf32>,
      %swap3A_31 = arith.index_cast %add3A_26 : i32 to index
      %swap3A_32 = arith.constant 0 : index
      %swap3A_33 = tpu.vector_load %arg6[%swap3A_31, %swap3A_32] {strides = array<i32>} : memref<128x16xf32, #tpu.memory_space<vmem>>, vector<1x16xf32>,
      %swap3A_34 = vector.shape_cast %swap3A_33 : vector<1x16xf32> to vector<16xf32>
      %swap3A_35 = vector.shape_cast %broadcast_in_dim3A_3 : vector<16xf32> to vector<1x16xf32>
      tpu.vector_store %arg6[%swap3A_31, %swap3A_32], %swap3A_35 {strides = array<i32>} : memref<128x16xf32, #tpu.memory_space<vmem>>, vector<1x16xf32>,
    }
    %scan3A_7 = arith.constant 128 : i32
    %scan3A_8 = arith.constant 0 : i32
    %scan3A_9 = arith.constant 5 : i32
    %scan3A_10 = arith.addi %scan3A_8, %scan3A_9 : i32
    %scan3A_11 = arith.constant 1 : i32
    scf.for %scan3A_23 = %scan3A_8 to %scan3A_10 step %scan3A_11  : i32 {
      %mul3A_24 = arith.constant 1 : i32
      %mul3A_25 = arith.muli %scan3A_23, %mul3A_24 : i32
      %add3A = arith.constant 0 : i32
      %add3A_26 = arith.addi %add3A, %mul3A_25 : i32
      %mul3A_27 = arith.constant 640 : i32
      %mul3A_28 = arith.muli %arg1, %mul3A_27 : i32
      %mul3A_29 = arith.constant 128 : i32
      %mul3A_30 = arith.muli %add3A_26, %mul3A_29 : i32
      %add3A_31 = arith.addi %mul3A_28, %mul3A_30 : i32
      "tpu.region"() ({
        %run_scoped3A = tpu.sem_alloc : memref<!tpu.dma_semaphore, #tpu.memory_space<semaphore_mem>>
        %dma_start3A = arith.constant 0 : i32
        %dma_start3A_32 = tpu.memref_slice %arg7[%add3A_31, %dma_start3A] : memref<10240x16xf32, #tpu.memory_space<vmem_shared>> -> memref<128x16xf32, #tpu.memory_space<vmem_shared>>
        %dma_start3A_33 = arith.constant 0 : i32
        %dma_start3A_34 = tpu.memref_slice %arg7[%add3A_31, %dma_start3A_33] : memref<10240x16xf32, #tpu.memory_space<vmem_shared>> -> memref<128x16xf32, #tpu.memory_space<vmem_shared>>
        tpu.enqueue_dma source(%arg6 : memref<128x16xf32, #tpu.memory_space<vmem>>) target(%dma_start3A_34 : memref<128x16xf32, #tpu.memory_space<vmem_shared>>) target_semaphore(%run_scoped3A : memref<!tpu.dma_semaphore, #tpu.memory_space<semaphore_mem>>)
        %dma_wait3A = arith.constant 0 : i32
        %dma_wait3A_35 = tpu.memref_slice %arg7[%add3A_31, %dma_wait3A] : memref<10240x16xf32, #tpu.memory_space<vmem_shared>> -> memref<128x16xf32, #tpu.memory_space<vmem_shared>>
        %dma_wait3A_36 = arith.constant 0 : i32
        %dma_wait3A_37 = tpu.memref_slice %arg7[%add3A_31, %dma_wait3A_36] : memref<10240x16xf32, #tpu.memory_space<vmem_shared>> -> memref<128x16xf32, #tpu.memory_space<vmem_shared>>
        tpu.wait_dma2 semaphore(%run_scoped3A : memref<!tpu.dma_semaphore, #tpu.memory_space<semaphore_mem>>) src(%arg6 : memref<128x16xf32, #tpu.memory_space<vmem>>) dst(%dma_wait3A_37 : memref<128x16xf32, #tpu.memory_space<vmem_shared>>)
        tpu.yield
      }) : () -> ()
    }
    %scan3A_12 = arith.constant 5 : i32
    %barrier3A = arith.constant 0 : index
    tpu.barrier barrier_id(%barrier3A)
    %scan3A_13 = arith.constant 0 : i32
    %scan3A_14 = arith.constant 80 : i32
    %scan3A_15 = arith.addi %scan3A_13, %scan3A_14 : i32
    %scan3A_16 = arith.constant 1 : i32
    scf.for %scan3A_23 = %scan3A_13 to %scan3A_15 step %scan3A_16  : i32 {
      %mul3A_24 = arith.constant 1 : i32
      %mul3A_25 = arith.muli %scan3A_23, %mul3A_24 : i32
      %add3A = arith.constant 0 : i32
      %add3A_26 = arith.addi %add3A, %mul3A_25 : i32
      "tpu.region"() ({
        %run_scoped3A = tpu.sem_alloc : memref<!tpu.dma_semaphore, #tpu.memory_space<semaphore_mem>>
        %dma_start3A = arith.constant 0 : i32
        %dma_start3A_27 = tpu.memref_slice %arg4[%add3A_26, %dma_start3A] : memref<80x128xi32, #tpu.memory_space<vmem>> -> memref<1x128xi32, #tpu.memory_space<vmem>>
        %dma_start3A_28 = tpu.memref_squeeze %dma_start3A_27 : memref<1x128xi32, #tpu.memory_space<vmem>> -> memref<128xi32, #tpu.memory_space<vmem>>
        %dma_start3A_29 = arith.constant 0 : i32
        %dma_start3A_30 = arith.constant 0 : i32
        %dma_start3A_31 = tpu.memref_slice %arg7[%dma_start3A_29, %dma_start3A_30] : memref<10240x16xf32, #tpu.memory_space<vmem_shared>> -> memref<10240x16xf32, #tpu.memory_space<vmem_shared>>
        tpu.enqueue_indirect_dma source(%arg5 : memref<128x16xf32, #tpu.memory_space<vmem>>) target(%dma_start3A_31 : memref<10240x16xf32, #tpu.memory_space<vmem_shared>>) offsets(%dma_start3A_28 : memref<128xi32, #tpu.memory_space<vmem>>) semaphore(%run_scoped3A : memref<!tpu.dma_semaphore, #tpu.memory_space<semaphore_mem>>) {add = true}
        %dma_wait3A = arith.constant 0 : i32
        %dma_wait3A_32 = tpu.memref_slice %arg4[%add3A_26, %dma_wait3A] : memref<80x128xi32, #tpu.memory_space<vmem>> -> memref<1x128xi32, #tpu.memory_space<vmem>>
        %dma_wait3A_33 = tpu.memref_squeeze %dma_wait3A_32 : memref<1x128xi32, #tpu.memory_space<vmem>> -> memref<128xi32, #tpu.memory_space<vmem>>
        %dma_wait3A_34 = arith.constant 0 : i32
        %dma_wait3A_35 = arith.constant 0 : i32
        %dma_wait3A_36 = tpu.memref_slice %arg7[%dma_wait3A_34, %dma_wait3A_35] : memref<10240x16xf32, #tpu.memory_space<vmem_shared>> -> memref<10240x16xf32, #tpu.memory_space<vmem_shared>>
        tpu.wait_indirect_dma semaphore(%run_scoped3A : memref<!tpu.dma_semaphore, #tpu.memory_space<semaphore_mem>>) src(%arg5 : memref<128x16xf32, #tpu.memory_space<vmem>>) dst(%dma_wait3A_36 : memref<10240x16xf32, #tpu.memory_space<vmem_shared>>)
        tpu.yield
      }) : () -> ()
    }
    %scan3A_17 = arith.constant 80 : i32
    %barrier3A_18 = arith.constant 0 : index
    tpu.barrier barrier_id(%barrier3A_18)
    %mul3A_19 = arith.constant 632 : i32
    %mul3A_20 = arith.muli %arg1, %mul3A_19 : i32
    %mul3A_21 = arith.constant 632 : i32
    %mul3A_22 = arith.muli %arg1, %mul3A_21 : i32
    "tpu.region"() ({
      %run_scoped3A = tpu.sem_alloc : memref<!tpu.dma_semaphore, #tpu.memory_space<semaphore_mem>>
      %dma_start3A = arith.constant 0 : i32
      %dma_start3A_23 = tpu.memref_slice %arg3[%arg0, %mul3A_22, %dma_start3A] : memref<2x10112x16xf32, #tpu.memory_space<hbm>> -> memref<1x632x16xf32, #tpu.memory_space<hbm>>
      %dma_start3A_24 = tpu.memref_squeeze %dma_start3A_23 : memref<1x632x16xf32, #tpu.memory_space<hbm>> -> memref<632x16xf32, #tpu.memory_space<hbm>>
      %dma_start3A_25 = arith.constant 0 : i32
      %dma_start3A_26 = tpu.memref_slice %arg7[%mul3A_20, %dma_start3A_25] : memref<10240x16xf32, #tpu.memory_space<vmem_shared>> -> memref<632x16xf32, #tpu.memory_space<vmem_shared>>
      tpu.enqueue_dma source(%dma_start3A_26 : memref<632x16xf32, #tpu.memory_space<vmem_shared>>) target(%dma_start3A_24 : memref<632x16xf32, #tpu.memory_space<hbm>>) target_semaphore(%run_scoped3A : memref<!tpu.dma_semaphore, #tpu.memory_space<semaphore_mem>>)
      %dma_wait3A = arith.constant 0 : i32
      %dma_wait3A_27 = tpu.memref_slice %arg3[%arg0, %mul3A_22, %dma_wait3A] : memref<2x10112x16xf32, #tpu.memory_space<hbm>> -> memref<1x632x16xf32, #tpu.memory_space<hbm>>
      %dma_wait3A_28 = tpu.memref_squeeze %dma_wait3A_27 : memref<1x632x16xf32, #tpu.memory_space<hbm>> -> memref<632x16xf32, #tpu.memory_space<hbm>>
      %dma_wait3A_29 = arith.constant 0 : i32
      %dma_wait3A_30 = tpu.memref_slice %arg7[%mul3A_20, %dma_wait3A_29] : memref<10240x16xf32, #tpu.memory_space<vmem_shared>> -> memref<632x16xf32, #tpu.memory_space<vmem_shared>>
      tpu.wait_dma2 semaphore(%run_scoped3A : memref<!tpu.dma_semaphore, #tpu.memory_space<semaphore_mem>>) src(%dma_wait3A_30 : memref<632x16xf32, #tpu.memory_space<vmem_shared>>) dst(%dma_wait3A_28 : memref<632x16xf32, #tpu.memory_space<hbm>>)
      tpu.yield
    }) : () -> ()
    return
  }
}

module attributes {stable_mosaic.version = 14 : i64} {
  func.func @_prep_kernel(%arg0: i32, %arg1: memref<2x1000x16xf32, #tpu.memory_space<vmem>>, %arg2: memref<1000x128xf32, #tpu.memory_space<vmem>>, %arg3: memref<128x128xf32, #tpu.memory_space<vmem>>, %arg4: memref<2x1000x64xf32, #tpu.memory_space<vmem>>, %arg5: memref<1000x16xf32, #tpu.memory_space<vmem>>) attributes {dimension_semantics = [#tpu.dimension_semantics<arbitrary>], iteration_bounds = array<i64: 10>, scalar_prefetch = 0 : i64, scratch_operands = 0 : i64, tpu.core_type = #tpu.core_type<tc>, window_params = [{transform_indices = @transform_0, window_bounds = array<i64: 2, 1000, 16>}, {transform_indices = @transform_1, window_bounds = array<i64: 1000, 128>}, {pipeline_mode = #tpu.pipeline_mode<synchronous>, transform_indices = @transform_2, window_bounds = array<i64: 128, 128>}, {transform_indices = @transform_3, window_bounds = array<i64: 2, 1000, 64>}, {transform_indices = @transform_4, window_bounds = array<i64: 1000, 16>}]} {
    %get3A = arith.constant 0 : index
    %get3A_0 = arith.constant 0 : index
    %get3A_1 = arith.constant 0 : index
    %get3A_2 = vector.load %arg1[%get3A, %get3A_0, %get3A_1] : memref<2x1000x16xf32, #tpu.memory_space<vmem>>, vector<1x1000x16xf32>
    %get3A_3 = vector.shape_cast %get3A_2 : vector<1x1000x16xf32> to vector<1000x16xf32>
    %get3A_4 = arith.constant 1 : index
    %get3A_5 = arith.constant 0 : index
    %get3A_6 = arith.constant 0 : index
    %get3A_7 = vector.load %arg1[%get3A_4, %get3A_5, %get3A_6] : memref<2x1000x16xf32, #tpu.memory_space<vmem>>, vector<1x1000x16xf32>
    %get3A_8 = vector.shape_cast %get3A_7 : vector<1x1000x16xf32> to vector<1000x16xf32>
    %add3A = arith.addf %get3A_3, %get3A_8 : vector<1000x16xf32>
    %slice3A = vector.extract_strided_slice %add3A {offsets = [0, 0], sizes = [1000, 1], strides = [1, 1]} : vector<1000x16xf32> to vector<1000x1xf32>
    %add3A_9 = arith.constant 1.000000e+00 : f32
    %add3A_10 = vector.broadcast %add3A_9 : f32 to vector<1000x1xf32>
    %add3A_11 = arith.addf %slice3A, %add3A_10 : vector<1000x1xf32>
    %rsqrt3A = math.rsqrt %add3A_11 : vector<1000x1xf32>
    %get3A_12 = arith.constant 0 : index
    %get3A_13 = arith.constant 0 : index
    %get3A_14 = vector.load %arg2[%get3A_12, %get3A_13] : memref<1000x128xf32, #tpu.memory_space<vmem>>, vector<1000x128xf32>
    %get3A_15 = arith.constant 0 : index
    %get3A_16 = arith.constant 0 : index
    %get3A_17 = vector.load %arg3[%get3A_15, %get3A_16] : memref<128x128xf32, #tpu.memory_space<vmem>>, vector<128x128xf32>
    %dot_general3A = arith.constant dense<0.000000e+00> : vector<1000x128xf32>
    %dot_general3A_18 = tpu.matmul %get3A_14, %get3A_17, %dot_general3A {dimension_numbers = #tpu.dot_dimension_numbers<[1], [0], [0], [1], [0, 0, 1, 1], [], []>, transpose_lhs_hint = false} : vector<1000x128xf32>, vector<128x128xf32>, vector<1000x128xf32> -> vector<1000x128xf32>
    %mul3A = vector.broadcast %rsqrt3A : vector<1000x1xf32> to vector<1000x128xf32>
    %mul3A_19 = arith.mulf %dot_general3A_18, %mul3A : vector<1000x128xf32>
    %slice3A_20 = vector.extract_strided_slice %mul3A_19 {offsets = [0, 0], sizes = [1000, 64], strides = [1, 1]} : vector<1000x128xf32> to vector<1000x64xf32>
    %swap3A = arith.constant 0 : index
    %swap3A_21 = arith.constant 0 : index
    %swap3A_22 = arith.constant 0 : index
    %swap3A_23 = vector.load %arg4[%swap3A, %swap3A_21, %swap3A_22] : memref<2x1000x64xf32, #tpu.memory_space<vmem>>, vector<1x1000x64xf32>
    %swap3A_24 = vector.shape_cast %swap3A_23 : vector<1x1000x64xf32> to vector<1000x64xf32>
    %swap3A_25 = vector.shape_cast %slice3A_20 : vector<1000x64xf32> to vector<1x1000x64xf32>
    tpu.vector_store %arg4[%swap3A, %swap3A_21, %swap3A_22], %swap3A_25 {strides = array<i32>} : memref<2x1000x64xf32, #tpu.memory_space<vmem>>, vector<1x1000x64xf32>,
    %slice3A_26 = vector.extract_strided_slice %mul3A_19 {offsets = [0, 64], sizes = [1000, 64], strides = [1, 1]} : vector<1000x128xf32> to vector<1000x64xf32>
    %swap3A_27 = arith.constant 1 : index
    %swap3A_28 = arith.constant 0 : index
    %swap3A_29 = arith.constant 0 : index
    %swap3A_30 = vector.load %arg4[%swap3A_27, %swap3A_28, %swap3A_29] : memref<2x1000x64xf32, #tpu.memory_space<vmem>>, vector<1x1000x64xf32>
    %swap3A_31 = vector.shape_cast %swap3A_30 : vector<1x1000x64xf32> to vector<1000x64xf32>
    %swap3A_32 = vector.shape_cast %slice3A_26 : vector<1000x64xf32> to vector<1x1000x64xf32>
    tpu.vector_store %arg4[%swap3A_27, %swap3A_28, %swap3A_29], %swap3A_32 {strides = array<i32>} : memref<2x1000x64xf32, #tpu.memory_space<vmem>>, vector<1x1000x64xf32>,
    %broadcast_in_dim3A = vector.shape_cast %rsqrt3A : vector<1000x1xf32> to vector<1000x1xf32>
    %broadcast_in_dim3A_33 = vector.broadcast %broadcast_in_dim3A : vector<1000x1xf32> to vector<1000x16xf32>
    %swap3A_34 = arith.constant 0 : index
    %swap3A_35 = arith.constant 0 : index
    %swap3A_36 = vector.load %arg5[%swap3A_34, %swap3A_35] : memref<1000x16xf32, #tpu.memory_space<vmem>>, vector<1000x16xf32>
    tpu.vector_store %arg5[%swap3A_34, %swap3A_35], %broadcast_in_dim3A_33 {strides = array<i32>} : memref<1000x16xf32, #tpu.memory_space<vmem>>, vector<1000x16xf32>,
    return
  }
  func.func @transform_0(%arg0: i32) -> (i32, i32, i32) {
    %c0_i32 = arith.constant 0 : i32
    %c0_i32_0 = arith.constant 0 : i32
    %c0_i32_1 = arith.constant 0 : i32
    return %c0_i32, %arg0, %c0_i32_0 : i32, i32, i32
  }
  func.func @transform_1(%arg0: i32) -> (i32, i32) {
    %c0_i32 = arith.constant 0 : i32
    %c0_i32_0 = arith.constant 0 : i32
    return %arg0, %c0_i32 : i32, i32
  }
  func.func @transform_2(%arg0: i32) -> (i32, i32) {
    %c0_i32 = arith.constant 0 : i32
    %c0_i32_0 = arith.constant 0 : i32
    %c0_i32_1 = arith.constant 0 : i32
    return %c0_i32, %c0_i32_0 : i32, i32
  }
  func.func @transform_3(%arg0: i32) -> (i32, i32, i32) {
    %c0_i32 = arith.constant 0 : i32
    %c0_i32_0 = arith.constant 0 : i32
    %c0_i32_1 = arith.constant 0 : i32
    return %c0_i32, %arg0, %c0_i32_0 : i32, i32, i32
  }
  func.func @transform_4(%arg0: i32) -> (i32, i32) {
    %c0_i32 = arith.constant 0 : i32
    %c0_i32_0 = arith.constant 0 : i32
    return %arg0, %c0_i32 : i32, i32
  }
}

module attributes {stable_mosaic.version = 14 : i64} {
  func.func @_bn_kernel(%arg0: i32, %arg1: i32, %arg2: memref<2x1000x64xf32, #tpu.memory_space<vmem>>, %arg3: memref<2x1000x64xf32, #tpu.memory_space<vmem>>, %arg4: memref<1000x16xf32, #tpu.memory_space<vmem>>, %arg5: memref<1x128xf32, #tpu.memory_space<vmem>>, %arg6: memref<1x128xf32, #tpu.memory_space<vmem>>, %arg7: memref<1x128xf32, #tpu.memory_space<vmem>>, %arg8: memref<128x128xf32, #tpu.memory_space<vmem>>, %arg9: memref<2x1000x64xf32, #tpu.memory_space<vmem>>, %arg10: memref<10000x128xf32, #tpu.memory_space<vmem>>, %arg11: memref<2x128xf32, #tpu.memory_space<vmem>>) attributes {dimension_semantics = [#tpu.dimension_semantics<arbitrary>, #tpu.dimension_semantics<arbitrary>], iteration_bounds = array<i64: 2, 10>, scalar_prefetch = 0 : i64, scratch_operands = 2 : i64, tpu.core_type = #tpu.core_type<tc>, window_params = [{transform_indices = @transform_0, window_bounds = array<i64: 2, 1000, 64>}, {transform_indices = @transform_1, window_bounds = array<i64: 2, 1000, 64>}, {transform_indices = @transform_2, window_bounds = array<i64: 1000, 16>}, {pipeline_mode = #tpu.pipeline_mode<synchronous>, transform_indices = @transform_3, window_bounds = array<i64: 1, 128>}, {pipeline_mode = #tpu.pipeline_mode<synchronous>, transform_indices = @transform_4, window_bounds = array<i64: 1, 128>}, {pipeline_mode = #tpu.pipeline_mode<synchronous>, transform_indices = @transform_5, window_bounds = array<i64: 1, 128>}, {pipeline_mode = #tpu.pipeline_mode<synchronous>, transform_indices = @transform_6, window_bounds = array<i64: 128, 128>}, {transform_indices = @transform_7, window_bounds = array<i64: 2, 1000, 64>}]} {
    %eq3A = arith.constant 0 : i32
    %eq3A_0 = arith.cmpi eq, %arg0, %eq3A : i32
    %convert_element_type3A = arith.extui %eq3A_0 : i1 to i32
    %cond3A = arith.constant 0 : i32
    %cond3A_1 = arith.cmpi ne, %convert_element_type3A, %cond3A : i32
    scf.if %cond3A_1 {
      %get3A = arith.constant 0 : index
      %get3A_7 = arith.constant 0 : index
      %get3A_8 = vector.load %arg4[%get3A, %get3A_7] : memref<1000x16xf32, #tpu.memory_space<vmem>>, vector<1000x16xf32>
      %slice3A = vector.extract_strided_slice %get3A_8 {offsets = [0, 0], sizes = [1000, 1], strides = [1, 1]} : vector<1000x16xf32> to vector<1000x1xf32>
      %get3A_9 = arith.constant 0 : index
      %get3A_10 = arith.constant 0 : index
      %get3A_11 = arith.constant 0 : index
      %get3A_12 = vector.load %arg3[%get3A_9, %get3A_10, %get3A_11] : memref<2x1000x64xf32, #tpu.memory_space<vmem>>, vector<1x1000x64xf32>
      %get3A_13 = vector.shape_cast %get3A_12 : vector<1x1000x64xf32> to vector<1000x64xf32>
      %get3A_14 = arith.constant 1 : index
      %get3A_15 = arith.constant 0 : index
      %get3A_16 = arith.constant 0 : index
      %get3A_17 = vector.load %arg3[%get3A_14, %get3A_15, %get3A_16] : memref<2x1000x64xf32, #tpu.memory_space<vmem>>, vector<1x1000x64xf32>
      %get3A_18 = vector.shape_cast %get3A_17 : vector<1x1000x64xf32> to vector<1000x64xf32>
      %concatenate3A = tpu.concatenate %get3A_13, %get3A_18 in 1 : vector<1000x64xf32>, vector<1000x64xf32> -> vector<1000x128xf32>
      %get3A_19 = arith.constant 0 : index
      %get3A_20 = arith.constant 0 : index
      %get3A_21 = arith.constant 0 : index
      %get3A_22 = vector.load %arg2[%get3A_19, %get3A_20, %get3A_21] : memref<2x1000x64xf32, #tpu.memory_space<vmem>>, vector<1x1000x64xf32>
      %get3A_23 = vector.shape_cast %get3A_22 : vector<1x1000x64xf32> to vector<1000x64xf32>
      %get3A_24 = arith.constant 1 : index
      %get3A_25 = arith.constant 0 : index
      %get3A_26 = arith.constant 0 : index
      %get3A_27 = vector.load %arg2[%get3A_24, %get3A_25, %get3A_26] : memref<2x1000x64xf32, #tpu.memory_space<vmem>>, vector<1x1000x64xf32>
      %get3A_28 = vector.shape_cast %get3A_27 : vector<1x1000x64xf32> to vector<1000x64xf32>
      %concatenate3A_29 = tpu.concatenate %get3A_23, %get3A_28 in 1 : vector<1000x64xf32>, vector<1000x64xf32> -> vector<1000x128xf32>
      %add3A = arith.addf %concatenate3A_29, %concatenate3A : vector<1000x128xf32>
      %mul3A = vector.broadcast %slice3A : vector<1000x1xf32> to vector<1000x128xf32>
      %mul3A_30 = arith.mulf %mul3A, %add3A : vector<1000x128xf32>
      %get3A_31 = arith.constant 0 : index
      %get3A_32 = arith.constant 0 : index
      %get3A_33 = vector.load %arg5[%get3A_31, %get3A_32] : memref<1x128xf32, #tpu.memory_space<vmem>>, vector<1x128xf32>
      %add3A_34 = vector.broadcast %get3A_33 : vector<1x128xf32> to vector<1000x128xf32>
      %add3A_35 = arith.addf %mul3A_30, %add3A_34 : vector<1000x128xf32>
      %mul3A_36 = arith.constant 1000 : i32
      %mul3A_37 = arith.muli %arg1, %mul3A_36 : i32
      %swap3A = arith.index_cast %mul3A_37 : i32 to index
      %swap3A_38 = arith.constant 0 : index
      %swap3A_39 = vector.load %arg10[%swap3A, %swap3A_38] : memref<10000x128xf32, #tpu.memory_space<vmem>>, vector<1000x128xf32>
      tpu.vector_store %arg10[%swap3A, %swap3A_38], %add3A_35 {strides = array<i32>} : memref<10000x128xf32, #tpu.memory_space<vmem>>, vector<1000x128xf32>,
      %eq3A_40 = arith.constant 0 : i32
      %eq3A_41 = arith.cmpi eq, %arg1, %eq3A_40 : i32
      %convert_element_type3A_42 = arith.extui %eq3A_41 : i1 to i32
      %cond3A_43 = arith.constant 0 : i32
      %cond3A_44 = arith.cmpi ne, %convert_element_type3A_42, %cond3A_43 : i32
      scf.if %cond3A_44 {
        %broadcast_in_dim3A_69 = arith.constant 0.000000e+00 : f32
        %broadcast_in_dim3A_70 = vector.broadcast %broadcast_in_dim3A_69 : f32 to vector<2x128xf32>
        %swap3A_71 = arith.constant 0 : index
        %swap3A_72 = arith.constant 0 : index
        %swap3A_73 = vector.load %arg11[%swap3A_71, %swap3A_72] : memref<2x128xf32, #tpu.memory_space<vmem>>, vector<2x128xf32>
        tpu.vector_store %arg11[%swap3A_71, %swap3A_72], %broadcast_in_dim3A_70 {strides = array<i32>} : memref<2x128xf32, #tpu.memory_space<vmem>>, vector<2x128xf32>,
      } else {
      }
      %get3A_45 = arith.constant 0 : index
      %get3A_46 = arith.constant 0 : index
      %get3A_47 = vector.load %arg11[%get3A_45, %get3A_46] : memref<2x128xf32, #tpu.memory_space<vmem>>, vector<1x128xf32>
      %reduce_sum3A = arith.constant dense<0.000000e+00> : vector<128xf32>
      %reduce_sum3A_48 = vector.multi_reduction <add>, %add3A_35, %reduce_sum3A [0] : vector<1000x128xf32> to vector<128xf32>
      %broadcast_in_dim3A = vector.shape_cast %reduce_sum3A_48 : vector<128xf32> to vector<1x128xf32>
      %add3A_49 = arith.addf %get3A_47, %broadcast_in_dim3A : vector<1x128xf32>
      %swap3A_50 = arith.constant 0 : index
      %swap3A_51 = arith.constant 0 : index
      %swap3A_52 = vector.load %arg11[%swap3A_50, %swap3A_51] : memref<2x128xf32, #tpu.memory_space<vmem>>, vector<1x128xf32>
      tpu.vector_store %arg11[%swap3A_50, %swap3A_51], %add3A_49 {strides = array<i32>} : memref<2x128xf32, #tpu.memory_space<vmem>>, vector<1x128xf32>,
      %get3A_53 = arith.constant 1 : index
      %get3A_54 = arith.constant 0 : index
      %get3A_55 = vector.load %arg11[%get3A_53, %get3A_54] : memref<2x128xf32, #tpu.memory_space<vmem>>, vector<1x128xf32>
      %mul3A_56 = arith.mulf %add3A_35, %add3A_35 : vector<1000x128xf32>
      %reduce_sum3A_57 = arith.constant dense<0.000000e+00> : vector<128xf32>
      %reduce_sum3A_58 = vector.multi_reduction <add>, %mul3A_56, %reduce_sum3A_57 [0] : vector<1000x128xf32> to vector<128xf32>
      %broadcast_in_dim3A_59 = vector.shape_cast %reduce_sum3A_58 : vector<128xf32> to vector<1x128xf32>
      %add3A_60 = arith.addf %get3A_55, %broadcast_in_dim3A_59 : vector<1x128xf32>
      %swap3A_61 = arith.constant 1 : index
      %swap3A_62 = arith.constant 0 : index
      %swap3A_63 = vector.load %arg11[%swap3A_61, %swap3A_62] : memref<2x128xf32, #tpu.memory_space<vmem>>, vector<1x128xf32>
      tpu.vector_store %arg11[%swap3A_61, %swap3A_62], %add3A_60 {strides = array<i32>} : memref<2x128xf32, #tpu.memory_space<vmem>>, vector<1x128xf32>,
      %eq3A_64 = arith.constant 9 : i32
      %eq3A_65 = arith.cmpi eq, %arg1, %eq3A_64 : i32
      %convert_element_type3A_66 = arith.extui %eq3A_65 : i1 to i32
      %cond3A_67 = arith.constant 0 : i32
      %cond3A_68 = arith.cmpi ne, %convert_element_type3A_66, %cond3A_67 : i32
      scf.if %cond3A_68 {
        %get3A_69 = arith.constant 0 : index
        %get3A_70 = arith.constant 0 : index
        %get3A_71 = vector.load %arg11[%get3A_69, %get3A_70] : memref<2x128xf32, #tpu.memory_space<vmem>>, vector<1x128xf32>
        %mul3A_72 = arith.constant 9.99999974E-5 : f32
        %mul3A_73 = vector.broadcast %mul3A_72 : f32 to vector<1x128xf32>
        %mul3A_74 = arith.mulf %get3A_71, %mul3A_73 : vector<1x128xf32>
        %get3A_75 = arith.constant 1 : index
        %get3A_76 = arith.constant 0 : index
        %get3A_77 = vector.load %arg11[%get3A_75, %get3A_76] : memref<2x128xf32, #tpu.memory_space<vmem>>, vector<1x128xf32>
        %mul3A_78 = arith.constant 9.99999974E-5 : f32
        %mul3A_79 = vector.broadcast %mul3A_78 : f32 to vector<1x128xf32>
        %mul3A_80 = arith.mulf %get3A_77, %mul3A_79 : vector<1x128xf32>
        %mul3A_81 = arith.mulf %mul3A_74, %mul3A_74 : vector<1x128xf32>
        %sub3A = arith.subf %mul3A_80, %mul3A_81 : vector<1x128xf32>
        %get3A_82 = arith.constant 0 : index
        %get3A_83 = arith.constant 0 : index
        %get3A_84 = vector.load %arg6[%get3A_82, %get3A_83] : memref<1x128xf32, #tpu.memory_space<vmem>>, vector<1x128xf32>
        %add3A_85 = arith.constant 9.99999974E-6 : f32
        %add3A_86 = vector.broadcast %add3A_85 : f32 to vector<1x128xf32>
        %add3A_87 = arith.addf %sub3A, %add3A_86 : vector<1x128xf32>
        %rsqrt3A = math.rsqrt %add3A_87 : vector<1x128xf32>
        %mul3A_88 = arith.mulf %get3A_84, %rsqrt3A : vector<1x128xf32>
        %swap3A_89 = arith.constant 0 : index
        %swap3A_90 = arith.constant 0 : index
        %swap3A_91 = vector.load %arg11[%swap3A_89, %swap3A_90] : memref<2x128xf32, #tpu.memory_space<vmem>>, vector<1x128xf32>
        tpu.vector_store %arg11[%swap3A_89, %swap3A_90], %mul3A_88 {strides = array<i32>} : memref<2x128xf32, #tpu.memory_space<vmem>>, vector<1x128xf32>,
        %get3A_92 = arith.constant 0 : index
        %get3A_93 = arith.constant 0 : index
        %get3A_94 = vector.load %arg7[%get3A_92, %get3A_93] : memref<1x128xf32, #tpu.memory_space<vmem>>, vector<1x128xf32>
        %mul3A_95 = arith.mulf %mul3A_88, %mul3A_74 : vector<1x128xf32>
        %sub3A_96 = arith.subf %get3A_94, %mul3A_95 : vector<1x128xf32>
        %swap3A_97 = arith.constant 1 : index
        %swap3A_98 = arith.constant 0 : index
        %swap3A_99 = vector.load %arg11[%swap3A_97, %swap3A_98] : memref<2x128xf32, #tpu.memory_space<vmem>>, vector<1x128xf32>
        tpu.vector_store %arg11[%swap3A_97, %swap3A_98], %sub3A_96 {strides = array<i32>} : memref<2x128xf32, #tpu.memory_space<vmem>>, vector<1x128xf32>,
      } else {
      }
    } else {
    }
    %eq3A_2 = arith.constant 1 : i32
    %eq3A_3 = arith.cmpi eq, %arg0, %eq3A_2 : i32
    %convert_element_type3A_4 = arith.extui %eq3A_3 : i1 to i32
    %cond3A_5 = arith.constant 0 : i32
    %cond3A_6 = arith.cmpi ne, %convert_element_type3A_4, %cond3A_5 : i32
    scf.if %cond3A_6 {
      %get3A = arith.constant 0 : index
      %get3A_7 = arith.constant 0 : index
      %get3A_8 = vector.load %arg11[%get3A, %get3A_7] : memref<2x128xf32, #tpu.memory_space<vmem>>, vector<1x128xf32>
      %get3A_9 = arith.constant 1 : index
      %get3A_10 = arith.constant 0 : index
      %get3A_11 = vector.load %arg11[%get3A_9, %get3A_10] : memref<2x128xf32, #tpu.memory_space<vmem>>, vector<1x128xf32>
      %mul3A = arith.constant 1000 : i32
      %mul3A_12 = arith.muli %arg1, %mul3A : i32
      %get3A_13 = arith.index_cast %mul3A_12 : i32 to index
      %get3A_14 = arith.constant 0 : index
      %get3A_15 = vector.load %arg10[%get3A_13, %get3A_14] : memref<10000x128xf32, #tpu.memory_space<vmem>>, vector<1000x128xf32>
      %mul3A_16 = vector.broadcast %get3A_8 : vector<1x128xf32> to vector<1000x128xf32>
      %mul3A_17 = arith.mulf %mul3A_16, %get3A_15 : vector<1000x128xf32>
      %add3A = vector.broadcast %get3A_11 : vector<1x128xf32> to vector<1000x128xf32>
      %add3A_18 = arith.addf %mul3A_17, %add3A : vector<1000x128xf32>
      %get3A_19 = arith.constant 0 : index
      %get3A_20 = arith.constant 0 : index
      %get3A_21 = vector.load %arg8[%get3A_19, %get3A_20] : memref<128x128xf32, #tpu.memory_space<vmem>>, vector<128x128xf32>
      %dot_general3A = arith.constant dense<0.000000e+00> : vector<1000x128xf32>
      %dot_general3A_22 = tpu.matmul %add3A_18, %get3A_21, %dot_general3A {dimension_numbers = #tpu.dot_dimension_numbers<[1], [0], [0], [1], [0, 0, 1, 1], [], []>, transpose_lhs_hint = false} : vector<1000x128xf32>, vector<128x128xf32>, vector<1000x128xf32> -> vector<1000x128xf32>
      %get3A_23 = arith.constant 0 : index
      %get3A_24 = arith.constant 0 : index
      %get3A_25 = vector.load %arg4[%get3A_23, %get3A_24] : memref<1000x16xf32, #tpu.memory_space<vmem>>, vector<1000x16xf32>
      %slice3A = vector.extract_strided_slice %get3A_25 {offsets = [0, 0], sizes = [1000, 1], strides = [1, 1]} : vector<1000x16xf32> to vector<1000x1xf32>
      %mul3A_26 = vector.broadcast %slice3A : vector<1000x1xf32> to vector<1000x128xf32>
      %mul3A_27 = arith.mulf %dot_general3A_22, %mul3A_26 : vector<1000x128xf32>
      %slice3A_28 = vector.extract_strided_slice %mul3A_27 {offsets = [0, 0], sizes = [1000, 64], strides = [1, 1]} : vector<1000x128xf32> to vector<1000x64xf32>
      %swap3A = arith.constant 0 : index
      %swap3A_29 = arith.constant 0 : index
      %swap3A_30 = arith.constant 0 : index
      %swap3A_31 = vector.load %arg9[%swap3A, %swap3A_29, %swap3A_30] : memref<2x1000x64xf32, #tpu.memory_space<vmem>>, vector<1x1000x64xf32>
      %swap3A_32 = vector.shape_cast %swap3A_31 : vector<1x1000x64xf32> to vector<1000x64xf32>
      %swap3A_33 = vector.shape_cast %slice3A_28 : vector<1000x64xf32> to vector<1x1000x64xf32>
      tpu.vector_store %arg9[%swap3A, %swap3A_29, %swap3A_30], %swap3A_33 {strides = array<i32>} : memref<2x1000x64xf32, #tpu.memory_space<vmem>>, vector<1x1000x64xf32>,
      %slice3A_34 = vector.extract_strided_slice %mul3A_27 {offsets = [0, 64], sizes = [1000, 64], strides = [1, 1]} : vector<1000x128xf32> to vector<1000x64xf32>
      %swap3A_35 = arith.constant 1 : index
      %swap3A_36 = arith.constant 0 : index
      %swap3A_37 = arith.constant 0 : index
      %swap3A_38 = vector.load %arg9[%swap3A_35, %swap3A_36, %swap3A_37] : memref<2x1000x64xf32, #tpu.memory_space<vmem>>, vector<1x1000x64xf32>
      %swap3A_39 = vector.shape_cast %swap3A_38 : vector<1x1000x64xf32> to vector<1000x64xf32>
      %swap3A_40 = vector.shape_cast %slice3A_34 : vector<1000x64xf32> to vector<1x1000x64xf32>
      tpu.vector_store %arg9[%swap3A_35, %swap3A_36, %swap3A_37], %swap3A_40 {strides = array<i32>} : memref<2x1000x64xf32, #tpu.memory_space<vmem>>, vector<1x1000x64xf32>,
    } else {
    }
    return
  }
  func.func @transform_0(%arg0: i32, %arg1: i32) -> (i32, i32, i32) {
    %c0_i32 = arith.constant 0 : i32
    %c0_i32_0 = arith.constant 0 : i32
    %c0_i32_1 = arith.constant 0 : i32
    return %c0_i32, %arg1, %c0_i32_0 : i32, i32, i32
  }
  func.func @transform_1(%arg0: i32, %arg1: i32) -> (i32, i32, i32) {
    %c0_i32 = arith.constant 0 : i32
    %c0_i32_0 = arith.constant 0 : i32
    %c0_i32_1 = arith.constant 0 : i32
    return %c0_i32, %arg1, %c0_i32_0 : i32, i32, i32
  }
  func.func @transform_2(%arg0: i32, %arg1: i32) -> (i32, i32) {
    %c0_i32 = arith.constant 0 : i32
    %c0_i32_0 = arith.constant 0 : i32
    return %arg1, %c0_i32 : i32, i32
  }
  func.func @transform_3(%arg0: i32, %arg1: i32) -> (i32, i32) {
    %c0_i32 = arith.constant 0 : i32
    %c0_i32_0 = arith.constant 0 : i32
    %c0_i32_1 = arith.constant 0 : i32
    return %c0_i32, %c0_i32_0 : i32, i32
  }
  func.func @transform_4(%arg0: i32, %arg1: i32) -> (i32, i32) {
    %c0_i32 = arith.constant 0 : i32
    %c0_i32_0 = arith.constant 0 : i32
    %c0_i32_1 = arith.constant 0 : i32
    return %c0_i32, %c0_i32_0 : i32, i32
  }
  func.func @transform_5(%arg0: i32, %arg1: i32) -> (i32, i32) {
    %c0_i32 = arith.constant 0 : i32
    %c0_i32_0 = arith.constant 0 : i32
    %c0_i32_1 = arith.constant 0 : i32
    return %c0_i32, %c0_i32_0 : i32, i32
  }
  func.func @transform_6(%arg0: i32, %arg1: i32) -> (i32, i32) {
    %c0_i32 = arith.constant 0 : i32
    %c0_i32_0 = arith.constant 0 : i32
    %c0_i32_1 = arith.constant 0 : i32
    return %c0_i32, %c0_i32_0 : i32, i32
  }
  func.func @transform_7(%arg0: i32, %arg1: i32) -> (i32, i32, i32) {
    %c0_i32 = arith.constant 0 : i32
    %c0_i32_0 = arith.constant 0 : i32
    %c0_i32_1 = arith.constant 0 : i32
    return %c0_i32, %arg1, %c0_i32_0 : i32, i32, i32
  }
}

module attributes {stable_mosaic.version = 14 : i64} {
  func.func @_bn_kernel(%arg0: i32, %arg1: i32, %arg2: memref<2x1000x64xf32, #tpu.memory_space<vmem>>, %arg3: memref<2x1000x64xf32, #tpu.memory_space<vmem>>, %arg4: memref<1000x16xf32, #tpu.memory_space<vmem>>, %arg5: memref<1x128xf32, #tpu.memory_space<vmem>>, %arg6: memref<1x128xf32, #tpu.memory_space<vmem>>, %arg7: memref<1x128xf32, #tpu.memory_space<vmem>>, %arg8: memref<128x128xf32, #tpu.memory_space<vmem>>, %arg9: memref<1000x128xf32, #tpu.memory_space<vmem>>, %arg10: memref<10000x128xf32, #tpu.memory_space<vmem>>, %arg11: memref<2x128xf32, #tpu.memory_space<vmem>>) attributes {dimension_semantics = [#tpu.dimension_semantics<arbitrary>, #tpu.dimension_semantics<arbitrary>], iteration_bounds = array<i64: 2, 10>, scalar_prefetch = 0 : i64, scratch_operands = 2 : i64, tpu.core_type = #tpu.core_type<tc>, window_params = [{transform_indices = @transform_0, window_bounds = array<i64: 2, 1000, 64>}, {transform_indices = @transform_1, window_bounds = array<i64: 2, 1000, 64>}, {transform_indices = @transform_2, window_bounds = array<i64: 1000, 16>}, {pipeline_mode = #tpu.pipeline_mode<synchronous>, transform_indices = @transform_3, window_bounds = array<i64: 1, 128>}, {pipeline_mode = #tpu.pipeline_mode<synchronous>, transform_indices = @transform_4, window_bounds = array<i64: 1, 128>}, {pipeline_mode = #tpu.pipeline_mode<synchronous>, transform_indices = @transform_5, window_bounds = array<i64: 1, 128>}, {pipeline_mode = #tpu.pipeline_mode<synchronous>, transform_indices = @transform_6, window_bounds = array<i64: 128, 128>}, {transform_indices = @transform_7, window_bounds = array<i64: 1000, 128>}]} {
    %eq3A = arith.constant 0 : i32
    %eq3A_0 = arith.cmpi eq, %arg0, %eq3A : i32
    %convert_element_type3A = arith.extui %eq3A_0 : i1 to i32
    %cond3A = arith.constant 0 : i32
    %cond3A_1 = arith.cmpi ne, %convert_element_type3A, %cond3A : i32
    scf.if %cond3A_1 {
      %get3A = arith.constant 0 : index
      %get3A_7 = arith.constant 0 : index
      %get3A_8 = vector.load %arg4[%get3A, %get3A_7] : memref<1000x16xf32, #tpu.memory_space<vmem>>, vector<1000x16xf32>
      %slice3A = vector.extract_strided_slice %get3A_8 {offsets = [0, 0], sizes = [1000, 1], strides = [1, 1]} : vector<1000x16xf32> to vector<1000x1xf32>
      %get3A_9 = arith.constant 0 : index
      %get3A_10 = arith.constant 0 : index
      %get3A_11 = arith.constant 0 : index
      %get3A_12 = vector.load %arg3[%get3A_9, %get3A_10, %get3A_11] : memref<2x1000x64xf32, #tpu.memory_space<vmem>>, vector<1x1000x64xf32>
      %get3A_13 = vector.shape_cast %get3A_12 : vector<1x1000x64xf32> to vector<1000x64xf32>
      %get3A_14 = arith.constant 1 : index
      %get3A_15 = arith.constant 0 : index
      %get3A_16 = arith.constant 0 : index
      %get3A_17 = vector.load %arg3[%get3A_14, %get3A_15, %get3A_16] : memref<2x1000x64xf32, #tpu.memory_space<vmem>>, vector<1x1000x64xf32>
      %get3A_18 = vector.shape_cast %get3A_17 : vector<1x1000x64xf32> to vector<1000x64xf32>
      %concatenate3A = tpu.concatenate %get3A_13, %get3A_18 in 1 : vector<1000x64xf32>, vector<1000x64xf32> -> vector<1000x128xf32>
      %get3A_19 = arith.constant 0 : index
      %get3A_20 = arith.constant 0 : index
      %get3A_21 = arith.constant 0 : index
      %get3A_22 = vector.load %arg2[%get3A_19, %get3A_20, %get3A_21] : memref<2x1000x64xf32, #tpu.memory_space<vmem>>, vector<1x1000x64xf32>
      %get3A_23 = vector.shape_cast %get3A_22 : vector<1x1000x64xf32> to vector<1000x64xf32>
      %get3A_24 = arith.constant 1 : index
      %get3A_25 = arith.constant 0 : index
      %get3A_26 = arith.constant 0 : index
      %get3A_27 = vector.load %arg2[%get3A_24, %get3A_25, %get3A_26] : memref<2x1000x64xf32, #tpu.memory_space<vmem>>, vector<1x1000x64xf32>
      %get3A_28 = vector.shape_cast %get3A_27 : vector<1x1000x64xf32> to vector<1000x64xf32>
      %concatenate3A_29 = tpu.concatenate %get3A_23, %get3A_28 in 1 : vector<1000x64xf32>, vector<1000x64xf32> -> vector<1000x128xf32>
      %add3A = arith.addf %concatenate3A_29, %concatenate3A : vector<1000x128xf32>
      %mul3A = vector.broadcast %slice3A : vector<1000x1xf32> to vector<1000x128xf32>
      %mul3A_30 = arith.mulf %mul3A, %add3A : vector<1000x128xf32>
      %get3A_31 = arith.constant 0 : index
      %get3A_32 = arith.constant 0 : index
      %get3A_33 = vector.load %arg5[%get3A_31, %get3A_32] : memref<1x128xf32, #tpu.memory_space<vmem>>, vector<1x128xf32>
      %add3A_34 = vector.broadcast %get3A_33 : vector<1x128xf32> to vector<1000x128xf32>
      %add3A_35 = arith.addf %mul3A_30, %add3A_34 : vector<1000x128xf32>
      %mul3A_36 = arith.constant 1000 : i32
      %mul3A_37 = arith.muli %arg1, %mul3A_36 : i32
      %swap3A = arith.index_cast %mul3A_37 : i32 to index
      %swap3A_38 = arith.constant 0 : index
      %swap3A_39 = vector.load %arg10[%swap3A, %swap3A_38] : memref<10000x128xf32, #tpu.memory_space<vmem>>, vector<1000x128xf32>
      tpu.vector_store %arg10[%swap3A, %swap3A_38], %add3A_35 {strides = array<i32>} : memref<10000x128xf32, #tpu.memory_space<vmem>>, vector<1000x128xf32>,
      %eq3A_40 = arith.constant 0 : i32
      %eq3A_41 = arith.cmpi eq, %arg1, %eq3A_40 : i32
      %convert_element_type3A_42 = arith.extui %eq3A_41 : i1 to i32
      %cond3A_43 = arith.constant 0 : i32
      %cond3A_44 = arith.cmpi ne, %convert_element_type3A_42, %cond3A_43 : i32
      scf.if %cond3A_44 {
        %broadcast_in_dim3A_69 = arith.constant 0.000000e+00 : f32
        %broadcast_in_dim3A_70 = vector.broadcast %broadcast_in_dim3A_69 : f32 to vector<2x128xf32>
        %swap3A_71 = arith.constant 0 : index
        %swap3A_72 = arith.constant 0 : index
        %swap3A_73 = vector.load %arg11[%swap3A_71, %swap3A_72] : memref<2x128xf32, #tpu.memory_space<vmem>>, vector<2x128xf32>
        tpu.vector_store %arg11[%swap3A_71, %swap3A_72], %broadcast_in_dim3A_70 {strides = array<i32>} : memref<2x128xf32, #tpu.memory_space<vmem>>, vector<2x128xf32>,
      } else {
      }
      %get3A_45 = arith.constant 0 : index
      %get3A_46 = arith.constant 0 : index
      %get3A_47 = vector.load %arg11[%get3A_45, %get3A_46] : memref<2x128xf32, #tpu.memory_space<vmem>>, vector<1x128xf32>
      %reduce_sum3A = arith.constant dense<0.000000e+00> : vector<128xf32>
      %reduce_sum3A_48 = vector.multi_reduction <add>, %add3A_35, %reduce_sum3A [0] : vector<1000x128xf32> to vector<128xf32>
      %broadcast_in_dim3A = vector.shape_cast %reduce_sum3A_48 : vector<128xf32> to vector<1x128xf32>
      %add3A_49 = arith.addf %get3A_47, %broadcast_in_dim3A : vector<1x128xf32>
      %swap3A_50 = arith.constant 0 : index
      %swap3A_51 = arith.constant 0 : index
      %swap3A_52 = vector.load %arg11[%swap3A_50, %swap3A_51] : memref<2x128xf32, #tpu.memory_space<vmem>>, vector<1x128xf32>
      tpu.vector_store %arg11[%swap3A_50, %swap3A_51], %add3A_49 {strides = array<i32>} : memref<2x128xf32, #tpu.memory_space<vmem>>, vector<1x128xf32>,
      %get3A_53 = arith.constant 1 : index
      %get3A_54 = arith.constant 0 : index
      %get3A_55 = vector.load %arg11[%get3A_53, %get3A_54] : memref<2x128xf32, #tpu.memory_space<vmem>>, vector<1x128xf32>
      %mul3A_56 = arith.mulf %add3A_35, %add3A_35 : vector<1000x128xf32>
      %reduce_sum3A_57 = arith.constant dense<0.000000e+00> : vector<128xf32>
      %reduce_sum3A_58 = vector.multi_reduction <add>, %mul3A_56, %reduce_sum3A_57 [0] : vector<1000x128xf32> to vector<128xf32>
      %broadcast_in_dim3A_59 = vector.shape_cast %reduce_sum3A_58 : vector<128xf32> to vector<1x128xf32>
      %add3A_60 = arith.addf %get3A_55, %broadcast_in_dim3A_59 : vector<1x128xf32>
      %swap3A_61 = arith.constant 1 : index
      %swap3A_62 = arith.constant 0 : index
      %swap3A_63 = vector.load %arg11[%swap3A_61, %swap3A_62] : memref<2x128xf32, #tpu.memory_space<vmem>>, vector<1x128xf32>
      tpu.vector_store %arg11[%swap3A_61, %swap3A_62], %add3A_60 {strides = array<i32>} : memref<2x128xf32, #tpu.memory_space<vmem>>, vector<1x128xf32>,
      %eq3A_64 = arith.constant 9 : i32
      %eq3A_65 = arith.cmpi eq, %arg1, %eq3A_64 : i32
      %convert_element_type3A_66 = arith.extui %eq3A_65 : i1 to i32
      %cond3A_67 = arith.constant 0 : i32
      %cond3A_68 = arith.cmpi ne, %convert_element_type3A_66, %cond3A_67 : i32
      scf.if %cond3A_68 {
        %get3A_69 = arith.constant 0 : index
        %get3A_70 = arith.constant 0 : index
        %get3A_71 = vector.load %arg11[%get3A_69, %get3A_70] : memref<2x128xf32, #tpu.memory_space<vmem>>, vector<1x128xf32>
        %mul3A_72 = arith.constant 9.99999974E-5 : f32
        %mul3A_73 = vector.broadcast %mul3A_72 : f32 to vector<1x128xf32>
        %mul3A_74 = arith.mulf %get3A_71, %mul3A_73 : vector<1x128xf32>
        %get3A_75 = arith.constant 1 : index
        %get3A_76 = arith.constant 0 : index
        %get3A_77 = vector.load %arg11[%get3A_75, %get3A_76] : memref<2x128xf32, #tpu.memory_space<vmem>>, vector<1x128xf32>
        %mul3A_78 = arith.constant 9.99999974E-5 : f32
        %mul3A_79 = vector.broadcast %mul3A_78 : f32 to vector<1x128xf32>
        %mul3A_80 = arith.mulf %get3A_77, %mul3A_79 : vector<1x128xf32>
        %mul3A_81 = arith.mulf %mul3A_74, %mul3A_74 : vector<1x128xf32>
        %sub3A = arith.subf %mul3A_80, %mul3A_81 : vector<1x128xf32>
        %get3A_82 = arith.constant 0 : index
        %get3A_83 = arith.constant 0 : index
        %get3A_84 = vector.load %arg6[%get3A_82, %get3A_83] : memref<1x128xf32, #tpu.memory_space<vmem>>, vector<1x128xf32>
        %add3A_85 = arith.constant 9.99999974E-6 : f32
        %add3A_86 = vector.broadcast %add3A_85 : f32 to vector<1x128xf32>
        %add3A_87 = arith.addf %sub3A, %add3A_86 : vector<1x128xf32>
        %rsqrt3A = math.rsqrt %add3A_87 : vector<1x128xf32>
        %mul3A_88 = arith.mulf %get3A_84, %rsqrt3A : vector<1x128xf32>
        %swap3A_89 = arith.constant 0 : index
        %swap3A_90 = arith.constant 0 : index
        %swap3A_91 = vector.load %arg11[%swap3A_89, %swap3A_90] : memref<2x128xf32, #tpu.memory_space<vmem>>, vector<1x128xf32>
        tpu.vector_store %arg11[%swap3A_89, %swap3A_90], %mul3A_88 {strides = array<i32>} : memref<2x128xf32, #tpu.memory_space<vmem>>, vector<1x128xf32>,
        %get3A_92 = arith.constant 0 : index
        %get3A_93 = arith.constant 0 : index
        %get3A_94 = vector.load %arg7[%get3A_92, %get3A_93] : memref<1x128xf32, #tpu.memory_space<vmem>>, vector<1x128xf32>
        %mul3A_95 = arith.mulf %mul3A_88, %mul3A_74 : vector<1x128xf32>
        %sub3A_96 = arith.subf %get3A_94, %mul3A_95 : vector<1x128xf32>
        %swap3A_97 = arith.constant 1 : index
        %swap3A_98 = arith.constant 0 : index
        %swap3A_99 = vector.load %arg11[%swap3A_97, %swap3A_98] : memref<2x128xf32, #tpu.memory_space<vmem>>, vector<1x128xf32>
        tpu.vector_store %arg11[%swap3A_97, %swap3A_98], %sub3A_96 {strides = array<i32>} : memref<2x128xf32, #tpu.memory_space<vmem>>, vector<1x128xf32>,
      } else {
      }
    } else {
    }
    %eq3A_2 = arith.constant 1 : i32
    %eq3A_3 = arith.cmpi eq, %arg0, %eq3A_2 : i32
    %convert_element_type3A_4 = arith.extui %eq3A_3 : i1 to i32
    %cond3A_5 = arith.constant 0 : i32
    %cond3A_6 = arith.cmpi ne, %convert_element_type3A_4, %cond3A_5 : i32
    scf.if %cond3A_6 {
      %get3A = arith.constant 0 : index
      %get3A_7 = arith.constant 0 : index
      %get3A_8 = vector.load %arg11[%get3A, %get3A_7] : memref<2x128xf32, #tpu.memory_space<vmem>>, vector<1x128xf32>
      %get3A_9 = arith.constant 1 : index
      %get3A_10 = arith.constant 0 : index
      %get3A_11 = vector.load %arg11[%get3A_9, %get3A_10] : memref<2x128xf32, #tpu.memory_space<vmem>>, vector<1x128xf32>
      %mul3A = arith.constant 1000 : i32
      %mul3A_12 = arith.muli %arg1, %mul3A : i32
      %get3A_13 = arith.index_cast %mul3A_12 : i32 to index
      %get3A_14 = arith.constant 0 : index
      %get3A_15 = vector.load %arg10[%get3A_13, %get3A_14] : memref<10000x128xf32, #tpu.memory_space<vmem>>, vector<1000x128xf32>
      %mul3A_16 = vector.broadcast %get3A_8 : vector<1x128xf32> to vector<1000x128xf32>
      %mul3A_17 = arith.mulf %mul3A_16, %get3A_15 : vector<1000x128xf32>
      %add3A = vector.broadcast %get3A_11 : vector<1x128xf32> to vector<1000x128xf32>
      %add3A_18 = arith.addf %mul3A_17, %add3A : vector<1000x128xf32>
      %swap3A = arith.constant 0 : index
      %swap3A_19 = arith.constant 0 : index
      %swap3A_20 = vector.load %arg9[%swap3A, %swap3A_19] : memref<1000x128xf32, #tpu.memory_space<vmem>>, vector<1000x128xf32>
      tpu.vector_store %arg9[%swap3A, %swap3A_19], %add3A_18 {strides = array<i32>} : memref<1000x128xf32, #tpu.memory_space<vmem>>, vector<1000x128xf32>,
    } else {
    }
    return
  }
  func.func @transform_0(%arg0: i32, %arg1: i32) -> (i32, i32, i32) {
    %c0_i32 = arith.constant 0 : i32
    %c0_i32_0 = arith.constant 0 : i32
    %c0_i32_1 = arith.constant 0 : i32
    return %c0_i32, %arg1, %c0_i32_0 : i32, i32, i32
  }
  func.func @transform_1(%arg0: i32, %arg1: i32) -> (i32, i32, i32) {
    %c0_i32 = arith.constant 0 : i32
    %c0_i32_0 = arith.constant 0 : i32
    %c0_i32_1 = arith.constant 0 : i32
    return %c0_i32, %arg1, %c0_i32_0 : i32, i32, i32
  }
  func.func @transform_2(%arg0: i32, %arg1: i32) -> (i32, i32) {
    %c0_i32 = arith.constant 0 : i32
    %c0_i32_0 = arith.constant 0 : i32
    return %arg1, %c0_i32 : i32, i32
  }
  func.func @transform_3(%arg0: i32, %arg1: i32) -> (i32, i32) {
    %c0_i32 = arith.constant 0 : i32
    %c0_i32_0 = arith.constant 0 : i32
    %c0_i32_1 = arith.constant 0 : i32
    return %c0_i32, %c0_i32_0 : i32, i32
  }
  func.func @transform_4(%arg0: i32, %arg1: i32) -> (i32, i32) {
    %c0_i32 = arith.constant 0 : i32
    %c0_i32_0 = arith.constant 0 : i32
    %c0_i32_1 = arith.constant 0 : i32
    return %c0_i32, %c0_i32_0 : i32, i32
  }
  func.func @transform_5(%arg0: i32, %arg1: i32) -> (i32, i32) {
    %c0_i32 = arith.constant 0 : i32
    %c0_i32_0 = arith.constant 0 : i32
    %c0_i32_1 = arith.constant 0 : i32
    return %c0_i32, %c0_i32_0 : i32, i32
  }
  func.func @transform_6(%arg0: i32, %arg1: i32) -> (i32, i32) {
    %c0_i32 = arith.constant 0 : i32
    %c0_i32_0 = arith.constant 0 : i32
    %c0_i32_1 = arith.constant 0 : i32
    return %c0_i32, %c0_i32_0 : i32, i32
  }
  func.func @transform_7(%arg0: i32, %arg1: i32) -> (i32, i32) {
    %c0_i32 = arith.constant 0 : i32
    %c0_i32_0 = arith.constant 0 : i32
    return %arg1, %c0_i32 : i32, i32
  }
}

</mosaic_0001>

<sc_bundles>
// kernel: kernel.11.cloned.1.call-start
scs
__scs_entry_jumppad:
0x0: {  	(pc) =	sbr.rel $0x88, $3  }
0x1: {  	(tag) =	ssettag $0x0;
	lr =	simm.s32 $0x1  }
0x2: {  	[smem:$0x3F97] =	sst lr;
	_ =	strace $0xD0000000  }
0x3: {  	_ = 	snop  }
0x4: {  	_ = 	snop  }
0x5: {  	_ = 	snop  }
0x6: {  	_ = 	snop  }
0x7: {  	_ = 	snop  }
__scs_overlays_trampoline_lowered:
0x8: {  	[smem:$0x3FA6] =	sst s0  }
0x9: {  	[smem:$0x3FA7] =	sst s1  }
0xa: {  	[smem:$0x3FA8] =	sst s2  }
0xb: {  	[smem:$0x3FA9] =	sst s3  }
0xc: {  	[smem:$0x3FAA] =	sst s4  }
0xd: {  	[smem:$0x3FAB] =	sst s5  }
0xe: {  	[smem:$0x3FAC] =	sst s6  }
0xf: {  	[smem:$0x3FAD] =	sst s7  }
0x10: {  	[smem:$0x3FAE] =	sst s8  }
0x11: {  	[smem:$0x3FAF] =	sst s9;
	s0 =	simm.s32 @!p0 $0x0  }
0x12: {  	s1 =	sld [smem:$0x3F95];
	s0 =	simm.s32 @p0 $0x1  }
0x13: {  	[smem:$0x3FB0] =	sst s0;
	s0 =	simm.s32 @!p1 $0x0  }
0x14: {  	s2 =	sld [smem:$0x3F94];
	s0 =	simm.s32 @p1 $0x1  }
0x15: {  	[smem:$0x3FB1] =	sst s0;
	s0 =	simm.s32 @!p2 $0x0  }
0x16: {  	s3 =	sld [smem:$0x3FDB];
	s0 =	simm.s32 @p2 $0x1  }
0x17: {  	s4 =	simm.s32 $0x1BF5;
	[smem:$0x3FB3] =	sst s0  }
0x18: {  	s0 =	sld [smem:$0x3F96];
	_ =	swait.ge [sflag:s4], $0x0  }
0x19: {  	s7 =	sld [smem:$0x3F97]  }
0x1a: {  	s8 =	sadd.s32 $0xFFFFE003, lr  }
0x1b: {  	s9 =	sadd.s32 $0xFFFFFEF7, lr;
	s5 =	simm.s32 $0xFFFFFFFF;
	p2 =	slt.u32 s8, $0xFFFFF086  }
0x1c: {  	p1 =	slt.u32 s9, $0xF7A;
	s5 =	simm.s32 @!p2 $0x0  }
0x1d: {  	s5 =	simm.s32 @p1 $0x1;
	p0 =	seq.s32 s7, s2  }
0x1e: {  	s7 =	smul.u32 @!p0 $0xF7A, s2;
	p2 =	seq.s32 @!p0 s5, $0x0  }
0x1f: {  	s9 =	smul.u32 $0xF7A, s1;
	s8 =	simm.s32 @!p0 $0x1BF5;
	p2 =	por !p2, p0  }
0x20: {  	[sflag:s8] =	ssyncset.s32 @!p0 $0xFFFFF086;
	s6 =	sadd.s32 @!p0 s3, s7;
	s7 =	simm.s32 @!p0 $0x108  }
0x21: {  	s3 =	sadd.s32 s3, s9;
	s6 =	sadd.s32 @!p0 $0x88, s6;
	s7 =	simm.s32 @p2 $0x1082  }
0x22: {  	[simem:s7], [sflag:s8] =	dma.local @!p0 [hbm:s6], $0xF7A  }
0x23: {  	s9 =	sor.u32 $0xD0000000, s2;
	s6 =	simm.s32 $0x108;
	_ =	swait.ge @!p0 [sflag:s8], $0x0  }
0x24: {  	s3 =	sadd.s32 $0x88, s3;
	s6 =	simm.s32 @!p1 $0x1082;
	[sflag:s4] =	ssyncset.s32 $0xFFFFF086  }
0x25: {  	[simem:s6], [sflag:s4] =	dma.local [hbm:s3], $0xF7A  }
0x26: {  	[smem:$0x3F97] =	sst s1;
	(tag) =	ssettag s2;
	_ =	strace s9  }
0x27: {  	s1 =	sld [smem:$0x3FA7]  }
0x28: {  	s2 =	sld [smem:$0x3FA8]  }
0x29: {  	s4 =	sld [smem:$0x3FAA]  }
0x2a: {  	p0 =	seq.s32 s5, $0x0;
	s5 =	sld [smem:$0x3FAB]  }
0x2b: {  	s6 =	sld [smem:$0x3FAC]  }
0x2c: {  	s7 =	sld [smem:$0x3FAD]  }
0x2d: {  	s3 =	simm.s32 $0x108;
	s8 =	sld [smem:$0x3FAE]  }
0x2e: {  	s3 =	simm.s32 @!p0 $0x1082;
	s9 =	sld [smem:$0x3FAF]  }
0x2f: {  	lr =	sadd.s32 s0, s3;
	s0 =	sld [smem:$0x3FA6]  }
0x30: {  	s3 =	sld [smem:$0x3FA9]  }
0x31: {  	[smem:$0x3FB2] =	sst s10  }
0x32: {  	s10 =	sld [smem:$0x3FB0];
	_ =	sdelay $0x3  }
0x33: {  	p0 =	seq.s32 s10, $0x1;
	s10 =	sld [smem:$0x3FB2];
	_ =	sdelay $0x3  }
0x34: {  	[smem:$0x3FB2] =	sst s10  }
0x35: {  	s10 =	sld [smem:$0x3FB1];
	_ =	sdelay $0x3  }
0x36: {  	p1 =	seq.s32 s10, $0x1;
	s10 =	sld [smem:$0x3FB2];
	_ =	sdelay $0x3  }
0x37: {  	[smem:$0x3FB2] =	sst s10  }
0x38: {  	s10 =	sld [smem:$0x3FB3]  }
0x39: {  	_ = 	snop;
	(pc) =	sbr.ind lr, $3  }
0x3a: {  	_ = 	snop  }
0x3b: {  	_ = 	snop  }
0x3c: {  	p2 =	seq.s32 s10, $0x1;
	s10 =	sld [smem:$0x3FB2]  }
0x3d: {  	_ =	shalt  }
0x3e: {  	_ =	shalt  }
0x3f: {  	_ =	shalt  }
0x40: {  	_ =	shalt  }
0x41: {  	_ =	shalt  }
0x42: {  	_ =	shalt  }
0x43: {  	_ =	shalt  }
0x44: {  	_ =	shalt  }
0x45: {  	_ =	shalt  }
0x46: {  	_ =	shalt  }
0x47: {  	_ =	shalt  }
0x48: {  	_ =	shalt  }
0x49: {  	_ =	shalt  }
0x4a: {  	_ =	shalt  }
0x4b: {  	_ =	shalt  }
0x4c: {  	_ =	shalt  }
0x4d: {  	_ =	shalt  }
0x4e: {  	_ =	shalt  }
0x4f: {  	_ =	shalt  }
0x50: {  	_ =	shalt  }
0x51: {  	_ =	shalt  }
0x52: {  	_ =	shalt  }
0x53: {  	_ =	shalt  }
0x54: {  	_ =	shalt  }
0x55: {  	_ =	shalt  }
0x56: {  	_ =	shalt  }
0x57: {  	_ =	shalt  }
0x58: {  	_ =	shalt  }
0x59: {  	_ =	shalt  }
0x5a: {  	_ =	shalt  }
0x5b: {  	_ =	shalt  }
0x5c: {  	_ =	shalt  }
0x5d: {  	_ =	shalt  }
0x5e: {  	_ =	shalt  }
0x5f: {  	_ =	shalt  }
0x60: {  	_ =	shalt  }
0x61: {  	_ =	shalt  }
0x62: {  	_ =	shalt  }
0x63: {  	_ =	shalt  }
0x64: {  	_ =	shalt  }
0x65: {  	_ =	shalt  }
0x66: {  	_ =	shalt  }
0x67: {  	_ =	shalt  }
0x68: {  	_ =	shalt  }
0x69: {  	_ =	shalt  }
0x6a: {  	_ =	shalt  }
0x6b: {  	_ =	shalt  }
0x6c: {  	_ =	shalt  }
0x6d: {  	_ =	shalt  }
0x6e: {  	_ =	shalt  }
0x6f: {  	_ =	shalt  }
0x70: {  	_ =	shalt  }
0x71: {  	_ =	shalt  }
0x72: {  	_ =	shalt  }
0x73: {  	_ =	shalt  }
0x74: {  	_ =	shalt  }
0x75: {  	_ =	shalt  }
0x76: {  	_ =	shalt  }
0x77: {  	_ =	shalt  }
0x78: {  	_ =	shalt  }
0x79: {  	_ =	shalt  }
0x7a: {  	_ =	shalt  }
0x7b: {  	_ =	shalt  }
0x7c: {  	_ =	shalt  }
0x7d: {  	_ =	shalt  }
0x7e: {  	_ =	shalt  }
0x7f: {  	_ =	shalt  }
0x80: {  	_ =	shalt  }
0x81: {  	_ =	shalt  }
0x82: {  	_ =	shalt  }
0x83: {  	_ =	shalt  }
0x84: {  	_ =	shalt  }
0x85: {  	_ =	shalt  }
0x86: {  	_ =	shalt  }
0x87: {  	_ =	shalt  }
.Lfunc_end0:
.L_simem_size_0:
called_computation.1_lowered:
.L_overlay_start_0:
0x88: {  	s2 =	sld [smem:$0x3FD9]  }
0x89: {  	s3 =	sld [smem:$0x3FFE];
	_ =	sdelay $0x1  }
0x8a: {  	s1 =	srdreg.scid  }
0x8b: {  	s0 =	sand.u32 $0x1, s1  }
0x8c: {  	s17 =	sshll.u32 s0, $0xA;
	s2 =	sadd.s32 s3, s2  }
0x8d: {  	s2 =	sadd.s32 s2, s17  }
0x8e: {  	[smem:$0x3FBE] =	sst s2  }
0x8f: {  	_ = 	snop  }
0x90: {  	s2 =	sld [smem:$0x3FD0];
	(tm) =	ssettm $0x1  }
0x91: {  	s18 =	sld [smem:$0x3FFB];
	_ =	sdelay $0x3  }
0x92: {  	_ =	strace s18  }
0x93: {  	s3 =	sld [smem:$0x3FFC];
	_ =	sdelay $0x3  }
0x94: {  	_ =	strace s3  }
0x95: {  	s3 =	sld [smem:$0x3FFD];
	_ =	sdelay $0x3  }
0x96: {  	_ =	strace s3  }
0x97: {  	_ =	strace $0x8FFFFFFF  }
0x98: {  	s19 =	sld [smem:$0x3FDB];
	_ =	sdelay $0x1  }
0x99: {  	s4 =	simm.s32 $_scs_section_size  }
0x9a: {  	s5 =	simm.s32 $_size__tile_overlayer_lowered;
	s6 =	simm.s32 $_tile_overlayer_lowered  }
0x9b: {  	s22 =	simm.s32 $0x1BFF;
	s21 =	sshll.u32 s6, $0x1;
	s3 =	sadd.s32 s4, s19  }
0x9c: {  	s7 =	simm.s32 $0x0;
	s20 =	sshll.u32 s5, $0x1;
	s5 =	sadd.s32 s21, s3  }
0x9d: {  	[timem:s7], [sflag:s22] =	dma.local [hbm:s5], s20  }
0x9e: {  	_ =	swait.ge [sflag:s22], s20  }
0x9f: {  	s4 =	ssub.s32 $0x0, s20;
	[sflag:s22] =	ssyncset.done $0x0  }
0xa0: {  	[sflag:s22] =	ssyncadd.s32 s4;
	_ =	sdelay $0x1  }
0xa1: {  	s23 =	simm.s32 $0x1B8B  }
0xa2: {  	_ =	swait.ge [sflag:s23], $0x1  }
0xa3: {  	[sflag:s23] =	ssyncset.done $0x0  }
0xa4: {  	s25 =	simm.s32 $0x1B8E;
	s24 =	sld [smem:$0x3FFE];
	[sflag:s23] =	ssyncadd.s32 $0xFFFFFFFF  }
0xa5: {  	s26 =	simm.s32 $execute0_lowered;
	[smem:$0x3FD2] =	sst s25  }
0xa6: {  	s5 =	sshll.u32 s26, $0x1;
	_ =	strace $0x80000049;
	[dreg:$0x1] =	wrdreg $0xFFFFFFFF  }
0xa7: {  	s28 =	simm.s32 $_size_execute0_lowered;
	s3 =	sadd.s32 s3, s5;
	[dreg:$0x0] =	wrdreg $0x0  }
0xa8: {  	s5 =	sshll.u32 s28, $0x1;
	[dreg:$0x2] =	wrdreg s3  }
0xa9: {  	[dreg:$0x3] =	wrdreg s5  }
0xaa: {  	[dreg:$0x4] =	wrdreg $0xC0  }
0xab: {  	_ =	task [dreg:s7], $0x5FFFF  }
0xac: {  	[dreg:$0x1] =	wrdreg $0xFFFFFFFF  }
0xad: {  	[dreg:$0x0] =	wrdreg $0x60  }
0xae: {  	[dreg:$0x2] =	wrdreg s2  }
0xaf: {  	[dreg:$0x3] =	wrdreg s24  }
0xb0: {  	[dreg:$0x4] =	wrdreg $0x130000  }
0xb1: {  	[dreg:$0x5] =	wrdreg $0x9  }
0xb2: {  	_ =	task.clear_ibuf [dreg:s7], $0x6FFFF;
	_ =	strace $0x90000049  }
0xb3: {  	s29 =	simm.s32 $0x9;
	_ =	strace $0x8000004B  }
0xb4: {  	_ =	swait.ge [sflag:s29], $0x1  }
0xb5: {  	[sflag:s29] =	ssyncadd.s32 $0xFFFFFFFF  }
0xb6: {  	_ =	strace $0x9000004B  }
0xb7: {  	_ =	sfence  }
0xb8: {  	s30 =	sld [smem:$0x0];
	_ =	sdelay $0x2  }
0xb9: {  	s31 =	sshll.u32 s1, $0xD;
	s1 =	sshrl.u32 s1, $0x2  }
0xba: {  	s3 =	sand.u32 $0x4000, s31;
	s1 =	sadd.s32 s1, s30  }
0xbb: {  	s0 =	sor.u32 s3, s0;
	s1 =	sshll.u32 s1, $0x11  }
0xbc: {  	s0 =	sor.u32 s1, s0  }
0xbd: {  	s0 =	sadd.s32 $0x8F2B, s0  }
0xbe: {  	[sflag:s0] =	ssyncadd.remote.s32 $0x1  }
0xbf: {  	_ =	sfence.sel $0xFFFF  }
0xc0: {  	[dreg:$0x0] =	wrdreg $0xFFFFFFFF;
	(pc) =	sbr.abs _section_cstart, $3  }
0xc1: {  	[dreg:$0x1] =	wrdreg $0xFFFFFFFF  }
0xc2: {  	_ =	task.clear_ibuf [dreg:s7], $0x2FFFF;
	_ =	strace $0x9FFFFFFF  }
0xc3: {  	(tm) =	ssettm $0x7FFFFFFF  }
tec
execute0_lowered:
.L_overlay_start_1:
0x0: {  	(tag) =	ssettag $0x1  }
0x1: {  	s0 =	rddreg [dreg:$0x0];
	s8 =	stileid.u32  }
0x2: {  	s1 =	srdreg.scid;
	s4 =	rddreg [dreg:$0x1]  }
0x3: {  	s2 =	rddreg [dreg:$0x2];
	s3 =	simm.s32 $0x0;
	s19 =	simm.s32 $0x3  }
0x4: {  	s21 =	simm.s32 $0x12000;
	s22 =	simm.s32 $0x80;
	s23 =	simm.s32 $0xA000  }
0x5: {  	s24 =	simm.s32 $0xC000;
	s28 =	simm.s32 $0xE000;
	s5 =	smul.u32 $0xA00, s8  }
0x6: {  	s30 =	simm.s32 $0x10000;
	s31 =	simm.s32 $0x1;
	s9 =	smul.u32 $0x9E00, s8  }
0x7: {  	s1 =	sand.u32 $0x1, s1;
	[smem:$0x7FF] =	sst s3;
	s8 =	smul.u32 $0x28000, s8  }
0x8: {  	s6 =	smul.u32 $0x9E000, s1;
	_ =	strace $0x8000004A;
	s7 =	ssub.s32 $0x2, s1  }
0x9: {  	s1 =	smul.u32 $0x13880, s1;
	s5 =	sadd.s32 s5, s4;
	s25 =	sshrl.u32 s7, $0x1  }
0xa: {  	s26 =	sshrl.u32 s8, $0x2;
	s29 =	sadd.s32 s9, s2;
	s6 =	sadd.s32 s9, s6  }
0xb: {  	s11 =	ssub.s32 s7, s25;
	s7 =	sadd.s32 s0, s1;
	s25 =	sshrl.u32 s29, $0x3  }
0xc: {  	s1 =	simm.s32 $0x2;
	s0 =	simm.s32 $0x0;
	s6 =	sshrl.u32 s6, $0x3  }
0xd: {  	s9 =	smax.u32 s11, $0x1;
	s10 =	sadd.s32 s6, s4;
	s4 =	sadd.s32 $0xC200, s5  }
0xe: {  	s5 =	sadd.s32 $0x2200, s5;
	s6 =	sadd.s32 s26, s2;
	s8 =	sadd.s32 $0x64400, s10  }
0xf: {  	s10 =	sadd.s32 $0x1000, s6;
	s11 =	sadd.s32 $0x2000, s6;
	s12 =	sadd.s32 $0x3000, s6  }
0x10: {  	s13 =	sadd.s32 $0x4000, s6;
	s14 =	sadd.s32 $0x5000, s6;
	s15 =	sadd.s32 $0x6000, s6  }
0x11: {  	v0 =	vimm.f32 $0.0e+00;
	s16 =	sadd.s32 $0x7000, s6;
	s17 =	sadd.s32 $0x8000, s6;
	s18 =	sadd.s32 $0x9000, s6  }
.LBB2_1:
0x12: {  	[tilespmem:s3], [sflag:$0x3] =	stream.linear.gather [hbm4b:s4+s3], $0x5000, $0x38;
	[tilespmem:$0x1D000] =	vst v63  }
0x13: {  	_ =	swait.ge [sflag:s19], $0x5000  }
0x14: {  	[sflag:s19] =	ssyncset.done $0x0  }
0x15: {  	s20 =	simm.s32 $0x5000;
	[sflag:s19] =	ssyncadd.s32 $0xFFFFB000  }
0x16: {  	[tilespmem:s20], [sflag:$0x3] =	stream.linear.gather [hbm4b:s5+s3], $0x5000, $0x38;
	[tilespmem:$0x1D000] =	vst v63  }
0x17: {  	_ =	swait.ge [sflag:s19], $0x5000  }
0x18: {  	[sflag:s19] =	ssyncset.done $0x0  }
0x19: {  	s26 =	simm.s32 $0x100;
	s20 =	simm.s32 $0x0;
	[sflag:s19] =	ssyncadd.s32 $0xFFFFB000  }
.LBB2_2:
0x1a: {  	p0 =	sne.s32 s26, $0x3F00;
	[tilespmem:s20+$0x12030] =	vst v0;
	s29 =	smov.u32 s26;
	s26 =	sadd.s32 $0x100, s26  }
.Ltmp0:
0x1b: {  	[tilespmem:s20+$0x12020] =	vst v0;
	(pc) =	sbr.rel @p0 .LBB2_2-.Ltmp0, $3  }
0x1c: {  	[tilespmem:s20+$0x12000] =	vst v0  }
0x1d: {  	[tilespmem:s20+$0x12010] =	vst v0;
	_ =	sdelay $0x1  }
0x1e: {  	s20 =	sshra.s32 s29, $0x2  }
0x1f: {  	[tilespmem:s20+$0x12030] =	vst v0  }
0x20: {  	[tilespmem:s20+$0x12020] =	vst v0  }
0x21: {  	[tilespmem:s20+$0x12000] =	vst v0  }
0x22: {  	[tilespmem:s20+$0x12010] =	vst v0  }
0x23: {  	[spmem:s6] =	stream.linear.scatter [tilespmem:s21], [sflag:$0x3], $0x1000, $0x38;
	[tilespmem:$0x1D000] =	vst v63  }
0x24: {  	_ =	swait.ge [sflag:s19], $0x1000  }
0x25: {  	[sflag:s19] =	ssyncset.done $0x0  }
0x26: {  	[sflag:s19] =	ssyncadd.s32 $0xFFFFF000  }
0x27: {  	[spmem:s10] =	stream.linear.scatter [tilespmem:s21], [sflag:$0x3], $0x1000, $0x38;
	[tilespmem:$0x1D000] =	vst v63  }
0x28: {  	_ =	swait.ge [sflag:s19], $0x1000  }
0x29: {  	[sflag:s19] =	ssyncset.done $0x0  }
0x2a: {  	[sflag:s19] =	ssyncadd.s32 $0xFFFFF000  }
0x2b: {  	[spmem:s11] =	stream.linear.scatter [tilespmem:s21], [sflag:$0x3], $0x1000, $0x38;
	[tilespmem:$0x1D000] =	vst v63  }
0x2c: {  	_ =	swait.ge [sflag:s19], $0x1000  }
0x2d: {  	[sflag:s19] =	ssyncset.done $0x0  }
0x2e: {  	[sflag:s19] =	ssyncadd.s32 $0xFFFFF000  }
0x2f: {  	[spmem:s12] =	stream.linear.scatter [tilespmem:s21], [sflag:$0x3], $0x1000, $0x38;
	[tilespmem:$0x1D000] =	vst v63  }
0x30: {  	_ =	swait.ge [sflag:s19], $0x1000  }
0x31: {  	[sflag:s19] =	ssyncset.done $0x0  }
0x32: {  	[sflag:s19] =	ssyncadd.s32 $0xFFFFF000  }
0x33: {  	[spmem:s13] =	stream.linear.scatter [tilespmem:s21], [sflag:$0x3], $0x1000, $0x38;
	[tilespmem:$0x1D000] =	vst v63  }
0x34: {  	_ =	swait.ge [sflag:s19], $0x1000  }
0x35: {  	[sflag:s19] =	ssyncset.done $0x0  }
0x36: {  	[sflag:s19] =	ssyncadd.s32 $0xFFFFF000  }
0x37: {  	[spmem:s14] =	stream.linear.scatter [tilespmem:s21], [sflag:$0x3], $0x1000, $0x38;
	[tilespmem:$0x1D000] =	vst v63  }
0x38: {  	_ =	swait.ge [sflag:s19], $0x1000  }
0x39: {  	[sflag:s19] =	ssyncset.done $0x0  }
0x3a: {  	[sflag:s19] =	ssyncadd.s32 $0xFFFFF000  }
0x3b: {  	[spmem:s15] =	stream.linear.scatter [tilespmem:s21], [sflag:$0x3], $0x1000, $0x38;
	[tilespmem:$0x1D000] =	vst v63  }
0x3c: {  	_ =	swait.ge [sflag:s19], $0x1000  }
0x3d: {  	[sflag:s19] =	ssyncset.done $0x0  }
0x3e: {  	[sflag:s19] =	ssyncadd.s32 $0xFFFFF000  }
0x3f: {  	[spmem:s16] =	stream.linear.scatter [tilespmem:s21], [sflag:$0x3], $0x1000, $0x38;
	[tilespmem:$0x1D000] =	vst v63  }
0x40: {  	_ =	swait.ge [sflag:s19], $0x1000  }
0x41: {  	[sflag:s19] =	ssyncset.done $0x0  }
0x42: {  	[sflag:s19] =	ssyncadd.s32 $0xFFFFF000  }
0x43: {  	[spmem:s17] =	stream.linear.scatter [tilespmem:s21], [sflag:$0x3], $0x1000, $0x38;
	[tilespmem:$0x1D000] =	vst v63  }
0x44: {  	_ =	swait.ge [sflag:s19], $0x1000  }
0x45: {  	[sflag:s19] =	ssyncset.done $0x0  }
0x46: {  	[sflag:s19] =	ssyncadd.s32 $0xFFFFF000  }
0x47: {  	[spmem:s18] =	stream.linear.scatter [tilespmem:s21], [sflag:$0x3], $0x1000, $0x38;
	[tilespmem:$0x1D000] =	vst v63  }
0x48: {  	_ =	swait.ge [sflag:s19], $0x1000  }
0x49: {  	[sflag:s19] =	ssyncset.done $0x0  }
0x4a: {  	[sflag:s19] =	ssyncadd.s32 $0xFFFFF000  }
0x4b: {  	s26 =	simm.s32 $0x0;
	[bflag:$0x0] =	sbarrier.arrive $0xFFFF  }
0x4c: {  	[tilespmem:s23], [sflag:$0x1] =	stream.indirect.gather [hbm4b:s7+s22], $0x40, s26, s22, $0xb8;
	[tilespmem:$0x1D000] =	vst v63  }
0x4d: {  	_ = 	snop  }
0x4e: {  	[tilespmem:s24], [sflag:$0x1] =	stream.indirect.gather [hbm4b:s7+s22], $0x40, s22, s22, $0xb8;
	[tilespmem:$0x1D000] =	vst v63  }
0x4f: {  	s29 =	simm.s32 $0x100  }
0x50: {  	[tilespmem:s28], [sflag:$0x2] =	stream.indirect.gather [hbm4b:s7+s22], $0x40, s29, s22, $0xb8;
	[tilespmem:$0x1D000] =	vst v63  }
0x51: {  	s26 =	simm.s32 $0x180  }
0x52: {  	[tilespmem:s30], [sflag:$0x2] =	stream.indirect.gather [hbm4b:s7+s22], $0x40, s26, s22, $0xb8;
	[tilespmem:$0x1D000] =	vst v63  }
0x53: {  	_ =	swait.ge [sflag:s31], $0x2000  }
0x54: {  	[sflag:s31] =	ssyncset.done $0x0  }
0x55: {  	[sflag:s31] =	ssyncadd.s32 $0xFFFFE000  }
0x56: {  	_ =	swait.ge [sflag:s31], $0x2000  }
0x57: {  	[sflag:s31] =	ssyncset.done $0x0  }
0x58: {  	s29 =	simm.s32 $0x5000;
	[sflag:s31] =	ssyncadd.s32 $0xFFFFE000  }
0x59: {  	[spmem:s2] =	stream.indirect.scatter.add.f32 [tilespmem:s23], [sflag:$0x3], $0x40, s29, s22, $0xb8;
	[tilespmem:$0x1D000] =	vst v63  }
0x5a: {  	_ =	swait.ge [sflag:s19], $0x2000  }
0x5b: {  	[sflag:s19] =	ssyncset.done $0x0  }
0x5c: {  	s26 =	simm.s32 $0x5080;
	[sflag:s19] =	ssyncadd.s32 $0xFFFFE000  }
0x5d: {  	[spmem:s2] =	stream.indirect.scatter.add.f32 [tilespmem:s24], [sflag:$0x3], $0x40, s26, s22, $0xb8;
	[tilespmem:$0x1D000] =	vst v63  }
0x5e: {  	_ =	swait.ge [sflag:s19], $0x2000  }
0x5f: {  	[sflag:s19] =	ssyncset.done $0x0  }
0x60: {  	s29 =	simm.s32 $0x200;
	[sflag:s19] =	ssyncadd.s32 $0xFFFFE000  }
0x61: {  	[tilespmem:s23], [sflag:$0x1] =	stream.indirect.gather [hbm4b:s7+s22], $0x40, s29, s22, $0xb8;
	[tilespmem:$0x1D000] =	vst v63  }
0x62: {  	s26 =	simm.s32 $0x280  }
0x63: {  	[tilespmem:s24], [sflag:$0x1] =	stream.indirect.gather [hbm4b:s7+s22], $0x40, s26, s22, $0xb8;
	[tilespmem:$0x1D000] =	vst v63  }
0x64: {  	_ =	swait.ge [sflag:s1], $0x2000  }
0x65: {  	[sflag:s1] =	ssyncset.done $0x0  }
0x66: {  	[sflag:s1] =	ssyncadd.s32 $0xFFFFE000  }
0x67: {  	_ =	swait.ge [sflag:s1], $0x2000  }
0x68: {  	[sflag:s1] =	ssyncset.done $0x0  }
0x69: {  	s29 =	simm.s32 $0x5100;
	[sflag:s1] =	ssyncadd.s32 $0xFFFFE000  }
0x6a: {  	[spmem:s2] =	stream.indirect.scatter.add.f32 [tilespmem:s28], [sflag:$0x3], $0x40, s29, s22, $0xb8;
	[tilespmem:$0x1D000] =	vst v63  }
0x6b: {  	_ =	swait.ge [sflag:s19], $0x2000  }
0x6c: {  	[sflag:s19] =	ssyncset.done $0x0  }
0x6d: {  	s26 =	simm.s32 $0x5180;
	[sflag:s19] =	ssyncadd.s32 $0xFFFFE000  }
0x6e: {  	[spmem:s2] =	stream.indirect.scatter.add.f32 [tilespmem:s30], [sflag:$0x3], $0x40, s26, s22, $0xb8;
	[tilespmem:$0x1D000] =	vst v63  }
0x6f: {  	_ =	swait.ge [sflag:s19], $0x2000  }
0x70: {  	s20 =	simm.s32 $0x800;
	[sflag:s19] =	ssyncset.done $0x0  }
0x71: {  	s29 =	simm.s32 $0x300;
	s26 =	simm.s32 $0x380;
	[sflag:s19] =	ssyncadd.s32 $0xFFFFE000  }
0x72: {  	[tilespmem:s28], [sflag:$0x2] =	stream.indirect.gather [hbm4b:s7+s22], $0x40, s29, s22, $0xb8;
	[tilespmem:$0x1D000] =	vst v63  }
.LBB2_4:
0x73: {  	[tilespmem:s30], [sflag:$0x2] =	stream.indirect.gather [hbm4b:s7+s22], $0x40, s26, s22, $0xb8;
	[tilespmem:$0x1D000] =	vst v63  }
0x74: {  	s26 =	smov.u32 s20  }
0x75: {  	p0 =	sne.s32 s20, $0x13000;
	s20 =	sadd.s32 $0x800, s20;
	_ =	swait.ge [sflag:s31], $0x2000  }
0x76: {  	[sflag:s31] =	ssyncset.done $0x0  }
0x77: {  	[sflag:s31] =	ssyncadd.s32 $0xFFFFE000  }
0x78: {  	_ =	swait.ge [sflag:s31], $0x2000  }
0x79: {  	s26 =	sshra.s32 s26, $0x2;
	[sflag:s31] =	ssyncset.done $0x0  }
0x7a: {  	s29 =	sadd.s32 $0x5000, s26;
	[sflag:s31] =	ssyncadd.s32 $0xFFFFE000  }
0x7b: {  	[spmem:s2] =	stream.indirect.scatter.add.f32 [tilespmem:s23], [sflag:$0x3], $0x40, s29, s22, $0xb8;
	[tilespmem:$0x1D000] =	vst v63  }
0x7c: {  	_ =	swait.ge [sflag:s19], $0x2000  }
0x7d: {  	[sflag:s19] =	ssyncset.done $0x0  }
0x7e: {  	s29 =	sadd.s32 $0x5080, s26;
	[sflag:s19] =	ssyncadd.s32 $0xFFFFE000  }
0x7f: {  	[spmem:s2] =	stream.indirect.scatter.add.f32 [tilespmem:s24], [sflag:$0x3], $0x40, s29, s22, $0xb8;
	[tilespmem:$0x1D000] =	vst v63  }
0x80: {  	_ =	swait.ge [sflag:s19], $0x2000  }
0x81: {  	[sflag:s19] =	ssyncset.done $0x0  }
0x82: {  	s29 =	sadd.s32 $0x200, s26;
	[sflag:s19] =	ssyncadd.s32 $0xFFFFE000  }
0x83: {  	[tilespmem:s23], [sflag:$0x1] =	stream.indirect.gather [hbm4b:s7+s22], $0x40, s29, s22, $0xb8;
	[tilespmem:$0x1D000] =	vst v63  }
0x84: {  	s29 =	sadd.s32 $0x280, s26  }
0x85: {  	[tilespmem:s24], [sflag:$0x1] =	stream.indirect.gather [hbm4b:s7+s22], $0x40, s29, s22, $0xb8;
	[tilespmem:$0x1D000] =	vst v63  }
0x86: {  	_ =	swait.ge [sflag:s1], $0x2000  }
0x87: {  	[sflag:s1] =	ssyncset.done $0x0  }
0x88: {  	[sflag:s1] =	ssyncadd.s32 $0xFFFFE000  }
0x89: {  	_ =	swait.ge [sflag:s1], $0x2000  }
0x8a: {  	[sflag:s1] =	ssyncset.done $0x0  }
0x8b: {  	s29 =	sadd.s32 $0x5100, s26;
	[sflag:s1] =	ssyncadd.s32 $0xFFFFE000  }
0x8c: {  	[spmem:s2] =	stream.indirect.scatter.add.f32 [tilespmem:s28], [sflag:$0x3], $0x40, s29, s22, $0xb8;
	[tilespmem:$0x1D000] =	vst v63  }
0x8d: {  	_ =	swait.ge [sflag:s19], $0x2000  }
0x8e: {  	[sflag:s19] =	ssyncset.done $0x0  }
0x8f: {  	s29 =	sadd.s32 $0x5180, s26;
	[sflag:s19] =	ssyncadd.s32 $0xFFFFE000  }
0x90: {  	[spmem:s2] =	stream.indirect.scatter.add.f32 [tilespmem:s30], [sflag:$0x3], $0x40, s29, s22, $0xb8;
	[tilespmem:$0x1D000] =	vst v63  }
.Ltmp1:
0x91: {  	_ =	swait.ge [sflag:s19], $0x2000;
	(pc) =	sbr.rel @p0 .LBB2_4-.Ltmp1, $4  }
0x92: {  	[sflag:s19] =	ssyncset.done $0x0  }
0x93: {  	s29 =	sadd.s32 $0x300, s26;
	[sflag:s19] =	ssyncadd.s32 $0xFFFFE000  }
0x94: {  	[tilespmem:s28], [sflag:$0x2] =	stream.indirect.gather [hbm4b:s7+s22], $0x40, s29, s22, $0xb8;
	[tilespmem:$0x1D000] =	vst v63  }
0x95: {  	s26 =	sadd.s32 $0x380, s26  }
0x96: {  	[tilespmem:s30], [sflag:$0x2] =	stream.indirect.gather [hbm4b:s7+s22], $0x40, s26, s22, $0xb8;
	[tilespmem:$0x1D000] =	vst v63  }
0x97: {  	_ =	swait.ge [sflag:s31], $0x2000  }
0x98: {  	[sflag:s31] =	ssyncset.done $0x0  }
0x99: {  	[sflag:s31] =	ssyncadd.s32 $0xFFFFE000  }
0x9a: {  	_ =	swait.ge [sflag:s31], $0x2000  }
0x9b: {  	[sflag:s31] =	ssyncset.done $0x0  }
0x9c: {  	s20 =	simm.s32 $0x9E00;
	[sflag:s31] =	ssyncadd.s32 $0xFFFFE000  }
0x9d: {  	[spmem:s2] =	stream.indirect.scatter.add.f32 [tilespmem:s23], [sflag:$0x3], $0x40, s20, s22, $0xb8;
	[tilespmem:$0x1D000] =	vst v63  }
0x9e: {  	_ =	swait.ge [sflag:s19], $0x2000  }
0x9f: {  	[sflag:s19] =	ssyncset.done $0x0  }
0xa0: {  	s26 =	simm.s32 $0x9E80;
	[sflag:s19] =	ssyncadd.s32 $0xFFFFE000  }
0xa1: {  	[spmem:s2] =	stream.indirect.scatter.add.f32 [tilespmem:s24], [sflag:$0x3], $0x40, s26, s22, $0xb8;
	[tilespmem:$0x1D000] =	vst v63  }
0xa2: {  	_ =	swait.ge [sflag:s19], $0x2000  }
0xa3: {  	[sflag:s19] =	ssyncset.done $0x0  }
0xa4: {  	[sflag:s19] =	ssyncadd.s32 $0xFFFFE000  }
0xa5: {  	_ =	swait.ge [sflag:s1], $0x2000  }
0xa6: {  	[sflag:s1] =	ssyncset.done $0x0  }
0xa7: {  	[sflag:s1] =	ssyncadd.s32 $0xFFFFE000  }
0xa8: {  	_ =	swait.ge [sflag:s1], $0x2000  }
0xa9: {  	[sflag:s1] =	ssyncset.done $0x0  }
0xaa: {  	s29 =	simm.s32 $0x9F00;
	[sflag:s1] =	ssyncadd.s32 $0xFFFFE000  }
0xab: {  	[spmem:s2] =	stream.indirect.scatter.add.f32 [tilespmem:s28], [sflag:$0x3], $0x40, s29, s22, $0xb8;
	[tilespmem:$0x1D000] =	vst v63  }
0xac: {  	_ =	swait.ge [sflag:s19], $0x2000  }
0xad: {  	[sflag:s19] =	ssyncset.done $0x0  }
0xae: {  	s26 =	simm.s32 $0x9F80;
	[sflag:s19] =	ssyncadd.s32 $0xFFFFE000  }
0xaf: {  	[spmem:s2] =	stream.indirect.scatter.add.f32 [tilespmem:s30], [sflag:$0x3], $0x40, s26, s22, $0xb8;
	[tilespmem:$0x1D000] =	vst v63  }
0xb0: {  	_ =	swait.ge [sflag:s19], $0x2000  }
0xb1: {  	s0 =	sadd.s32 $0x1, s0;
	s29 =	stileid.u32;
	[sflag:s19] =	ssyncset.done $0x0  }
0xb2: {  	p0 =	sne.s32 s0, s9;
	s20 =	sshll.u32 s29, $0x6;
	[sflag:s19] =	ssyncadd.s32 $0xFFFFE000  }
.Ltmp2:
0xb3: {  	s20 =	sor.u32 $0x1C03, s20;
	[bflag:$0x0] =	sbarrier.arrive $0xFFFF;
	(pc) =	sbr.rel @p0 .LBB2_1-.Ltmp2, $4  }
0xb4: {  	[hbm:s8], [sflag:s20] =	dma.local [spmem:s25], $0x13C0  }
0xb5: {  	_ =	swait.ge [sflag:s19], $0x13C0  }
0xb6: {  	[sflag:s19] =	ssyncset.done $0x0  }
0xb7: {  	[sflag:s19] =	ssyncadd.s32 $0xFFFFEC40  }
0xb8: {  	_ =	sfence.sel $0x180000  }
0xb9: {  	[bflag:$0x0] =	sbarrier.arrive $0xFFFF  }
0xba: {  	_ =	strace $0x9000004A  }
0xbb: {  	s0 =	stileid.u32;
	[bflag:$0x2] =	sbarrier.arrive $0xFFFF  }
0xbc: {  	p0 =	sne.s32 s0, $0x0;
	s0 =	rddreg [dreg:$0x3]  }
0xbd: {  	s0 =	sadd.s32 @!p0 $0x100000, s0  }
0xbe: {  	[sflag:s0] =	ssyncadd.tile.s32 @!p0 $0x1;
	_ =	shalt  }
.Lfunc_end2:
_tile_overlayer_lowered:
.L_overlay_start_2:
0xbf: {  	(tag) =	ssettag $0x2  }
0xc0: {  	s0 =	rddreg [dreg:$0x0];
	s2 =	stileid.u32  }
0xc1: {  	s1 =	rddreg [dreg:$0x1];
	p0 =	sne.s32 s2, $0x0  }
0xc2: {  	s3 =	rddreg [dreg:$0x2];
	[bflag:$0x3] =	sbarrier.arrive $0xFFFF;
	s2 =	simm.s32 @!p0 $0x1C03  }
0xc3: {  	[timem:s3], [sflag:s2] =	dma.local @!p0 [hbm:s0], s1  }
0xc4: {  	s0 =	simm.s32 @!p0 $0x3  }
0xc5: {  	_ =	swait.ge @!p0 [sflag:s0], s1  }
0xc6: {  	s1 =	ssub.s32 @!p0 $0x0, s1;
	[sflag:s0] =	ssyncset.done @!p0 $0x0  }
0xc7: {  	[sflag:s0] =	ssyncadd.s32 @!p0 s1  }
0xc8: {  	[bflag:$0x3] =	sbarrier.arrive $0xFFFF  }
0xc9: {  	_ =	shalt  }

// kernel: kernel.14.cloned.1.call-start
scs
__scs_entry_jumppad:
0x0: {  	(pc) =	sbr.rel $0x88, $3  }
0x1: {  	(tag) =	ssettag $0x0;
	lr =	simm.s32 $0x1  }
0x2: {  	[smem:$0x3F97] =	sst lr;
	_ =	strace $0xD0000000  }
0x3: {  	_ = 	snop  }
0x4: {  	_ = 	snop  }
0x5: {  	_ = 	snop  }
0x6: {  	_ = 	snop  }
0x7: {  	_ = 	snop  }
__scs_overlays_trampoline_lowered:
0x8: {  	[smem:$0x3FA6] =	sst s0  }
0x9: {  	[smem:$0x3FA7] =	sst s1  }
0xa: {  	[smem:$0x3FA8] =	sst s2  }
0xb: {  	[smem:$0x3FA9] =	sst s3  }
0xc: {  	[smem:$0x3FAA] =	sst s4  }
0xd: {  	[smem:$0x3FAB] =	sst s5  }
0xe: {  	[smem:$0x3FAC] =	sst s6  }
0xf: {  	[smem:$0x3FAD] =	sst s7  }
0x10: {  	[smem:$0x3FAE] =	sst s8  }
0x11: {  	[smem:$0x3FAF] =	sst s9;
	s0 =	simm.s32 @!p0 $0x0  }
0x12: {  	s1 =	sld [smem:$0x3F95];
	s0 =	simm.s32 @p0 $0x1  }
0x13: {  	[smem:$0x3FB0] =	sst s0;
	s0 =	simm.s32 @!p1 $0x0  }
0x14: {  	s2 =	sld [smem:$0x3F94];
	s0 =	simm.s32 @p1 $0x1  }
0x15: {  	[smem:$0x3FB1] =	sst s0;
	s0 =	simm.s32 @!p2 $0x0  }
0x16: {  	s3 =	sld [smem:$0x3FDB];
	s0 =	simm.s32 @p2 $0x1  }
0x17: {  	s4 =	simm.s32 $0x1BF5;
	[smem:$0x3FB3] =	sst s0  }
0x18: {  	s0 =	sld [smem:$0x3F96];
	_ =	swait.ge [sflag:s4], $0x0  }
0x19: {  	s7 =	sld [smem:$0x3F97]  }
0x1a: {  	s8 =	sadd.s32 $0xFFFFE003, lr  }
0x1b: {  	s9 =	sadd.s32 $0xFFFFFEF7, lr;
	s5 =	simm.s32 $0xFFFFFFFF;
	p2 =	slt.u32 s8, $0xFFFFF086  }
0x1c: {  	p1 =	slt.u32 s9, $0xF7A;
	s5 =	simm.s32 @!p2 $0x0  }
0x1d: {  	s5 =	simm.s32 @p1 $0x1;
	p0 =	seq.s32 s7, s2  }
0x1e: {  	s7 =	smul.u32 @!p0 $0xF7A, s2;
	p2 =	seq.s32 @!p0 s5, $0x0  }
0x1f: {  	s9 =	smul.u32 $0xF7A, s1;
	s8 =	simm.s32 @!p0 $0x1BF5;
	p2 =	por !p2, p0  }
0x20: {  	[sflag:s8] =	ssyncset.s32 @!p0 $0xFFFFF086;
	s6 =	sadd.s32 @!p0 s3, s7;
	s7 =	simm.s32 @!p0 $0x108  }
0x21: {  	s3 =	sadd.s32 s3, s9;
	s6 =	sadd.s32 @!p0 $0x88, s6;
	s7 =	simm.s32 @p2 $0x1082  }
0x22: {  	[simem:s7], [sflag:s8] =	dma.local @!p0 [hbm:s6], $0xF7A  }
0x23: {  	s9 =	sor.u32 $0xD0000000, s2;
	s6 =	simm.s32 $0x108;
	_ =	swait.ge @!p0 [sflag:s8], $0x0  }
0x24: {  	s3 =	sadd.s32 $0x88, s3;
	s6 =	simm.s32 @!p1 $0x1082;
	[sflag:s4] =	ssyncset.s32 $0xFFFFF086  }
0x25: {  	[simem:s6], [sflag:s4] =	dma.local [hbm:s3], $0xF7A  }
0x26: {  	[smem:$0x3F97] =	sst s1;
	(tag) =	ssettag s2;
	_ =	strace s9  }
0x27: {  	s1 =	sld [smem:$0x3FA7]  }
0x28: {  	s2 =	sld [smem:$0x3FA8]  }
0x29: {  	s4 =	sld [smem:$0x3FAA]  }
0x2a: {  	p0 =	seq.s32 s5, $0x0;
	s5 =	sld [smem:$0x3FAB]  }
0x2b: {  	s6 =	sld [smem:$0x3FAC]  }
0x2c: {  	s7 =	sld [smem:$0x3FAD]  }
0x2d: {  	s3 =	simm.s32 $0x108;
	s8 =	sld [smem:$0x3FAE]  }
0x2e: {  	s3 =	simm.s32 @!p0 $0x1082;
	s9 =	sld [smem:$0x3FAF]  }
0x2f: {  	lr =	sadd.s32 s0, s3;
	s0 =	sld [smem:$0x3FA6]  }
0x30: {  	s3 =	sld [smem:$0x3FA9]  }
0x31: {  	[smem:$0x3FB2] =	sst s10  }
0x32: {  	s10 =	sld [smem:$0x3FB0];
	_ =	sdelay $0x3  }
0x33: {  	p0 =	seq.s32 s10, $0x1;
	s10 =	sld [smem:$0x3FB2];
	_ =	sdelay $0x3  }
0x34: {  	[smem:$0x3FB2] =	sst s10  }
0x35: {  	s10 =	sld [smem:$0x3FB1];
	_ =	sdelay $0x3  }
0x36: {  	p1 =	seq.s32 s10, $0x1;
	s10 =	sld [smem:$0x3FB2];
	_ =	sdelay $0x3  }
0x37: {  	[smem:$0x3FB2] =	sst s10  }
0x38: {  	s10 =	sld [smem:$0x3FB3]  }
0x39: {  	_ = 	snop;
	(pc) =	sbr.ind lr, $3  }
0x3a: {  	_ = 	snop  }
0x3b: {  	_ = 	snop  }
0x3c: {  	p2 =	seq.s32 s10, $0x1;
	s10 =	sld [smem:$0x3FB2]  }
0x3d: {  	_ =	shalt  }
0x3e: {  	_ =	shalt  }
0x3f: {  	_ =	shalt  }
0x40: {  	_ =	shalt  }
0x41: {  	_ =	shalt  }
0x42: {  	_ =	shalt  }
0x43: {  	_ =	shalt  }
0x44: {  	_ =	shalt  }
0x45: {  	_ =	shalt  }
0x46: {  	_ =	shalt  }
0x47: {  	_ =	shalt  }
0x48: {  	_ =	shalt  }
0x49: {  	_ =	shalt  }
0x4a: {  	_ =	shalt  }
0x4b: {  	_ =	shalt  }
0x4c: {  	_ =	shalt  }
0x4d: {  	_ =	shalt  }
0x4e: {  	_ =	shalt  }
0x4f: {  	_ =	shalt  }
0x50: {  	_ =	shalt  }
0x51: {  	_ =	shalt  }
0x52: {  	_ =	shalt  }
0x53: {  	_ =	shalt  }
0x54: {  	_ =	shalt  }
0x55: {  	_ =	shalt  }
0x56: {  	_ =	shalt  }
0x57: {  	_ =	shalt  }
0x58: {  	_ =	shalt  }
0x59: {  	_ =	shalt  }
0x5a: {  	_ =	shalt  }
0x5b: {  	_ =	shalt  }
0x5c: {  	_ =	shalt  }
0x5d: {  	_ =	shalt  }
0x5e: {  	_ =	shalt  }
0x5f: {  	_ =	shalt  }
0x60: {  	_ =	shalt  }
0x61: {  	_ =	shalt  }
0x62: {  	_ =	shalt  }
0x63: {  	_ =	shalt  }
0x64: {  	_ =	shalt  }
0x65: {  	_ =	shalt  }
0x66: {  	_ =	shalt  }
0x67: {  	_ =	shalt  }
0x68: {  	_ =	shalt  }
0x69: {  	_ =	shalt  }
0x6a: {  	_ =	shalt  }
0x6b: {  	_ =	shalt  }
0x6c: {  	_ =	shalt  }
0x6d: {  	_ =	shalt  }
0x6e: {  	_ =	shalt  }
0x6f: {  	_ =	shalt  }
0x70: {  	_ =	shalt  }
0x71: {  	_ =	shalt  }
0x72: {  	_ =	shalt  }
0x73: {  	_ =	shalt  }
0x74: {  	_ =	shalt  }
0x75: {  	_ =	shalt  }
0x76: {  	_ =	shalt  }
0x77: {  	_ =	shalt  }
0x78: {  	_ =	shalt  }
0x79: {  	_ =	shalt  }
0x7a: {  	_ =	shalt  }
0x7b: {  	_ =	shalt  }
0x7c: {  	_ =	shalt  }
0x7d: {  	_ =	shalt  }
0x7e: {  	_ =	shalt  }
0x7f: {  	_ =	shalt  }
0x80: {  	_ =	shalt  }
0x81: {  	_ =	shalt  }
0x82: {  	_ =	shalt  }
0x83: {  	_ =	shalt  }
0x84: {  	_ =	shalt  }
0x85: {  	_ =	shalt  }
0x86: {  	_ =	shalt  }
0x87: {  	_ =	shalt  }
.Lfunc_end0:
.L_simem_size_0:
called_computation.2_lowered:
.L_overlay_start_0:
0x88: {  	s2 =	sld [smem:$0x3FD9]  }
0x89: {  	s3 =	sld [smem:$0x3FFE];
	_ =	sdelay $0x1  }
0x8a: {  	s1 =	srdreg.scid  }
0x8b: {  	s0 =	sand.u32 $0x1, s1  }
0x8c: {  	s17 =	sshll.u32 s0, $0xA;
	s2 =	sadd.s32 s3, s2  }
0x8d: {  	s2 =	sadd.s32 s2, s17  }
0x8e: {  	[smem:$0x3FBE] =	sst s2  }
0x8f: {  	_ = 	snop  }
0x90: {  	s2 =	sld [smem:$0x3FD0];
	(tm) =	ssettm $0x1  }
0x91: {  	s18 =	sld [smem:$0x3FFB];
	_ =	sdelay $0x3  }
0x92: {  	_ =	strace s18  }
0x93: {  	s3 =	sld [smem:$0x3FFC];
	_ =	sdelay $0x3  }
0x94: {  	_ =	strace s3  }
0x95: {  	s3 =	sld [smem:$0x3FFD];
	_ =	sdelay $0x3  }
0x96: {  	_ =	strace s3  }
0x97: {  	_ =	strace $0x8FFFFFFF  }
0x98: {  	s19 =	sld [smem:$0x3FDB];
	_ =	sdelay $0x1  }
0x99: {  	s4 =	simm.s32 $_scs_section_size  }
0x9a: {  	s5 =	simm.s32 $_size__tile_overlayer_lowered;
	s6 =	simm.s32 $_tile_overlayer_lowered  }
0x9b: {  	s22 =	simm.s32 $0x1BFF;
	s21 =	sshll.u32 s6, $0x1;
	s3 =	sadd.s32 s4, s19  }
0x9c: {  	s7 =	simm.s32 $0x0;
	s20 =	sshll.u32 s5, $0x1;
	s5 =	sadd.s32 s21, s3  }
0x9d: {  	[timem:s7], [sflag:s22] =	dma.local [hbm:s5], s20  }
0x9e: {  	_ =	swait.ge [sflag:s22], s20  }
0x9f: {  	s4 =	ssub.s32 $0x0, s20;
	[sflag:s22] =	ssyncset.done $0x0  }
0xa0: {  	[sflag:s22] =	ssyncadd.s32 s4;
	_ =	sdelay $0x1  }
0xa1: {  	s23 =	simm.s32 $0x1B8B  }
0xa2: {  	_ =	swait.ge [sflag:s23], $0x1  }
0xa3: {  	[sflag:s23] =	ssyncset.done $0x0  }
0xa4: {  	s25 =	simm.s32 $0x1B8E;
	s24 =	sld [smem:$0x3FFE];
	[sflag:s23] =	ssyncadd.s32 $0xFFFFFFFF  }
0xa5: {  	s26 =	simm.s32 $execute0_lowered;
	[smem:$0x3FD2] =	sst s25  }
0xa6: {  	s5 =	sshll.u32 s26, $0x1;
	_ =	strace $0x8000004C;
	[dreg:$0x1] =	wrdreg $0xFFFFFFFF  }
0xa7: {  	s28 =	simm.s32 $_size_execute0_lowered;
	s3 =	sadd.s32 s3, s5;
	[dreg:$0x0] =	wrdreg $0x0  }
0xa8: {  	s5 =	sshll.u32 s28, $0x1;
	[dreg:$0x2] =	wrdreg s3  }
0xa9: {  	[dreg:$0x3] =	wrdreg s5  }
0xaa: {  	[dreg:$0x4] =	wrdreg $0xC0  }
0xab: {  	_ =	task [dreg:s7], $0x5FFFF  }
0xac: {  	[dreg:$0x1] =	wrdreg $0xFFFFFFFF  }
0xad: {  	[dreg:$0x0] =	wrdreg $0x60  }
0xae: {  	[dreg:$0x2] =	wrdreg s2  }
0xaf: {  	[dreg:$0x3] =	wrdreg s24  }
0xb0: {  	[dreg:$0x4] =	wrdreg $0x130000  }
0xb1: {  	[dreg:$0x5] =	wrdreg $0x9  }
0xb2: {  	_ =	task.clear_ibuf [dreg:s7], $0x6FFFF;
	_ =	strace $0x9000004C  }
0xb3: {  	s29 =	simm.s32 $0x9;
	_ =	strace $0x8000004E  }
0xb4: {  	_ =	swait.ge [sflag:s29], $0x1  }
0xb5: {  	[sflag:s29] =	ssyncadd.s32 $0xFFFFFFFF  }
0xb6: {  	_ =	strace $0x9000004E  }
0xb7: {  	_ =	sfence  }
0xb8: {  	s30 =	sld [smem:$0x0];
	_ =	sdelay $0x2  }
0xb9: {  	s31 =	sshll.u32 s1, $0xD;
	s1 =	sshrl.u32 s1, $0x2  }
0xba: {  	s3 =	sand.u32 $0x4000, s31;
	s1 =	sadd.s32 s1, s30  }
0xbb: {  	s0 =	sor.u32 s3, s0;
	s1 =	sshll.u32 s1, $0x11  }
0xbc: {  	s0 =	sor.u32 s1, s0  }
0xbd: {  	s0 =	sadd.s32 $0x8F2B, s0  }
0xbe: {  	[sflag:s0] =	ssyncadd.remote.s32 $0x1  }
0xbf: {  	_ =	sfence.sel $0xFFFF  }
0xc0: {  	[dreg:$0x0] =	wrdreg $0xFFFFFFFF;
	(pc) =	sbr.abs _section_cstart, $3  }
0xc1: {  	[dreg:$0x1] =	wrdreg $0xFFFFFFFF  }
0xc2: {  	_ =	task.clear_ibuf [dreg:s7], $0x2FFFF;
	_ =	strace $0x9FFFFFFF  }
0xc3: {  	(tm) =	ssettm $0x7FFFFFFF  }
tec
execute0_lowered:
.L_overlay_start_1:
0x0: {  	(tag) =	ssettag $0x1  }
0x1: {  	s0 =	rddreg [dreg:$0x0];
	s8 =	stileid.u32  }
0x2: {  	s1 =	srdreg.scid;
	s4 =	rddreg [dreg:$0x1]  }
0x3: {  	s2 =	rddreg [dreg:$0x2];
	s3 =	simm.s32 $0x0;
	s19 =	simm.s32 $0x3  }
0x4: {  	s21 =	simm.s32 $0x12000;
	s22 =	simm.s32 $0x80;
	s23 =	simm.s32 $0xA000  }
0x5: {  	s24 =	simm.s32 $0xC000;
	s28 =	simm.s32 $0xE000;
	s5 =	smul.u32 $0xA00, s8  }
0x6: {  	s30 =	simm.s32 $0x10000;
	s31 =	simm.s32 $0x1;
	s9 =	smul.u32 $0x9E00, s8  }
0x7: {  	s1 =	sand.u32 $0x1, s1;
	[smem:$0x7FF] =	sst s3;
	s8 =	smul.u32 $0x28000, s8  }
0x8: {  	s6 =	smul.u32 $0x9E000, s1;
	_ =	strace $0x8000004D;
	s7 =	ssub.s32 $0x2, s1  }
0x9: {  	s1 =	smul.u32 $0x13880, s1;
	s5 =	sadd.s32 s5, s4;
	s25 =	sshrl.u32 s7, $0x1  }
0xa: {  	s26 =	sshrl.u32 s8, $0x2;
	s29 =	sadd.s32 s9, s2;
	s6 =	sadd.s32 s9, s6  }
0xb: {  	s11 =	ssub.s32 s7, s25;
	s7 =	sadd.s32 s0, s1;
	s25 =	sshrl.u32 s29, $0x3  }
0xc: {  	s1 =	simm.s32 $0x2;
	s0 =	simm.s32 $0x0;
	s6 =	sshrl.u32 s6, $0x3  }
0xd: {  	s9 =	smax.u32 s11, $0x1;
	s10 =	sadd.s32 s6, s4;
	s4 =	sadd.s32 $0xC200, s5  }
0xe: {  	s5 =	sadd.s32 $0x2200, s5;
	s6 =	sadd.s32 s26, s2;
	s8 =	sadd.s32 $0x16200, s10  }
0xf: {  	s10 =	sadd.s32 $0x1000, s6;
	s11 =	sadd.s32 $0x2000, s6;
	s12 =	sadd.s32 $0x3000, s6  }
0x10: {  	s13 =	sadd.s32 $0x4000, s6;
	s14 =	sadd.s32 $0x5000, s6;
	s15 =	sadd.s32 $0x6000, s6  }
0x11: {  	v0 =	vimm.f32 $0.0e+00;
	s16 =	sadd.s32 $0x7000, s6;
	s17 =	sadd.s32 $0x8000, s6;
	s18 =	sadd.s32 $0x9000, s6  }
.LBB2_1:
0x12: {  	[tilespmem:s3], [sflag:$0x3] =	stream.linear.gather [hbm4b:s4+s3], $0x5000, $0x38;
	[tilespmem:$0x1D000] =	vst v63  }
0x13: {  	_ =	swait.ge [sflag:s19], $0x5000  }
0x14: {  	[sflag:s19] =	ssyncset.done $0x0  }
0x15: {  	s20 =	simm.s32 $0x5000;
	[sflag:s19] =	ssyncadd.s32 $0xFFFFB000  }
0x16: {  	[tilespmem:s20], [sflag:$0x3] =	stream.linear.gather [hbm4b:s5+s3], $0x5000, $0x38;
	[tilespmem:$0x1D000] =	vst v63  }
0x17: {  	_ =	swait.ge [sflag:s19], $0x5000  }
0x18: {  	[sflag:s19] =	ssyncset.done $0x0  }
0x19: {  	s26 =	simm.s32 $0x100;
	s20 =	simm.s32 $0x0;
	[sflag:s19] =	ssyncadd.s32 $0xFFFFB000  }
.LBB2_2:
0x1a: {  	p0 =	sne.s32 s26, $0x3F00;
	[tilespmem:s20+$0x12030] =	vst v0;
	s29 =	smov.u32 s26;
	s26 =	sadd.s32 $0x100, s26  }
.Ltmp0:
0x1b: {  	[tilespmem:s20+$0x12020] =	vst v0;
	(pc) =	sbr.rel @p0 .LBB2_2-.Ltmp0, $3  }
0x1c: {  	[tilespmem:s20+$0x12000] =	vst v0  }
0x1d: {  	[tilespmem:s20+$0x12010] =	vst v0;
	_ =	sdelay $0x1  }
0x1e: {  	s20 =	sshra.s32 s29, $0x2  }
0x1f: {  	[tilespmem:s20+$0x12030] =	vst v0  }
0x20: {  	[tilespmem:s20+$0x12020] =	vst v0  }
0x21: {  	[tilespmem:s20+$0x12000] =	vst v0  }
0x22: {  	[tilespmem:s20+$0x12010] =	vst v0  }
0x23: {  	[spmem:s6] =	stream.linear.scatter [tilespmem:s21], [sflag:$0x3], $0x1000, $0x38;
	[tilespmem:$0x1D000] =	vst v63  }
0x24: {  	_ =	swait.ge [sflag:s19], $0x1000  }
0x25: {  	[sflag:s19] =	ssyncset.done $0x0  }
0x26: {  	[sflag:s19] =	ssyncadd.s32 $0xFFFFF000  }
0x27: {  	[spmem:s10] =	stream.linear.scatter [tilespmem:s21], [sflag:$0x3], $0x1000, $0x38;
	[tilespmem:$0x1D000] =	vst v63  }
0x28: {  	_ =	swait.ge [sflag:s19], $0x1000  }
0x29: {  	[sflag:s19] =	ssyncset.done $0x0  }
0x2a: {  	[sflag:s19] =	ssyncadd.s32 $0xFFFFF000  }
0x2b: {  	[spmem:s11] =	stream.linear.scatter [tilespmem:s21], [sflag:$0x3], $0x1000, $0x38;
	[tilespmem:$0x1D000] =	vst v63  }
0x2c: {  	_ =	swait.ge [sflag:s19], $0x1000  }
0x2d: {  	[sflag:s19] =	ssyncset.done $0x0  }
0x2e: {  	[sflag:s19] =	ssyncadd.s32 $0xFFFFF000  }
0x2f: {  	[spmem:s12] =	stream.linear.scatter [tilespmem:s21], [sflag:$0x3], $0x1000, $0x38;
	[tilespmem:$0x1D000] =	vst v63  }
0x30: {  	_ =	swait.ge [sflag:s19], $0x1000  }
0x31: {  	[sflag:s19] =	ssyncset.done $0x0  }
0x32: {  	[sflag:s19] =	ssyncadd.s32 $0xFFFFF000  }
0x33: {  	[spmem:s13] =	stream.linear.scatter [tilespmem:s21], [sflag:$0x3], $0x1000, $0x38;
	[tilespmem:$0x1D000] =	vst v63  }
0x34: {  	_ =	swait.ge [sflag:s19], $0x1000  }
0x35: {  	[sflag:s19] =	ssyncset.done $0x0  }
0x36: {  	[sflag:s19] =	ssyncadd.s32 $0xFFFFF000  }
0x37: {  	[spmem:s14] =	stream.linear.scatter [tilespmem:s21], [sflag:$0x3], $0x1000, $0x38;
	[tilespmem:$0x1D000] =	vst v63  }
0x38: {  	_ =	swait.ge [sflag:s19], $0x1000  }
0x39: {  	[sflag:s19] =	ssyncset.done $0x0  }
0x3a: {  	[sflag:s19] =	ssyncadd.s32 $0xFFFFF000  }
0x3b: {  	[spmem:s15] =	stream.linear.scatter [tilespmem:s21], [sflag:$0x3], $0x1000, $0x38;
	[tilespmem:$0x1D000] =	vst v63  }
0x3c: {  	_ =	swait.ge [sflag:s19], $0x1000  }
0x3d: {  	[sflag:s19] =	ssyncset.done $0x0  }
0x3e: {  	[sflag:s19] =	ssyncadd.s32 $0xFFFFF000  }
0x3f: {  	[spmem:s16] =	stream.linear.scatter [tilespmem:s21], [sflag:$0x3], $0x1000, $0x38;
	[tilespmem:$0x1D000] =	vst v63  }
0x40: {  	_ =	swait.ge [sflag:s19], $0x1000  }
0x41: {  	[sflag:s19] =	ssyncset.done $0x0  }
0x42: {  	[sflag:s19] =	ssyncadd.s32 $0xFFFFF000  }
0x43: {  	[spmem:s17] =	stream.linear.scatter [tilespmem:s21], [sflag:$0x3], $0x1000, $0x38;
	[tilespmem:$0x1D000] =	vst v63  }
0x44: {  	_ =	swait.ge [sflag:s19], $0x1000  }
0x45: {  	[sflag:s19] =	ssyncset.done $0x0  }
0x46: {  	[sflag:s19] =	ssyncadd.s32 $0xFFFFF000  }
0x47: {  	[spmem:s18] =	stream.linear.scatter [tilespmem:s21], [sflag:$0x3], $0x1000, $0x38;
	[tilespmem:$0x1D000] =	vst v63  }
0x48: {  	_ =	swait.ge [sflag:s19], $0x1000  }
0x49: {  	[sflag:s19] =	ssyncset.done $0x0  }
0x4a: {  	[sflag:s19] =	ssyncadd.s32 $0xFFFFF000  }
0x4b: {  	s26 =	simm.s32 $0x0;
	[bflag:$0x0] =	sbarrier.arrive $0xFFFF  }
0x4c: {  	[tilespmem:s23], [sflag:$0x1] =	stream.indirect.gather [hbm4b:s7+s22], $0x40, s26, s22, $0xb8;
	[tilespmem:$0x1D000] =	vst v63  }
0x4d: {  	_ = 	snop  }
0x4e: {  	[tilespmem:s24], [sflag:$0x1] =	stream.indirect.gather [hbm4b:s7+s22], $0x40, s22, s22, $0xb8;
	[tilespmem:$0x1D000] =	vst v63  }
0x4f: {  	s29 =	simm.s32 $0x100  }
0x50: {  	[tilespmem:s28], [sflag:$0x2] =	stream.indirect.gather [hbm4b:s7+s22], $0x40, s29, s22, $0xb8;
	[tilespmem:$0x1D000] =	vst v63  }
0x51: {  	s26 =	simm.s32 $0x180  }
0x52: {  	[tilespmem:s30], [sflag:$0x2] =	stream.indirect.gather [hbm4b:s7+s22], $0x40, s26, s22, $0xb8;
	[tilespmem:$0x1D000] =	vst v63  }
0x53: {  	_ =	swait.ge [sflag:s31], $0x2000  }
0x54: {  	[sflag:s31] =	ssyncset.done $0x0  }
0x55: {  	[sflag:s31] =	ssyncadd.s32 $0xFFFFE000  }
0x56: {  	_ =	swait.ge [sflag:s31], $0x2000  }
0x57: {  	[sflag:s31] =	ssyncset.done $0x0  }
0x58: {  	s29 =	simm.s32 $0x5000;
	[sflag:s31] =	ssyncadd.s32 $0xFFFFE000  }
0x59: {  	[spmem:s2] =	stream.indirect.scatter.add.f32 [tilespmem:s23], [sflag:$0x3], $0x40, s29, s22, $0xb8;
	[tilespmem:$0x1D000] =	vst v63  }
0x5a: {  	_ =	swait.ge [sflag:s19], $0x2000  }
0x5b: {  	[sflag:s19] =	ssyncset.done $0x0  }
0x5c: {  	s26 =	simm.s32 $0x5080;
	[sflag:s19] =	ssyncadd.s32 $0xFFFFE000  }
0x5d: {  	[spmem:s2] =	stream.indirect.scatter.add.f32 [tilespmem:s24], [sflag:$0x3], $0x40, s26, s22, $0xb8;
	[tilespmem:$0x1D000] =	vst v63  }
0x5e: {  	_ =	swait.ge [sflag:s19], $0x2000  }
0x5f: {  	[sflag:s19] =	ssyncset.done $0x0  }
0x60: {  	s29 =	simm.s32 $0x200;
	[sflag:s19] =	ssyncadd.s32 $0xFFFFE000  }
0x61: {  	[tilespmem:s23], [sflag:$0x1] =	stream.indirect.gather [hbm4b:s7+s22], $0x40, s29, s22, $0xb8;
	[tilespmem:$0x1D000] =	vst v63  }
0x62: {  	s26 =	simm.s32 $0x280  }
0x63: {  	[tilespmem:s24], [sflag:$0x1] =	stream.indirect.gather [hbm4b:s7+s22], $0x40, s26, s22, $0xb8;
	[tilespmem:$0x1D000] =	vst v63  }
0x64: {  	_ =	swait.ge [sflag:s1], $0x2000  }
0x65: {  	[sflag:s1] =	ssyncset.done $0x0  }
0x66: {  	[sflag:s1] =	ssyncadd.s32 $0xFFFFE000  }
0x67: {  	_ =	swait.ge [sflag:s1], $0x2000  }
0x68: {  	[sflag:s1] =	ssyncset.done $0x0  }
0x69: {  	s29 =	simm.s32 $0x5100;
	[sflag:s1] =	ssyncadd.s32 $0xFFFFE000  }
0x6a: {  	[spmem:s2] =	stream.indirect.scatter.add.f32 [tilespmem:s28], [sflag:$0x3], $0x40, s29, s22, $0xb8;
	[tilespmem:$0x1D000] =	vst v63  }
0x6b: {  	_ =	swait.ge [sflag:s19], $0x2000  }
0x6c: {  	[sflag:s19] =	ssyncset.done $0x0  }
0x6d: {  	s26 =	simm.s32 $0x5180;
	[sflag:s19] =	ssyncadd.s32 $0xFFFFE000  }
0x6e: {  	[spmem:s2] =	stream.indirect.scatter.add.f32 [tilespmem:s30], [sflag:$0x3], $0x40, s26, s22, $0xb8;
	[tilespmem:$0x1D000] =	vst v63  }
0x6f: {  	_ =	swait.ge [sflag:s19], $0x2000  }
0x70: {  	s20 =	simm.s32 $0x800;
	[sflag:s19] =	ssyncset.done $0x0  }
0x71: {  	s29 =	simm.s32 $0x300;
	s26 =	simm.s32 $0x380;
	[sflag:s19] =	ssyncadd.s32 $0xFFFFE000  }
0x72: {  	[tilespmem:s28], [sflag:$0x2] =	stream.indirect.gather [hbm4b:s7+s22], $0x40, s29, s22, $0xb8;
	[tilespmem:$0x1D000] =	vst v63  }
.LBB2_4:
0x73: {  	[tilespmem:s30], [sflag:$0x2] =	stream.indirect.gather [hbm4b:s7+s22], $0x40, s26, s22, $0xb8;
	[tilespmem:$0x1D000] =	vst v63  }
0x74: {  	s26 =	smov.u32 s20  }
0x75: {  	p0 =	sne.s32 s20, $0x13000;
	s20 =	sadd.s32 $0x800, s20;
	_ =	swait.ge [sflag:s31], $0x2000  }
0x76: {  	[sflag:s31] =	ssyncset.done $0x0  }
0x77: {  	[sflag:s31] =	ssyncadd.s32 $0xFFFFE000  }
0x78: {  	_ =	swait.ge [sflag:s31], $0x2000  }
0x79: {  	s26 =	sshra.s32 s26, $0x2;
	[sflag:s31] =	ssyncset.done $0x0  }
0x7a: {  	s29 =	sadd.s32 $0x5000, s26;
	[sflag:s31] =	ssyncadd.s32 $0xFFFFE000  }
0x7b: {  	[spmem:s2] =	stream.indirect.scatter.add.f32 [tilespmem:s23], [sflag:$0x3], $0x40, s29, s22, $0xb8;
	[tilespmem:$0x1D000] =	vst v63  }
0x7c: {  	_ =	swait.ge [sflag:s19], $0x2000  }
0x7d: {  	[sflag:s19] =	ssyncset.done $0x0  }
0x7e: {  	s29 =	sadd.s32 $0x5080, s26;
	[sflag:s19] =	ssyncadd.s32 $0xFFFFE000  }
0x7f: {  	[spmem:s2] =	stream.indirect.scatter.add.f32 [tilespmem:s24], [sflag:$0x3], $0x40, s29, s22, $0xb8;
	[tilespmem:$0x1D000] =	vst v63  }
0x80: {  	_ =	swait.ge [sflag:s19], $0x2000  }
0x81: {  	[sflag:s19] =	ssyncset.done $0x0  }
0x82: {  	s29 =	sadd.s32 $0x200, s26;
	[sflag:s19] =	ssyncadd.s32 $0xFFFFE000  }
0x83: {  	[tilespmem:s23], [sflag:$0x1] =	stream.indirect.gather [hbm4b:s7+s22], $0x40, s29, s22, $0xb8;
	[tilespmem:$0x1D000] =	vst v63  }
0x84: {  	s29 =	sadd.s32 $0x280, s26  }
0x85: {  	[tilespmem:s24], [sflag:$0x1] =	stream.indirect.gather [hbm4b:s7+s22], $0x40, s29, s22, $0xb8;
	[tilespmem:$0x1D000] =	vst v63  }
0x86: {  	_ =	swait.ge [sflag:s1], $0x2000  }
0x87: {  	[sflag:s1] =	ssyncset.done $0x0  }
0x88: {  	[sflag:s1] =	ssyncadd.s32 $0xFFFFE000  }
0x89: {  	_ =	swait.ge [sflag:s1], $0x2000  }
0x8a: {  	[sflag:s1] =	ssyncset.done $0x0  }
0x8b: {  	s29 =	sadd.s32 $0x5100, s26;
	[sflag:s1] =	ssyncadd.s32 $0xFFFFE000  }
0x8c: {  	[spmem:s2] =	stream.indirect.scatter.add.f32 [tilespmem:s28], [sflag:$0x3], $0x40, s29, s22, $0xb8;
	[tilespmem:$0x1D000] =	vst v63  }
0x8d: {  	_ =	swait.ge [sflag:s19], $0x2000  }
0x8e: {  	[sflag:s19] =	ssyncset.done $0x0  }
0x8f: {  	s29 =	sadd.s32 $0x5180, s26;
	[sflag:s19] =	ssyncadd.s32 $0xFFFFE000  }
0x90: {  	[spmem:s2] =	stream.indirect.scatter.add.f32 [tilespmem:s30], [sflag:$0x3], $0x40, s29, s22, $0xb8;
	[tilespmem:$0x1D000] =	vst v63  }
.Ltmp1:
0x91: {  	_ =	swait.ge [sflag:s19], $0x2000;
	(pc) =	sbr.rel @p0 .LBB2_4-.Ltmp1, $4  }
0x92: {  	[sflag:s19] =	ssyncset.done $0x0  }
0x93: {  	s29 =	sadd.s32 $0x300, s26;
	[sflag:s19] =	ssyncadd.s32 $0xFFFFE000  }
0x94: {  	[tilespmem:s28], [sflag:$0x2] =	stream.indirect.gather [hbm4b:s7+s22], $0x40, s29, s22, $0xb8;
	[tilespmem:$0x1D000] =	vst v63  }
0x95: {  	s26 =	sadd.s32 $0x380, s26  }
0x96: {  	[tilespmem:s30], [sflag:$0x2] =	stream.indirect.gather [hbm4b:s7+s22], $0x40, s26, s22, $0xb8;
	[tilespmem:$0x1D000] =	vst v63  }
0x97: {  	_ =	swait.ge [sflag:s31], $0x2000  }
0x98: {  	[sflag:s31] =	ssyncset.done $0x0  }
0x99: {  	[sflag:s31] =	ssyncadd.s32 $0xFFFFE000  }
0x9a: {  	_ =	swait.ge [sflag:s31], $0x2000  }
0x9b: {  	[sflag:s31] =	ssyncset.done $0x0  }
0x9c: {  	s20 =	simm.s32 $0x9E00;
	[sflag:s31] =	ssyncadd.s32 $0xFFFFE000  }
0x9d: {  	[spmem:s2] =	stream.indirect.scatter.add.f32 [tilespmem:s23], [sflag:$0x3], $0x40, s20, s22, $0xb8;
	[tilespmem:$0x1D000] =	vst v63  }
0x9e: {  	_ =	swait.ge [sflag:s19], $0x2000  }
0x9f: {  	[sflag:s19] =	ssyncset.done $0x0  }
0xa0: {  	s26 =	simm.s32 $0x9E80;
	[sflag:s19] =	ssyncadd.s32 $0xFFFFE000  }
0xa1: {  	[spmem:s2] =	stream.indirect.scatter.add.f32 [tilespmem:s24], [sflag:$0x3], $0x40, s26, s22, $0xb8;
	[tilespmem:$0x1D000] =	vst v63  }
0xa2: {  	_ =	swait.ge [sflag:s19], $0x2000  }
0xa3: {  	[sflag:s19] =	ssyncset.done $0x0  }
0xa4: {  	[sflag:s19] =	ssyncadd.s32 $0xFFFFE000  }
0xa5: {  	_ =	swait.ge [sflag:s1], $0x2000  }
0xa6: {  	[sflag:s1] =	ssyncset.done $0x0  }
0xa7: {  	[sflag:s1] =	ssyncadd.s32 $0xFFFFE000  }
0xa8: {  	_ =	swait.ge [sflag:s1], $0x2000  }
0xa9: {  	[sflag:s1] =	ssyncset.done $0x0  }
0xaa: {  	s29 =	simm.s32 $0x9F00;
	[sflag:s1] =	ssyncadd.s32 $0xFFFFE000  }
0xab: {  	[spmem:s2] =	stream.indirect.scatter.add.f32 [tilespmem:s28], [sflag:$0x3], $0x40, s29, s22, $0xb8;
	[tilespmem:$0x1D000] =	vst v63  }
0xac: {  	_ =	swait.ge [sflag:s19], $0x2000  }
0xad: {  	[sflag:s19] =	ssyncset.done $0x0  }
0xae: {  	s26 =	simm.s32 $0x9F80;
	[sflag:s19] =	ssyncadd.s32 $0xFFFFE000  }
0xaf: {  	[spmem:s2] =	stream.indirect.scatter.add.f32 [tilespmem:s30], [sflag:$0x3], $0x40, s26, s22, $0xb8;
	[tilespmem:$0x1D000] =	vst v63  }
0xb0: {  	_ =	swait.ge [sflag:s19], $0x2000  }
0xb1: {  	s0 =	sadd.s32 $0x1, s0;
	s29 =	stileid.u32;
	[sflag:s19] =	ssyncset.done $0x0  }
0xb2: {  	p0 =	sne.s32 s0, s9;
	s20 =	sshll.u32 s29, $0x6;
	[sflag:s19] =	ssyncadd.s32 $0xFFFFE000  }
.Ltmp2:
0xb3: {  	s20 =	sor.u32 $0x1C03, s20;
	[bflag:$0x0] =	sbarrier.arrive $0xFFFF;
	(pc) =	sbr.rel @p0 .LBB2_1-.Ltmp2, $4  }
0xb4: {  	[hbm:s8], [sflag:s20] =	dma.local [spmem:s25], $0x13C0  }
0xb5: {  	_ =	swait.ge [sflag:s19], $0x13C0  }
0xb6: {  	[sflag:s19] =	ssyncset.done $0x0  }
0xb7: {  	[sflag:s19] =	ssyncadd.s32 $0xFFFFEC40  }
0xb8: {  	_ =	sfence.sel $0x180000  }
0xb9: {  	[bflag:$0x0] =	sbarrier.arrive $0xFFFF  }
0xba: {  	_ =	strace $0x9000004D  }
0xbb: {  	s0 =	stileid.u32;
	[bflag:$0x2] =	sbarrier.arrive $0xFFFF  }
0xbc: {  	p0 =	sne.s32 s0, $0x0;
	s0 =	rddreg [dreg:$0x3]  }
0xbd: {  	s0 =	sadd.s32 @!p0 $0x100000, s0  }
0xbe: {  	[sflag:s0] =	ssyncadd.tile.s32 @!p0 $0x1;
	_ =	shalt  }
.Lfunc_end2:
_tile_overlayer_lowered:
.L_overlay_start_2:
0xbf: {  	(tag) =	ssettag $0x2  }
0xc0: {  	s0 =	rddreg [dreg:$0x0];
	s2 =	stileid.u32  }
0xc1: {  	s1 =	rddreg [dreg:$0x1];
	p0 =	sne.s32 s2, $0x0  }
0xc2: {  	s3 =	rddreg [dreg:$0x2];
	[bflag:$0x3] =	sbarrier.arrive $0xFFFF;
	s2 =	simm.s32 @!p0 $0x1C03  }
0xc3: {  	[timem:s3], [sflag:s2] =	dma.local @!p0 [hbm:s0], s1  }
0xc4: {  	s0 =	simm.s32 @!p0 $0x3  }
0xc5: {  	_ =	swait.ge @!p0 [sflag:s0], s1  }
0xc6: {  	s1 =	ssub.s32 @!p0 $0x0, s1;
	[sflag:s0] =	ssyncset.done @!p0 $0x0  }
0xc7: {  	[sflag:s0] =	ssyncadd.s32 @!p0 s1  }
0xc8: {  	[bflag:$0x3] =	sbarrier.arrive $0xFFFF  }
0xc9: {  	_ =	shalt  }

// kernel: kernel.8.cloned.1.call-start
scs
__scs_entry_jumppad:
0x0: {  	(pc) =	sbr.rel $0x88, $3  }
0x1: {  	(tag) =	ssettag $0x0;
	lr =	simm.s32 $0x1  }
0x2: {  	[smem:$0x3F97] =	sst lr;
	_ =	strace $0xD0000000  }
0x3: {  	_ = 	snop  }
0x4: {  	_ = 	snop  }
0x5: {  	_ = 	snop  }
0x6: {  	_ = 	snop  }
0x7: {  	_ = 	snop  }
__scs_overlays_trampoline_lowered:
0x8: {  	[smem:$0x3FA6] =	sst s0  }
0x9: {  	[smem:$0x3FA7] =	sst s1  }
0xa: {  	[smem:$0x3FA8] =	sst s2  }
0xb: {  	[smem:$0x3FA9] =	sst s3  }
0xc: {  	[smem:$0x3FAA] =	sst s4  }
0xd: {  	[smem:$0x3FAB] =	sst s5  }
0xe: {  	[smem:$0x3FAC] =	sst s6  }
0xf: {  	[smem:$0x3FAD] =	sst s7  }
0x10: {  	[smem:$0x3FAE] =	sst s8  }
0x11: {  	[smem:$0x3FAF] =	sst s9;
	s0 =	simm.s32 @!p0 $0x0  }
0x12: {  	s1 =	sld [smem:$0x3F95];
	s0 =	simm.s32 @p0 $0x1  }
0x13: {  	[smem:$0x3FB0] =	sst s0;
	s0 =	simm.s32 @!p1 $0x0  }
0x14: {  	s2 =	sld [smem:$0x3F94];
	s0 =	simm.s32 @p1 $0x1  }
0x15: {  	[smem:$0x3FB1] =	sst s0;
	s0 =	simm.s32 @!p2 $0x0  }
0x16: {  	s3 =	sld [smem:$0x3FDB];
	s0 =	simm.s32 @p2 $0x1  }
0x17: {  	s4 =	simm.s32 $0x1BF5;
	[smem:$0x3FB3] =	sst s0  }
0x18: {  	s0 =	sld [smem:$0x3F96];
	_ =	swait.ge [sflag:s4], $0x0  }
0x19: {  	s7 =	sld [smem:$0x3F97]  }
0x1a: {  	s8 =	sadd.s32 $0xFFFFE003, lr  }
0x1b: {  	s9 =	sadd.s32 $0xFFFFFEF7, lr;
	s5 =	simm.s32 $0xFFFFFFFF;
	p2 =	slt.u32 s8, $0xFFFFF086  }
0x1c: {  	p1 =	slt.u32 s9, $0xF7A;
	s5 =	simm.s32 @!p2 $0x0  }
0x1d: {  	s5 =	simm.s32 @p1 $0x1;
	p0 =	seq.s32 s7, s2  }
0x1e: {  	s7 =	smul.u32 @!p0 $0xF7A, s2;
	p2 =	seq.s32 @!p0 s5, $0x0  }
0x1f: {  	s9 =	smul.u32 $0xF7A, s1;
	s8 =	simm.s32 @!p0 $0x1BF5;
	p2 =	por !p2, p0  }
0x20: {  	[sflag:s8] =	ssyncset.s32 @!p0 $0xFFFFF086;
	s6 =	sadd.s32 @!p0 s3, s7;
	s7 =	simm.s32 @!p0 $0x108  }
0x21: {  	s3 =	sadd.s32 s3, s9;
	s6 =	sadd.s32 @!p0 $0x88, s6;
	s7 =	simm.s32 @p2 $0x1082  }
0x22: {  	[simem:s7], [sflag:s8] =	dma.local @!p0 [hbm:s6], $0xF7A  }
0x23: {  	s9 =	sor.u32 $0xD0000000, s2;
	s6 =	simm.s32 $0x108;
	_ =	swait.ge @!p0 [sflag:s8], $0x0  }
0x24: {  	s3 =	sadd.s32 $0x88, s3;
	s6 =	simm.s32 @!p1 $0x1082;
	[sflag:s4] =	ssyncset.s32 $0xFFFFF086  }
0x25: {  	[simem:s6], [sflag:s4] =	dma.local [hbm:s3], $0xF7A  }
0x26: {  	[smem:$0x3F97] =	sst s1;
	(tag) =	ssettag s2;
	_ =	strace s9  }
0x27: {  	s1 =	sld [smem:$0x3FA7]  }
0x28: {  	s2 =	sld [smem:$0x3FA8]  }
0x29: {  	s4 =	sld [smem:$0x3FAA]  }
0x2a: {  	p0 =	seq.s32 s5, $0x0;
	s5 =	sld [smem:$0x3FAB]  }
0x2b: {  	s6 =	sld [smem:$0x3FAC]  }
0x2c: {  	s7 =	sld [smem:$0x3FAD]  }
0x2d: {  	s3 =	simm.s32 $0x108;
	s8 =	sld [smem:$0x3FAE]  }
0x2e: {  	s3 =	simm.s32 @!p0 $0x1082;
	s9 =	sld [smem:$0x3FAF]  }
0x2f: {  	lr =	sadd.s32 s0, s3;
	s0 =	sld [smem:$0x3FA6]  }
0x30: {  	s3 =	sld [smem:$0x3FA9]  }
0x31: {  	[smem:$0x3FB2] =	sst s10  }
0x32: {  	s10 =	sld [smem:$0x3FB0];
	_ =	sdelay $0x3  }
0x33: {  	p0 =	seq.s32 s10, $0x1;
	s10 =	sld [smem:$0x3FB2];
	_ =	sdelay $0x3  }
0x34: {  	[smem:$0x3FB2] =	sst s10  }
0x35: {  	s10 =	sld [smem:$0x3FB1];
	_ =	sdelay $0x3  }
0x36: {  	p1 =	seq.s32 s10, $0x1;
	s10 =	sld [smem:$0x3FB2];
	_ =	sdelay $0x3  }
0x37: {  	[smem:$0x3FB2] =	sst s10  }
0x38: {  	s10 =	sld [smem:$0x3FB3]  }
0x39: {  	_ = 	snop;
	(pc) =	sbr.ind lr, $3  }
0x3a: {  	_ = 	snop  }
0x3b: {  	_ = 	snop  }
0x3c: {  	p2 =	seq.s32 s10, $0x1;
	s10 =	sld [smem:$0x3FB2]  }
0x3d: {  	_ =	shalt  }
0x3e: {  	_ =	shalt  }
0x3f: {  	_ =	shalt  }
0x40: {  	_ =	shalt  }
0x41: {  	_ =	shalt  }
0x42: {  	_ =	shalt  }
0x43: {  	_ =	shalt  }
0x44: {  	_ =	shalt  }
0x45: {  	_ =	shalt  }
0x46: {  	_ =	shalt  }
0x47: {  	_ =	shalt  }
0x48: {  	_ =	shalt  }
0x49: {  	_ =	shalt  }
0x4a: {  	_ =	shalt  }
0x4b: {  	_ =	shalt  }
0x4c: {  	_ =	shalt  }
0x4d: {  	_ =	shalt  }
0x4e: {  	_ =	shalt  }
0x4f: {  	_ =	shalt  }
0x50: {  	_ =	shalt  }
0x51: {  	_ =	shalt  }
0x52: {  	_ =	shalt  }
0x53: {  	_ =	shalt  }
0x54: {  	_ =	shalt  }
0x55: {  	_ =	shalt  }
0x56: {  	_ =	shalt  }
0x57: {  	_ =	shalt  }
0x58: {  	_ =	shalt  }
0x59: {  	_ =	shalt  }
0x5a: {  	_ =	shalt  }
0x5b: {  	_ =	shalt  }
0x5c: {  	_ =	shalt  }
0x5d: {  	_ =	shalt  }
0x5e: {  	_ =	shalt  }
0x5f: {  	_ =	shalt  }
0x60: {  	_ =	shalt  }
0x61: {  	_ =	shalt  }
0x62: {  	_ =	shalt  }
0x63: {  	_ =	shalt  }
0x64: {  	_ =	shalt  }
0x65: {  	_ =	shalt  }
0x66: {  	_ =	shalt  }
0x67: {  	_ =	shalt  }
0x68: {  	_ =	shalt  }
0x69: {  	_ =	shalt  }
0x6a: {  	_ =	shalt  }
0x6b: {  	_ =	shalt  }
0x6c: {  	_ =	shalt  }
0x6d: {  	_ =	shalt  }
0x6e: {  	_ =	shalt  }
0x6f: {  	_ =	shalt  }
0x70: {  	_ =	shalt  }
0x71: {  	_ =	shalt  }
0x72: {  	_ =	shalt  }
0x73: {  	_ =	shalt  }
0x74: {  	_ =	shalt  }
0x75: {  	_ =	shalt  }
0x76: {  	_ =	shalt  }
0x77: {  	_ =	shalt  }
0x78: {  	_ =	shalt  }
0x79: {  	_ =	shalt  }
0x7a: {  	_ =	shalt  }
0x7b: {  	_ =	shalt  }
0x7c: {  	_ =	shalt  }
0x7d: {  	_ =	shalt  }
0x7e: {  	_ =	shalt  }
0x7f: {  	_ =	shalt  }
0x80: {  	_ =	shalt  }
0x81: {  	_ =	shalt  }
0x82: {  	_ =	shalt  }
0x83: {  	_ =	shalt  }
0x84: {  	_ =	shalt  }
0x85: {  	_ =	shalt  }
0x86: {  	_ =	shalt  }
0x87: {  	_ =	shalt  }
.Lfunc_end0:
.L_simem_size_0:
called_computation_lowered:
.L_overlay_start_0:
0x88: {  	s2 =	sld [smem:$0x3FD9]  }
0x89: {  	s3 =	sld [smem:$0x3FFE];
	_ =	sdelay $0x1  }
0x8a: {  	s1 =	srdreg.scid  }
0x8b: {  	s0 =	sand.u32 $0x1, s1  }
0x8c: {  	s17 =	sshll.u32 s0, $0xA;
	s2 =	sadd.s32 s3, s2  }
0x8d: {  	s2 =	sadd.s32 s2, s17  }
0x8e: {  	[smem:$0x3FBE] =	sst s2  }
0x8f: {  	_ = 	snop  }
0x90: {  	s2 =	sld [smem:$0x3FD0];
	(tm) =	ssettm $0x1  }
0x91: {  	s18 =	sld [smem:$0x3FFB];
	_ =	sdelay $0x3  }
0x92: {  	_ =	strace s18  }
0x93: {  	s3 =	sld [smem:$0x3FFC];
	_ =	sdelay $0x3  }
0x94: {  	_ =	strace s3  }
0x95: {  	s3 =	sld [smem:$0x3FFD];
	_ =	sdelay $0x3  }
0x96: {  	_ =	strace s3  }
0x97: {  	_ =	strace $0x8FFFFFFF  }
0x98: {  	s19 =	sld [smem:$0x3FDB];
	_ =	sdelay $0x1  }
0x99: {  	s4 =	simm.s32 $_scs_section_size  }
0x9a: {  	s5 =	simm.s32 $_size__tile_overlayer_lowered;
	s6 =	simm.s32 $_tile_overlayer_lowered  }
0x9b: {  	s22 =	simm.s32 $0x1BFF;
	s21 =	sshll.u32 s6, $0x1;
	s3 =	sadd.s32 s4, s19  }
0x9c: {  	s7 =	simm.s32 $0x0;
	s20 =	sshll.u32 s5, $0x1;
	s5 =	sadd.s32 s21, s3  }
0x9d: {  	[timem:s7], [sflag:s22] =	dma.local [hbm:s5], s20  }
0x9e: {  	_ =	swait.ge [sflag:s22], s20  }
0x9f: {  	s4 =	ssub.s32 $0x0, s20;
	[sflag:s22] =	ssyncset.done $0x0  }
0xa0: {  	[sflag:s22] =	ssyncadd.s32 s4;
	_ =	sdelay $0x1  }
0xa1: {  	s23 =	simm.s32 $0x1B8B  }
0xa2: {  	_ =	swait.ge [sflag:s23], $0x1  }
0xa3: {  	[sflag:s23] =	ssyncset.done $0x0  }
0xa4: {  	s25 =	simm.s32 $0x1B8E;
	s24 =	sld [smem:$0x3FFE];
	[sflag:s23] =	ssyncadd.s32 $0xFFFFFFFF  }
0xa5: {  	s26 =	simm.s32 $execute0_lowered;
	[smem:$0x3FD2] =	sst s25  }
0xa6: {  	s5 =	sshll.u32 s26, $0x1;
	_ =	strace $0x80000046;
	[dreg:$0x1] =	wrdreg $0xFFFFFFFF  }
0xa7: {  	s28 =	simm.s32 $_size_execute0_lowered;
	s3 =	sadd.s32 s3, s5;
	[dreg:$0x0] =	wrdreg $0x0  }
0xa8: {  	s5 =	sshll.u32 s28, $0x1;
	[dreg:$0x2] =	wrdreg s3  }
0xa9: {  	[dreg:$0x3] =	wrdreg s5  }
0xaa: {  	[dreg:$0x4] =	wrdreg $0xC0  }
0xab: {  	_ =	task [dreg:s7], $0x5FFFF  }
0xac: {  	[dreg:$0x1] =	wrdreg $0xFFFFFFFF  }
0xad: {  	[dreg:$0x0] =	wrdreg $0x60  }
0xae: {  	[dreg:$0x2] =	wrdreg s24  }
0xaf: {  	[dreg:$0x3] =	wrdreg s2  }
0xb0: {  	[dreg:$0x4] =	wrdreg $0x38000  }
0xb1: {  	[dreg:$0x5] =	wrdreg $0x9  }
0xb2: {  	_ =	task.clear_ibuf [dreg:s7], $0x6FFFF;
	_ =	strace $0x90000046  }
0xb3: {  	s29 =	simm.s32 $0x9;
	_ =	strace $0x80000048  }
0xb4: {  	_ =	swait.ge [sflag:s29], $0x1  }
0xb5: {  	[sflag:s29] =	ssyncadd.s32 $0xFFFFFFFF  }
0xb6: {  	_ =	strace $0x90000048  }
0xb7: {  	_ =	sfence  }
0xb8: {  	s30 =	sld [smem:$0x0];
	_ =	sdelay $0x2  }
0xb9: {  	s31 =	sshll.u32 s1, $0xD;
	s1 =	sshrl.u32 s1, $0x2  }
0xba: {  	s3 =	sand.u32 $0x4000, s31;
	s1 =	sadd.s32 s1, s30  }
0xbb: {  	s0 =	sor.u32 s3, s0;
	s1 =	sshll.u32 s1, $0x11  }
0xbc: {  	s0 =	sor.u32 s1, s0  }
0xbd: {  	s0 =	sadd.s32 $0x8F2B, s0  }
0xbe: {  	[sflag:s0] =	ssyncadd.remote.s32 $0x1  }
0xbf: {  	_ =	sfence.sel $0xFFFF  }
0xc0: {  	[dreg:$0x0] =	wrdreg $0xFFFFFFFF;
	(pc) =	sbr.abs _section_cstart, $3  }
0xc1: {  	[dreg:$0x1] =	wrdreg $0xFFFFFFFF  }
0xc2: {  	_ =	task.clear_ibuf [dreg:s7], $0x2FFFF;
	_ =	strace $0x9FFFFFFF  }
0xc3: {  	(tm) =	ssettm $0x7FFFFFFF  }
tec
execute0_lowered:
.L_overlay_start_1:
0x0: {  	(tag) =	ssettag $0x1  }
0x1: {  	s4 =	rddreg [dreg:$0x0]  }
0x2: {  	s1 =	srdreg.scid;
	s6 =	rddreg [dreg:$0x1]  }
0x3: {  	s0 =	stileid.u32;
	s2 =	rddreg [dreg:$0x2]  }
0x4: {  	s3 =	simm.s32 $0x0;
	s12 =	simm.s32 $0x1;
	s7 =	smul.u32 $0x5000, s0  }
0x5: {  	s13 =	simm.s32 $0x3000;
	s14 =	simm.s32 $0x80;
	s9 =	smul.u32 $0xA000, s0  }
0x6: {  	s15 =	simm.s32 $0x2800;
	s5 =	sand.u32 $0x1, s1;
	s10 =	smul.u32 $0x2780, s0  }
0x7: {  	s18 =	simm.s32 $0x0;
	s1 =	rddreg [dreg:$0x3];
	s8 =	smul.u32 $0x2800, s5  }
0x8: {  	[smem:$0x7FF] =	sst s3;
	s16 =	sshll.u32 s0, $0x6;
	s29 =	smul.u32 $0x27800, s5  }
0x9: {  	s5 =	ssub.s32 $0x2, s5;
	_ =	strace $0x80000047;
	s16 =	sor.u32 $0x1C01, s16  }
0xa: {  	s30 =	sshrl.u32 s5, $0x1;
	s31 =	sshrl.u32 s9, $0x2;
	s7 =	sadd.s32 s8, s7  }
0xb: {  	s17 =	sadd.s32 s10, s2;
	s8 =	sadd.s32 s10, s29;
	s7 =	sshrl.u32 s7, $0x3  }
0xc: {  	s17 =	sshrl.u32 s17, $0x3;
	s8 =	sshrl.u32 s8, $0x3;
	s4 =	sadd.s32 s7, s4  }
0xd: {  	s7 =	ssub.s32 s5, s30;
	s5 =	sadd.s32 s31, s2;
	s6 =	sadd.s32 s6, s8  }
0xe: {  	s4 =	sadd.s32 $0x2200, s4;
	s7 =	smax.u32 s7, $0x1;
	s8 =	sadd.s32 $0x800, s5  }
0xf: {  	v0 =	vimm.f32 $1.000000000e+00;
	v1 =	vimm.f32 $0.0e+00;
	s9 =	sadd.s32 $0x1000, s5;
	s10 =	sadd.s32 $0x1800, s5;
	s11 =	sadd.s32 $0x2000, s5  }
.LBB2_1:
0x10: {  	[tilespmem:s3], [sflag:$0x1] =	stream.linear.gather [hbm4b:s4+s3], $0x2800, $0x38;
	[tilespmem:$0x6000] =	vst v63  }
0x11: {  	_ =	swait.ge [sflag:s12], $0x2800  }
0x12: {  	[sflag:s12] =	ssyncset.done $0x0  }
0x13: {  	s19 =	simm.s32 $0x40;
	s20 =	simm.s32 $0x0;
	[sflag:s12] =	ssyncadd.s32 $0xFFFFD800  }
.LBB2_2:
0x14: {  	p0 =	sne.s32 s19, $0x1FC0;
	[tilespmem:s20+$0x2800] =	vst v0;
	s21 =	smov.u32 s19;
	s19 =	sadd.s32 $0x40, s19  }
.Ltmp0:
0x15: {  	[tilespmem:s20+$0x3000] =	vst v1;
	(pc) =	sbr.rel @p0 .LBB2_2-.Ltmp0, $2  }
0x16: {  	_ =	sdelay $0x2  }
0x17: {  	s20 =	sshra.s32 s21, $0x2  }
0x18: {  	[tilespmem:s20+$0x2800] =	vst v0  }
0x19: {  	[tilespmem:s20+$0x3000] =	vst v1  }
0x1a: {  	[spmem:s5] =	stream.linear.scatter [tilespmem:s13], [sflag:$0x1], $0x800, $0x38;
	[tilespmem:$0x6000] =	vst v63  }
0x1b: {  	_ =	swait.ge [sflag:s12], $0x800  }
0x1c: {  	[sflag:s12] =	ssyncset.done $0x0  }
0x1d: {  	[sflag:s12] =	ssyncadd.s32 $0xFFFFF800  }
0x1e: {  	[spmem:s8] =	stream.linear.scatter [tilespmem:s13], [sflag:$0x1], $0x800, $0x38;
	[tilespmem:$0x6000] =	vst v63  }
0x1f: {  	_ =	swait.ge [sflag:s12], $0x800  }
0x20: {  	[sflag:s12] =	ssyncset.done $0x0  }
0x21: {  	[sflag:s12] =	ssyncadd.s32 $0xFFFFF800  }
0x22: {  	[spmem:s9] =	stream.linear.scatter [tilespmem:s13], [sflag:$0x1], $0x800, $0x38;
	[tilespmem:$0x6000] =	vst v63  }
0x23: {  	_ =	swait.ge [sflag:s12], $0x800  }
0x24: {  	[sflag:s12] =	ssyncset.done $0x0  }
0x25: {  	[sflag:s12] =	ssyncadd.s32 $0xFFFFF800  }
0x26: {  	[spmem:s10] =	stream.linear.scatter [tilespmem:s13], [sflag:$0x1], $0x800, $0x38;
	[tilespmem:$0x6000] =	vst v63  }
0x27: {  	_ =	swait.ge [sflag:s12], $0x800  }
0x28: {  	[sflag:s12] =	ssyncset.done $0x0  }
0x29: {  	[sflag:s12] =	ssyncadd.s32 $0xFFFFF800  }
0x2a: {  	[spmem:s11] =	stream.linear.scatter [tilespmem:s13], [sflag:$0x1], $0x800, $0x38;
	[tilespmem:$0x6000] =	vst v63  }
0x2b: {  	_ =	swait.ge [sflag:s12], $0x800  }
0x2c: {  	[sflag:s12] =	ssyncset.done $0x0  }
0x2d: {  	[sflag:s12] =	ssyncadd.s32 $0xFFFFF800  }
0x2e: {  	s19 =	simm.s32 $0x0;
	[bflag:$0x0] =	sbarrier.arrive $0xFFFF  }
0x2f: {  	[spmem:s2] =	stream.indirect.scatter.add.f32 [tilespmem:s15], [sflag:$0x1], $0x10, s19, s14, $0xb8;
	[tilespmem:$0x6000] =	vst v63  }
0x30: {  	_ =	swait.ge [sflag:s12], $0x800  }
0x31: {  	s19 =	simm.s32 $0x200;
	[sflag:s12] =	ssyncset.done $0x0  }
.LBB2_4:
0x32: {  	s20 =	sshra.s32 s19, $0x2;
	[sflag:s12] =	ssyncadd.s32 $0xFFFFF800;
	p0 =	sne.s32 s19, $0x9E00  }
0x33: {  	[spmem:s2] =	stream.indirect.scatter.add.f32 [tilespmem:s15], [sflag:$0x1], $0x10, s20, s14, $0xb8;
	[tilespmem:$0x6000] =	vst v63  }
.Ltmp1:
0x34: {  	_ = 	snop;
	(pc) =	sbr.rel @p0 .LBB2_4-.Ltmp1, $4  }
0x35: {  	_ = 	snop  }
0x36: {  	s19 =	sadd.s32 $0x200, s19  }
0x37: {  	_ =	swait.ge [sflag:s12], $0x800  }
0x38: {  	[sflag:s12] =	ssyncset.done $0x0  }
0x39: {  	s18 =	sadd.s32 $0x1, s18  }
0x3a: {  	[sflag:s12] =	ssyncadd.s32 $0xFFFFF800;
	p0 =	sne.s32 s18, s7  }
.Ltmp2:
0x3b: {  	[bflag:$0x0] =	sbarrier.arrive $0xFFFF;
	(pc) =	sbr.rel @p0 .LBB2_1-.Ltmp2, $4  }
0x3c: {  	[hbm:s6], [sflag:s16] =	dma.local [spmem:s17], $0x4F0  }
0x3d: {  	_ =	swait.ge [sflag:s12], $0x4F0  }
0x3e: {  	[sflag:s12] =	ssyncset.done $0x0  }
0x3f: {  	[sflag:s12] =	ssyncadd.s32 $0xFFFFFB10  }
0x40: {  	_ =	sfence.sel $0x180000  }
0x41: {  	[bflag:$0x0] =	sbarrier.arrive $0xFFFF  }
0x42: {  	p0 =	sne.s32 s0, $0x0;
	_ =	strace $0x90000047  }
0x43: {  	s0 =	sadd.s32 @!p0 $0x100000, s1;
	[bflag:$0x2] =	sbarrier.arrive $0xFFFF  }
0x44: {  	[sflag:s0] =	ssyncadd.tile.s32 @!p0 $0x1;
	_ =	shalt  }
.Lfunc_end2:
_tile_overlayer_lowered:
.L_overlay_start_2:
0x45: {  	(tag) =	ssettag $0x2  }
0x46: {  	s0 =	rddreg [dreg:$0x0];
	s2 =	stileid.u32  }
0x47: {  	s1 =	rddreg [dreg:$0x1];
	p0 =	sne.s32 s2, $0x0  }
0x48: {  	s3 =	rddreg [dreg:$0x2];
	[bflag:$0x3] =	sbarrier.arrive $0xFFFF;
	s2 =	simm.s32 @!p0 $0x1C01  }
0x49: {  	[timem:s3], [sflag:s2] =	dma.local @!p0 [hbm:s0], s1  }
0x4a: {  	s0 =	simm.s32 @!p0 $0x1  }
0x4b: {  	_ =	swait.ge @!p0 [sflag:s0], s1  }
0x4c: {  	s1 =	ssub.s32 @!p0 $0x0, s1;
	[sflag:s0] =	ssyncset.done @!p0 $0x0  }
0x4d: {  	[sflag:s0] =	ssyncadd.s32 @!p0 s1  }
0x4e: {  	[bflag:$0x3] =	sbarrier.arrive $0xFFFF  }
0x4f: {  	_ =	shalt  }

</sc_bundles>
